<compile_context>
chip_gen: v7x
topology: tpu7x:2x2x1
jax: 0.10.2.dev20260603
libtpu: 0.0.44.dev20260713+nightly
codegen_flags: <defaults>
</compile_context>

<pallas_src>
import functools

import jax
import jax.numpy as jnp
from jax import lax
from jax.experimental import pallas as pl
from jax.experimental.pallas import tpu as pltpu
from jax.experimental.pallas import tpu_sc as plsc

N = 10000
E = 320000
D = 128

NC = 2
NS = 16
NW = NC * NS
EPW = E // NW
C = 128
BCH = 79
BCAP = BCH * C
NP = 10240
HALF = NP // NC
ACC = 5376
GARBAGE = HALF
ZPT = ACC // NS
CPT = HALF // NS

_mesh = plsc.VectorSubcoreMesh(
    core_axis_name="c", subcore_axis_name="s", num_cores=NC, num_subcores=NS)
_sc_params = pltpu.CompilerParams(needs_layout_passes=False)



@functools.partial(
    pl.kernel,
    out_type=(
        jax.ShapeDtypeStruct((NW, 2, N), jnp.float32),
        jax.ShapeDtypeStruct((NW, 2, BCAP), jnp.int32),
        jax.ShapeDtypeStruct((NW, 2, BCAP), jnp.int32),
        jax.ShapeDtypeStruct((NW, 2, 16), jnp.int32),
    ),
    mesh=_mesh,
    compiler_params=_sc_params,
    scratch_types=[
        pltpu.VMEM((2, EPW), jnp.int32),
        pltpu.VMEM((N,), jnp.float32),
        pltpu.VMEM((N,), jnp.float32),
        pltpu.VMEM((BCAP,), jnp.int32),
        pltpu.VMEM((BCAP,), jnp.int32),
        pltpu.VMEM((BCAP,), jnp.int32),
        pltpu.VMEM((BCAP,), jnp.int32),
        pltpu.VMEM((2, 16), jnp.int32),
    ],
)
def _deg_kernel(edges_hbm, cnt_hbm, srcb_hbm, dstb_hbm, bcnt_hbm,
                idx_v, cnt_s, cnt_d, srcb0, srcb1, dstb0, dstb1, bcnt):
    cid = lax.axis_index("c")
    sid = lax.axis_index("s")
    wid = sid * NC + cid
    pltpu.sync_copy(edges_hbm.at[0, wid], idx_v.at[0])
    pltpu.sync_copy(edges_hbm.at[1, wid], idx_v.at[1])

    zeros = jnp.zeros((16,), jnp.float32)
    zeros_i = jnp.zeros((16,), jnp.int32)
    garb = jnp.full((16,), GARBAGE, jnp.int32)

    def zbody(i, carry):
        cnt_s[pl.ds(i * 16, 16)] = zeros
        cnt_d[pl.ds(i * 16, 16)] = zeros
        return carry

    lax.fori_loop(0, N // 16, zbody, 0)

    def pf(i, carry):
        srcb0[pl.ds(i * 16, 16)] = zeros_i
        srcb1[pl.ds(i * 16, 16)] = zeros_i
        dstb0[pl.ds(i * 16, 16)] = garb
        dstb1[pl.ds(i * 16, 16)] = garb
        return carry

    lax.fori_loop(0, BCAP // 16, pf, 0)

    ones = jnp.ones((16,), jnp.float32)

    def body(i, carry):
        off0, off1 = carry
        s = idx_v[0, pl.ds(i * 16, 16)]
        d = idx_v[1, pl.ds(i * 16, 16)]
        plsc.addupdate_scatter(cnt_s, [s], ones)
        plsc.addupdate_scatter(cnt_d, [d], ones)
        m0 = d < HALF
        m1 = jnp.logical_not(m0)
        plsc.store_compressed(srcb0.at[pl.ds(off0, 16)], s, mask=m0)
        plsc.store_compressed(dstb0.at[pl.ds(off0, 16)], d, mask=m0)
        plsc.store_compressed(srcb1.at[pl.ds(off1, 16)], s, mask=m1)
        plsc.store_compressed(dstb1.at[pl.ds(off1, 16)], d - HALF, mask=m1)
        n0 = jnp.sum(m0.astype(jnp.int32))
        return off0 + n0, off1 + (16 - n0)

    off0, off1 = lax.fori_loop(0, EPW // 16, body, (0, 0))

    bcnt[0, :] = jnp.full((16,), (off0 + C - 1) // C, jnp.int32)
    bcnt[1, :] = jnp.full((16,), (off1 + C - 1) // C, jnp.int32)

    pltpu.sync_copy(cnt_s, cnt_hbm.at[wid, 0])
    pltpu.sync_copy(cnt_d, cnt_hbm.at[wid, 1])
    pltpu.sync_copy(srcb0, srcb_hbm.at[wid, 0])
    pltpu.sync_copy(srcb1, srcb_hbm.at[wid, 1])
    pltpu.sync_copy(dstb0, dstb_hbm.at[wid, 0])
    pltpu.sync_copy(dstb1, dstb_hbm.at[wid, 1])
    pltpu.sync_copy(bcnt.at[0], bcnt_hbm.at[wid, 0])
    pltpu.sync_copy(bcnt.at[1], bcnt_hbm.at[wid, 1])



@functools.partial(
    pl.kernel,
    out_type=jax.ShapeDtypeStruct((NP, D), jnp.float32),
    mesh=_mesh,
    compiler_params=_sc_params,
    scratch_types=[
        pltpu.VMEM((2, BCH, C), jnp.int32),
        pltpu.VMEM((2, BCH, C), jnp.int32),
        pltpu.VMEM((2, 16), jnp.int32),
        pltpu.VMEM((C, D), jnp.float32),
        pltpu.VMEM_SHARED((ACC, D), jnp.float32),
        pltpu.SemaphoreType.DMA,
    ],
)
def _agg_kernel(u_hbm, srcb_hbm, dstb_hbm, bcnt_hbm, out_hbm,
                sidx, didx, bcnt, rows, acc, sem):
    cid = lax.axis_index("c")
    sid = lax.axis_index("s")

    for k in range(2):
        w = 2 * sid + k
        pltpu.sync_copy(srcb_hbm.at[w, cid], sidx.at[k])
        pltpu.sync_copy(dstb_hbm.at[w, cid], didx.at[k])
        pltpu.sync_copy(bcnt_hbm.at[w, cid], bcnt.at[k])

    zeros = jnp.zeros((16,), jnp.float32)

    def zb(i, carry):
        rows[i // 8, pl.ds((i % 8) * 16, 16)] = zeros
        return carry

    lax.fori_loop(0, C * (D // 16), zb, 0)
    pltpu.sync_copy(rows, acc.at[pl.ds(sid * ZPT, C)])
    pltpu.sync_copy(rows, acc.at[pl.ds(sid * ZPT + C, C)])
    pltpu.sync_copy(rows.at[pl.ds(0, ZPT - 2 * C)],
                    acc.at[pl.ds(sid * ZPT + 2 * C, ZPT - 2 * C)])
    plsc.subcore_barrier()

    for k in range(2):
        nch = jnp.max(bcnt[k, :])

        def body(i, carry):
            pltpu.sync_copy(u_hbm.at[sidx.at[k, i]], rows)
            pltpu.sync_copy(rows, acc.at[didx.at[k, i]], add=True)
            return carry

        lax.fori_loop(0, nch, body, 0)

    plsc.subcore_barrier()
    pltpu.sync_copy(
        acc.at[pl.ds(sid * CPT, CPT)],
        out_hbm.at[pl.ds(cid * HALF + sid * CPT, CPT)],
    )



def _a0_body(cnt_ref, rr_ref):
    deg = jnp.sum(cnt_ref[...], axis=0)
    rr_ref[...] = lax.rsqrt(jnp.maximum(deg, 1.0))


def _a1_body(x_ref, routc_ref, w1_ref, u_ref):
    u_ref[...] = jnp.dot(
        x_ref[...] * routc_ref[...], w1_ref[...], preferred_element_type=jnp.float32
    )


def _b_body(p_ref, rinc_ref, routc_ref, b1_ref, w2_ref, v_ref):
    agg = p_ref[...] * rinc_ref[...]
    y1 = jnp.tanh(agg + b1_ref[...])
    v_ref[...] = jnp.dot(
        y1 * routc_ref[...], w2_ref[...], preferred_element_type=jnp.float32
    )


def _c_body(p_ref, rinc_ref, b2_ref, o_ref):
    t = p_ref[...] * rinc_ref[...] + b2_ref[...]
    o_ref[...] = jnp.concatenate([t[:, D // 2:], -t[:, : D // 2]], axis=1)


_a0_call = pl.pallas_call(
    _a0_body, out_shape=jax.ShapeDtypeStruct((2, N), jnp.float32))
_a1_call = pl.pallas_call(
    _a1_body, out_shape=jax.ShapeDtypeStruct((N, D), jnp.float32))
_b_call = pl.pallas_call(
    _b_body, out_shape=jax.ShapeDtypeStruct((N, D), jnp.float32))
_c_call = pl.pallas_call(
    _c_body, out_shape=jax.ShapeDtypeStruct((N, D), jnp.float32))


def kernel(x, edge_index, W1, b1, W2, b2):
    edges2 = edge_index.reshape(2, NW, EPW)

    cnts, srcb, dstb, bcnt = _deg_kernel(edges2)
    rr = _a0_call(cnts)
    routc = rr[0].reshape(N, 1)
    rinc = rr[1].reshape(N, 1)

    srcb4 = srcb.reshape(NW, 2, BCH, C)
    dstb4 = dstb.reshape(NW, 2, BCH, C)

    u = _a1_call(x, routc, W1)
    p1 = _agg_kernel(u, srcb4, dstb4, bcnt)[:N]
    v = _b_call(p1, rinc, routc, b1.reshape(1, D), W2)
    p2 = _agg_kernel(v, srcb4, dstb4, bcnt)[:N]
    out = _c_call(p2, rinc, b2.reshape(1, D))
    return out

# --- scband reference (transcript-rebuilt; emitter-appended) ---
"""Pipeline reference for scband-dgl-hnn-43379169689826 (READ-ONLY COPY).

The authoritative reference and input builder live on the scoring server;
editing this copy changes nothing except your own understanding.
"""

import jax, jax.numpy as jnp
import numpy as np

N = 10000
E = 320000
D = 128
H = 128


def _graph_conv(x, src, dst, W, b, n_nodes):
    # DGL GraphConv with norm='both': D_out^{-1/2} A D_in^{-1/2} X W + b
    ones = jnp.ones((src.shape[0],), dtype=jnp.float32)
    deg_out = jnp.clip(jax.ops.segment_sum(ones, src, num_segments=n_nodes), 1.0)
    deg_in = jnp.clip(jax.ops.segment_sum(ones, dst, num_segments=n_nodes), 1.0)
    h = x * (deg_out ** -0.5)[:, None]
    msg = jnp.take(h, src, axis=0)
    agg = jax.ops.segment_sum(msg, dst, num_segments=n_nodes)
    agg = agg * (deg_in ** -0.5)[:, None]
    return agg @ W + b


def setup_inputs(seed: int = 0) -> dict:
    key = jax.random.key(seed)
    ks = jax.random.split(key, 6)
    x = jax.random.normal(ks[0], (N, D), dtype=jnp.float32)
    edge_index = jax.random.randint(ks[1], (2, E), 0, N, dtype=jnp.int32)
    W1 = jax.random.normal(ks[2], (D, H), dtype=jnp.float32) / np.sqrt(D)
    b1 = jnp.zeros((H,), dtype=jnp.float32)
    W2 = jax.random.normal(ks[3], (H, D), dtype=jnp.float32) / np.sqrt(H)
    b2 = jnp.zeros((D,), dtype=jnp.float32)
    return {"x": x, "edge_index": edge_index, "W1": W1, "b1": b1, "W2": W2, "b2": b2}


def reference(x, edge_index, W1, b1, W2, b2):
    src = edge_index[0]
    dst = edge_index[1]
    n_nodes = x.shape[0]
    # dHdx: layer1 -> tanh -> layer2
    y = _graph_conv(x, src, dst, W1, b1, n_nodes)
    y = jnp.tanh(y)
    y = _graph_conv(y, src, dst, W2, b2, n_nodes)
    # Symplectic matrix J: rows [I_lower; -I_upper]
    d = x.shape[1]
    I = jnp.eye(d, dtype=x.dtype)
    J = jnp.concatenate([I[d // 2:], -I[: d // 2]], axis=0)
    # get_D is undefined in the provided source; treated as zero dissipation term
    dterm = jnp.zeros_like(y)
    out = y @ J.T - dterm
    return out

if __name__ == "__main__":
    import jax
    _d = setup_inputs()
    print(jax.jit(kernel)(*tuple(_d.values())))

</pallas_src>

<mosaic_0001>
#map = affine_map<(d0, d1) -> (0, 0)>
#map1 = affine_map<(d0, d1) -> (0, 0, 0, 0)>
#map2 = affine_map<(d0, d1) -> (0, 0, 0)>
module attributes {stable_mosaic.version = 14 : i64} {
  func.func @_agg_kernel(%arg0: i32, %arg1: i32, %arg2: memref<10000x128xf32, #tpu.memory_space<hbm>>, %arg3: memref<32x2x79x128xi32, #tpu.memory_space<hbm>>, %arg4: memref<32x2x79x128xi32, #tpu.memory_space<hbm>>, %arg5: memref<32x2x16xi32, #tpu.memory_space<hbm>>, %arg6: memref<10240x128xf32, #tpu.memory_space<hbm>>, %arg7: memref<2x79x128xi32, #tpu.memory_space<vmem>>, %arg8: memref<2x79x128xi32, #tpu.memory_space<vmem>>, %arg9: memref<2x16xi32, #tpu.memory_space<vmem>>, %arg10: memref<128x128xf32, #tpu.memory_space<vmem>>, %arg11: memref<5376x128xf32, #tpu.memory_space<vmem_shared>>, %arg12: memref<!tpu.dma_semaphore, #tpu.memory_space<semaphore_mem>>) attributes {dimension_semantics = [#tpu.dimension_semantics<core_parallel>, #tpu.dimension_semantics<subcore_parallel>], iteration_bounds = array<i64: 2, 16>, scalar_prefetch = 0 : i64, scratch_operands = 6 : i64, tpu.core_type = #tpu.core_type<sc_vector_subcore>, window_params = [{transform_indices = #map}, {transform_indices = #map1}, {transform_indices = #map1}, {transform_indices = #map2}, {transform_indices = #map}]} {
    %mul3A = arith.constant 2 : i32
    %mul3A_0 = arith.muli %mul3A, %arg1 : i32
    %add3A = arith.constant 0 : i32
    %add3A_1 = arith.addi %mul3A_0, %add3A : i32
    %run_scoped3A = arith.constant 0 : i32
    "tpu.region"() ({
      %run_scoped3A_76 = tpu.sem_alloc : memref<!tpu.dma_semaphore, #tpu.memory_space<semaphore_mem>>
      %dma_start3A = arith.constant 0 : i32
      %dma_start3A_77 = arith.constant 0 : i32
      %dma_start3A_78 = tpu.memref_slice %arg7[%run_scoped3A, %dma_start3A, %dma_start3A_77] : memref<2x79x128xi32, #tpu.memory_space<vmem>> -> memref<1x79x128xi32, #tpu.memory_space<vmem>>
      %dma_start3A_79 = tpu.memref_squeeze %dma_start3A_78 : memref<1x79x128xi32, #tpu.memory_space<vmem>> -> memref<79x128xi32, #tpu.memory_space<vmem>>
      %dma_start3A_80 = arith.constant 0 : i32
      %dma_start3A_81 = arith.constant 0 : i32
      %dma_start3A_82 = tpu.memref_slice %arg3[%add3A_1, %arg0, %dma_start3A_80, %dma_start3A_81] : memref<32x2x79x128xi32, #tpu.memory_space<hbm>> -> memref<1x1x79x128xi32, #tpu.memory_space<hbm>>
      %dma_start3A_83 = tpu.memref_squeeze %dma_start3A_82 : memref<1x1x79x128xi32, #tpu.memory_space<hbm>> -> memref<79x128xi32, #tpu.memory_space<hbm>>
      %dma_start3A_84 = arith.constant 0 : i32
      %dma_start3A_85 = arith.constant 0 : i32
      %dma_start3A_86 = tpu.memref_slice %arg7[%run_scoped3A, %dma_start3A_84, %dma_start3A_85] : memref<2x79x128xi32, #tpu.memory_space<vmem>> -> memref<1x79x128xi32, #tpu.memory_space<vmem>>
      %dma_start3A_87 = tpu.memref_squeeze %dma_start3A_86 : memref<1x79x128xi32, #tpu.memory_space<vmem>> -> memref<79x128xi32, #tpu.memory_space<vmem>>
      %dma_start3A_88 = arith.constant 0 : i32
      %dma_start3A_89 = arith.constant 0 : i32
      %dma_start3A_90 = tpu.memref_slice %arg3[%add3A_1, %arg0, %dma_start3A_88, %dma_start3A_89] : memref<32x2x79x128xi32, #tpu.memory_space<hbm>> -> memref<1x1x79x128xi32, #tpu.memory_space<hbm>>
      %dma_start3A_91 = tpu.memref_squeeze %dma_start3A_90 : memref<1x1x79x128xi32, #tpu.memory_space<hbm>> -> memref<79x128xi32, #tpu.memory_space<hbm>>
      tpu.enqueue_dma source(%dma_start3A_91 : memref<79x128xi32, #tpu.memory_space<hbm>>) target(%dma_start3A_87 : memref<79x128xi32, #tpu.memory_space<vmem>>) target_semaphore(%run_scoped3A_76 : memref<!tpu.dma_semaphore, #tpu.memory_space<semaphore_mem>>)
      %dma_wait3A = arith.constant 0 : i32
      %dma_wait3A_92 = arith.constant 0 : i32
      %dma_wait3A_93 = tpu.memref_slice %arg7[%run_scoped3A, %dma_wait3A, %dma_wait3A_92] : memref<2x79x128xi32, #tpu.memory_space<vmem>> -> memref<1x79x128xi32, #tpu.memory_space<vmem>>
      %dma_wait3A_94 = tpu.memref_squeeze %dma_wait3A_93 : memref<1x79x128xi32, #tpu.memory_space<vmem>> -> memref<79x128xi32, #tpu.memory_space<vmem>>
      %dma_wait3A_95 = arith.constant 0 : i32
      %dma_wait3A_96 = arith.constant 0 : i32
      %dma_wait3A_97 = tpu.memref_slice %arg3[%add3A_1, %arg0, %dma_wait3A_95, %dma_wait3A_96] : memref<32x2x79x128xi32, #tpu.memory_space<hbm>> -> memref<1x1x79x128xi32, #tpu.memory_space<hbm>>
      %dma_wait3A_98 = tpu.memref_squeeze %dma_wait3A_97 : memref<1x1x79x128xi32, #tpu.memory_space<hbm>> -> memref<79x128xi32, #tpu.memory_space<hbm>>
      %dma_wait3A_99 = arith.constant 0 : i32
      %dma_wait3A_100 = arith.constant 0 : i32
      %dma_wait3A_101 = tpu.memref_slice %arg7[%run_scoped3A, %dma_wait3A_99, %dma_wait3A_100] : memref<2x79x128xi32, #tpu.memory_space<vmem>> -> memref<1x79x128xi32, #tpu.memory_space<vmem>>
      %dma_wait3A_102 = tpu.memref_squeeze %dma_wait3A_101 : memref<1x79x128xi32, #tpu.memory_space<vmem>> -> memref<79x128xi32, #tpu.memory_space<vmem>>
      %dma_wait3A_103 = arith.constant 0 : i32
      %dma_wait3A_104 = arith.constant 0 : i32
      %dma_wait3A_105 = tpu.memref_slice %arg3[%add3A_1, %arg0, %dma_wait3A_103, %dma_wait3A_104] : memref<32x2x79x128xi32, #tpu.memory_space<hbm>> -> memref<1x1x79x128xi32, #tpu.memory_space<hbm>>
      %dma_wait3A_106 = tpu.memref_squeeze %dma_wait3A_105 : memref<1x1x79x128xi32, #tpu.memory_space<hbm>> -> memref<79x128xi32, #tpu.memory_space<hbm>>
      tpu.wait_dma2 semaphore(%run_scoped3A_76 : memref<!tpu.dma_semaphore, #tpu.memory_space<semaphore_mem>>) src(%dma_wait3A_106 : memref<79x128xi32, #tpu.memory_space<hbm>>) dst(%dma_wait3A_102 : memref<79x128xi32, #tpu.memory_space<vmem>>)
      tpu.yield
    }) : () -> ()
    %run_scoped3A_2 = arith.constant 0 : i32
    "tpu.region"() ({
      %run_scoped3A_76 = tpu.sem_alloc : memref<!tpu.dma_semaphore, #tpu.memory_space<semaphore_mem>>
      %dma_start3A = arith.constant 0 : i32
      %dma_start3A_77 = arith.constant 0 : i32
      %dma_start3A_78 = tpu.memref_slice %arg8[%run_scoped3A_2, %dma_start3A, %dma_start3A_77] : memref<2x79x128xi32, #tpu.memory_space<vmem>> -> memref<1x79x128xi32, #tpu.memory_space<vmem>>
      %dma_start3A_79 = tpu.memref_squeeze %dma_start3A_78 : memref<1x79x128xi32, #tpu.memory_space<vmem>> -> memref<79x128xi32, #tpu.memory_space<vmem>>
      %dma_start3A_80 = arith.constant 0 : i32
      %dma_start3A_81 = arith.constant 0 : i32
      %dma_start3A_82 = tpu.memref_slice %arg4[%add3A_1, %arg0, %dma_start3A_80, %dma_start3A_81] : memref<32x2x79x128xi32, #tpu.memory_space<hbm>> -> memref<1x1x79x128xi32, #tpu.memory_space<hbm>>
      %dma_start3A_83 = tpu.memref_squeeze %dma_start3A_82 : memref<1x1x79x128xi32, #tpu.memory_space<hbm>> -> memref<79x128xi32, #tpu.memory_space<hbm>>
      %dma_start3A_84 = arith.constant 0 : i32
      %dma_start3A_85 = arith.constant 0 : i32
      %dma_start3A_86 = tpu.memref_slice %arg8[%run_scoped3A_2, %dma_start3A_84, %dma_start3A_85] : memref<2x79x128xi32, #tpu.memory_space<vmem>> -> memref<1x79x128xi32, #tpu.memory_space<vmem>>
      %dma_start3A_87 = tpu.memref_squeeze %dma_start3A_86 : memref<1x79x128xi32, #tpu.memory_space<vmem>> -> memref<79x128xi32, #tpu.memory_space<vmem>>
      %dma_start3A_88 = arith.constant 0 : i32
      %dma_start3A_89 = arith.constant 0 : i32
      %dma_start3A_90 = tpu.memref_slice %arg4[%add3A_1, %arg0, %dma_start3A_88, %dma_start3A_89] : memref<32x2x79x128xi32, #tpu.memory_space<hbm>> -> memref<1x1x79x128xi32, #tpu.memory_space<hbm>>
      %dma_start3A_91 = tpu.memref_squeeze %dma_start3A_90 : memref<1x1x79x128xi32, #tpu.memory_space<hbm>> -> memref<79x128xi32, #tpu.memory_space<hbm>>
      tpu.enqueue_dma source(%dma_start3A_91 : memref<79x128xi32, #tpu.memory_space<hbm>>) target(%dma_start3A_87 : memref<79x128xi32, #tpu.memory_space<vmem>>) target_semaphore(%run_scoped3A_76 : memref<!tpu.dma_semaphore, #tpu.memory_space<semaphore_mem>>)
      %dma_wait3A = arith.constant 0 : i32
      %dma_wait3A_92 = arith.constant 0 : i32
      %dma_wait3A_93 = tpu.memref_slice %arg8[%run_scoped3A_2, %dma_wait3A, %dma_wait3A_92] : memref<2x79x128xi32, #tpu.memory_space<vmem>> -> memref<1x79x128xi32, #tpu.memory_space<vmem>>
      %dma_wait3A_94 = tpu.memref_squeeze %dma_wait3A_93 : memref<1x79x128xi32, #tpu.memory_space<vmem>> -> memref<79x128xi32, #tpu.memory_space<vmem>>
      %dma_wait3A_95 = arith.constant 0 : i32
      %dma_wait3A_96 = arith.constant 0 : i32
      %dma_wait3A_97 = tpu.memref_slice %arg4[%add3A_1, %arg0, %dma_wait3A_95, %dma_wait3A_96] : memref<32x2x79x128xi32, #tpu.memory_space<hbm>> -> memref<1x1x79x128xi32, #tpu.memory_space<hbm>>
      %dma_wait3A_98 = tpu.memref_squeeze %dma_wait3A_97 : memref<1x1x79x128xi32, #tpu.memory_space<hbm>> -> memref<79x128xi32, #tpu.memory_space<hbm>>
      %dma_wait3A_99 = arith.constant 0 : i32
      %dma_wait3A_100 = arith.constant 0 : i32
      %dma_wait3A_101 = tpu.memref_slice %arg8[%run_scoped3A_2, %dma_wait3A_99, %dma_wait3A_100] : memref<2x79x128xi32, #tpu.memory_space<vmem>> -> memref<1x79x128xi32, #tpu.memory_space<vmem>>
      %dma_wait3A_102 = tpu.memref_squeeze %dma_wait3A_101 : memref<1x79x128xi32, #tpu.memory_space<vmem>> -> memref<79x128xi32, #tpu.memory_space<vmem>>
      %dma_wait3A_103 = arith.constant 0 : i32
      %dma_wait3A_104 = arith.constant 0 : i32
      %dma_wait3A_105 = tpu.memref_slice %arg4[%add3A_1, %arg0, %dma_wait3A_103, %dma_wait3A_104] : memref<32x2x79x128xi32, #tpu.memory_space<hbm>> -> memref<1x1x79x128xi32, #tpu.memory_space<hbm>>
      %dma_wait3A_106 = tpu.memref_squeeze %dma_wait3A_105 : memref<1x1x79x128xi32, #tpu.memory_space<hbm>> -> memref<79x128xi32, #tpu.memory_space<hbm>>
      tpu.wait_dma2 semaphore(%run_scoped3A_76 : memref<!tpu.dma_semaphore, #tpu.memory_space<semaphore_mem>>) src(%dma_wait3A_106 : memref<79x128xi32, #tpu.memory_space<hbm>>) dst(%dma_wait3A_102 : memref<79x128xi32, #tpu.memory_space<vmem>>)
      tpu.yield
    }) : () -> ()
    %run_scoped3A_3 = arith.constant 0 : i32
    "tpu.region"() ({
      %run_scoped3A_76 = tpu.sem_alloc : memref<!tpu.dma_semaphore, #tpu.memory_space<semaphore_mem>>
      %dma_start3A = arith.constant 0 : i32
      %dma_start3A_77 = tpu.memref_slice %arg9[%run_scoped3A_3, %dma_start3A] : memref<2x16xi32, #tpu.memory_space<vmem>> -> memref<1x16xi32, #tpu.memory_space<vmem>>
      %dma_start3A_78 = tpu.memref_squeeze %dma_start3A_77 : memref<1x16xi32, #tpu.memory_space<vmem>> -> memref<16xi32, #tpu.memory_space<vmem>>
      %dma_start3A_79 = arith.constant 0 : i32
      %dma_start3A_80 = tpu.memref_slice %arg5[%add3A_1, %arg0, %dma_start3A_79] : memref<32x2x16xi32, #tpu.memory_space<hbm>> -> memref<1x1x16xi32, #tpu.memory_space<hbm>>
      %dma_start3A_81 = tpu.memref_squeeze %dma_start3A_80 : memref<1x1x16xi32, #tpu.memory_space<hbm>> -> memref<16xi32, #tpu.memory_space<hbm>>
      %dma_start3A_82 = arith.constant 0 : i32
      %dma_start3A_83 = tpu.memref_slice %arg9[%run_scoped3A_3, %dma_start3A_82] : memref<2x16xi32, #tpu.memory_space<vmem>> -> memref<1x16xi32, #tpu.memory_space<vmem>>
      %dma_start3A_84 = tpu.memref_squeeze %dma_start3A_83 : memref<1x16xi32, #tpu.memory_space<vmem>> -> memref<16xi32, #tpu.memory_space<vmem>>
      %dma_start3A_85 = arith.constant 0 : i32
      %dma_start3A_86 = tpu.memref_slice %arg5[%add3A_1, %arg0, %dma_start3A_85] : memref<32x2x16xi32, #tpu.memory_space<hbm>> -> memref<1x1x16xi32, #tpu.memory_space<hbm>>
      %dma_start3A_87 = tpu.memref_squeeze %dma_start3A_86 : memref<1x1x16xi32, #tpu.memory_space<hbm>> -> memref<16xi32, #tpu.memory_space<hbm>>
      tpu.enqueue_dma source(%dma_start3A_87 : memref<16xi32, #tpu.memory_space<hbm>>) target(%dma_start3A_84 : memref<16xi32, #tpu.memory_space<vmem>>) target_semaphore(%run_scoped3A_76 : memref<!tpu.dma_semaphore, #tpu.memory_space<semaphore_mem>>)
      %dma_wait3A = arith.constant 0 : i32
      %dma_wait3A_88 = tpu.memref_slice %arg9[%run_scoped3A_3, %dma_wait3A] : memref<2x16xi32, #tpu.memory_space<vmem>> -> memref<1x16xi32, #tpu.memory_space<vmem>>
      %dma_wait3A_89 = tpu.memref_squeeze %dma_wait3A_88 : memref<1x16xi32, #tpu.memory_space<vmem>> -> memref<16xi32, #tpu.memory_space<vmem>>
      %dma_wait3A_90 = arith.constant 0 : i32
      %dma_wait3A_91 = tpu.memref_slice %arg5[%add3A_1, %arg0, %dma_wait3A_90] : memref<32x2x16xi32, #tpu.memory_space<hbm>> -> memref<1x1x16xi32, #tpu.memory_space<hbm>>
      %dma_wait3A_92 = tpu.memref_squeeze %dma_wait3A_91 : memref<1x1x16xi32, #tpu.memory_space<hbm>> -> memref<16xi32, #tpu.memory_space<hbm>>
      %dma_wait3A_93 = arith.constant 0 : i32
      %dma_wait3A_94 = tpu.memref_slice %arg9[%run_scoped3A_3, %dma_wait3A_93] : memref<2x16xi32, #tpu.memory_space<vmem>> -> memref<1x16xi32, #tpu.memory_space<vmem>>
      %dma_wait3A_95 = tpu.memref_squeeze %dma_wait3A_94 : memref<1x16xi32, #tpu.memory_space<vmem>> -> memref<16xi32, #tpu.memory_space<vmem>>
      %dma_wait3A_96 = arith.constant 0 : i32
      %dma_wait3A_97 = tpu.memref_slice %arg5[%add3A_1, %arg0, %dma_wait3A_96] : memref<32x2x16xi32, #tpu.memory_space<hbm>> -> memref<1x1x16xi32, #tpu.memory_space<hbm>>
      %dma_wait3A_98 = tpu.memref_squeeze %dma_wait3A_97 : memref<1x1x16xi32, #tpu.memory_space<hbm>> -> memref<16xi32, #tpu.memory_space<hbm>>
      tpu.wait_dma2 semaphore(%run_scoped3A_76 : memref<!tpu.dma_semaphore, #tpu.memory_space<semaphore_mem>>) src(%dma_wait3A_98 : memref<16xi32, #tpu.memory_space<hbm>>) dst(%dma_wait3A_95 : memref<16xi32, #tpu.memory_space<vmem>>)
      tpu.yield
    }) : () -> ()
    %mul3A_4 = arith.constant 2 : i32
    %mul3A_5 = arith.muli %mul3A_4, %arg1 : i32
    %add3A_6 = arith.constant 1 : i32
    %add3A_7 = arith.addi %mul3A_5, %add3A_6 : i32
    %run_scoped3A_8 = arith.constant 1 : i32
    "tpu.region"() ({
      %run_scoped3A_76 = tpu.sem_alloc : memref<!tpu.dma_semaphore, #tpu.memory_space<semaphore_mem>>
      %dma_start3A = arith.constant 0 : i32
      %dma_start3A_77 = arith.constant 0 : i32
      %dma_start3A_78 = tpu.memref_slice %arg7[%run_scoped3A_8, %dma_start3A, %dma_start3A_77] : memref<2x79x128xi32, #tpu.memory_space<vmem>> -> memref<1x79x128xi32, #tpu.memory_space<vmem>>
      %dma_start3A_79 = tpu.memref_squeeze %dma_start3A_78 : memref<1x79x128xi32, #tpu.memory_space<vmem>> -> memref<79x128xi32, #tpu.memory_space<vmem>>
      %dma_start3A_80 = arith.constant 0 : i32
      %dma_start3A_81 = arith.constant 0 : i32
      %dma_start3A_82 = tpu.memref_slice %arg3[%add3A_7, %arg0, %dma_start3A_80, %dma_start3A_81] : memref<32x2x79x128xi32, #tpu.memory_space<hbm>> -> memref<1x1x79x128xi32, #tpu.memory_space<hbm>>
      %dma_start3A_83 = tpu.memref_squeeze %dma_start3A_82 : memref<1x1x79x128xi32, #tpu.memory_space<hbm>> -> memref<79x128xi32, #tpu.memory_space<hbm>>
      %dma_start3A_84 = arith.constant 0 : i32
      %dma_start3A_85 = arith.constant 0 : i32
      %dma_start3A_86 = tpu.memref_slice %arg7[%run_scoped3A_8, %dma_start3A_84, %dma_start3A_85] : memref<2x79x128xi32, #tpu.memory_space<vmem>> -> memref<1x79x128xi32, #tpu.memory_space<vmem>>
      %dma_start3A_87 = tpu.memref_squeeze %dma_start3A_86 : memref<1x79x128xi32, #tpu.memory_space<vmem>> -> memref<79x128xi32, #tpu.memory_space<vmem>>
      %dma_start3A_88 = arith.constant 0 : i32
      %dma_start3A_89 = arith.constant 0 : i32
      %dma_start3A_90 = tpu.memref_slice %arg3[%add3A_7, %arg0, %dma_start3A_88, %dma_start3A_89] : memref<32x2x79x128xi32, #tpu.memory_space<hbm>> -> memref<1x1x79x128xi32, #tpu.memory_space<hbm>>
      %dma_start3A_91 = tpu.memref_squeeze %dma_start3A_90 : memref<1x1x79x128xi32, #tpu.memory_space<hbm>> -> memref<79x128xi32, #tpu.memory_space<hbm>>
      tpu.enqueue_dma source(%dma_start3A_91 : memref<79x128xi32, #tpu.memory_space<hbm>>) target(%dma_start3A_87 : memref<79x128xi32, #tpu.memory_space<vmem>>) target_semaphore(%run_scoped3A_76 : memref<!tpu.dma_semaphore, #tpu.memory_space<semaphore_mem>>)
      %dma_wait3A = arith.constant 0 : i32
      %dma_wait3A_92 = arith.constant 0 : i32
      %dma_wait3A_93 = tpu.memref_slice %arg7[%run_scoped3A_8, %dma_wait3A, %dma_wait3A_92] : memref<2x79x128xi32, #tpu.memory_space<vmem>> -> memref<1x79x128xi32, #tpu.memory_space<vmem>>
      %dma_wait3A_94 = tpu.memref_squeeze %dma_wait3A_93 : memref<1x79x128xi32, #tpu.memory_space<vmem>> -> memref<79x128xi32, #tpu.memory_space<vmem>>
      %dma_wait3A_95 = arith.constant 0 : i32
      %dma_wait3A_96 = arith.constant 0 : i32
      %dma_wait3A_97 = tpu.memref_slice %arg3[%add3A_7, %arg0, %dma_wait3A_95, %dma_wait3A_96] : memref<32x2x79x128xi32, #tpu.memory_space<hbm>> -> memref<1x1x79x128xi32, #tpu.memory_space<hbm>>
      %dma_wait3A_98 = tpu.memref_squeeze %dma_wait3A_97 : memref<1x1x79x128xi32, #tpu.memory_space<hbm>> -> memref<79x128xi32, #tpu.memory_space<hbm>>
      %dma_wait3A_99 = arith.constant 0 : i32
      %dma_wait3A_100 = arith.constant 0 : i32
      %dma_wait3A_101 = tpu.memref_slice %arg7[%run_scoped3A_8, %dma_wait3A_99, %dma_wait3A_100] : memref<2x79x128xi32, #tpu.memory_space<vmem>> -> memref<1x79x128xi32, #tpu.memory_space<vmem>>
      %dma_wait3A_102 = tpu.memref_squeeze %dma_wait3A_101 : memref<1x79x128xi32, #tpu.memory_space<vmem>> -> memref<79x128xi32, #tpu.memory_space<vmem>>
      %dma_wait3A_103 = arith.constant 0 : i32
      %dma_wait3A_104 = arith.constant 0 : i32
      %dma_wait3A_105 = tpu.memref_slice %arg3[%add3A_7, %arg0, %dma_wait3A_103, %dma_wait3A_104] : memref<32x2x79x128xi32, #tpu.memory_space<hbm>> -> memref<1x1x79x128xi32, #tpu.memory_space<hbm>>
      %dma_wait3A_106 = tpu.memref_squeeze %dma_wait3A_105 : memref<1x1x79x128xi32, #tpu.memory_space<hbm>> -> memref<79x128xi32, #tpu.memory_space<hbm>>
      tpu.wait_dma2 semaphore(%run_scoped3A_76 : memref<!tpu.dma_semaphore, #tpu.memory_space<semaphore_mem>>) src(%dma_wait3A_106 : memref<79x128xi32, #tpu.memory_space<hbm>>) dst(%dma_wait3A_102 : memref<79x128xi32, #tpu.memory_space<vmem>>)
      tpu.yield
    }) : () -> ()
    %run_scoped3A_9 = arith.constant 1 : i32
    "tpu.region"() ({
      %run_scoped3A_76 = tpu.sem_alloc : memref<!tpu.dma_semaphore, #tpu.memory_space<semaphore_mem>>
      %dma_start3A = arith.constant 0 : i32
      %dma_start3A_77 = arith.constant 0 : i32
      %dma_start3A_78 = tpu.memref_slice %arg8[%run_scoped3A_9, %dma_start3A, %dma_start3A_77] : memref<2x79x128xi32, #tpu.memory_space<vmem>> -> memref<1x79x128xi32, #tpu.memory_space<vmem>>
      %dma_start3A_79 = tpu.memref_squeeze %dma_start3A_78 : memref<1x79x128xi32, #tpu.memory_space<vmem>> -> memref<79x128xi32, #tpu.memory_space<vmem>>
      %dma_start3A_80 = arith.constant 0 : i32
      %dma_start3A_81 = arith.constant 0 : i32
      %dma_start3A_82 = tpu.memref_slice %arg4[%add3A_7, %arg0, %dma_start3A_80, %dma_start3A_81] : memref<32x2x79x128xi32, #tpu.memory_space<hbm>> -> memref<1x1x79x128xi32, #tpu.memory_space<hbm>>
      %dma_start3A_83 = tpu.memref_squeeze %dma_start3A_82 : memref<1x1x79x128xi32, #tpu.memory_space<hbm>> -> memref<79x128xi32, #tpu.memory_space<hbm>>
      %dma_start3A_84 = arith.constant 0 : i32
      %dma_start3A_85 = arith.constant 0 : i32
      %dma_start3A_86 = tpu.memref_slice %arg8[%run_scoped3A_9, %dma_start3A_84, %dma_start3A_85] : memref<2x79x128xi32, #tpu.memory_space<vmem>> -> memref<1x79x128xi32, #tpu.memory_space<vmem>>
      %dma_start3A_87 = tpu.memref_squeeze %dma_start3A_86 : memref<1x79x128xi32, #tpu.memory_space<vmem>> -> memref<79x128xi32, #tpu.memory_space<vmem>>
      %dma_start3A_88 = arith.constant 0 : i32
      %dma_start3A_89 = arith.constant 0 : i32
      %dma_start3A_90 = tpu.memref_slice %arg4[%add3A_7, %arg0, %dma_start3A_88, %dma_start3A_89] : memref<32x2x79x128xi32, #tpu.memory_space<hbm>> -> memref<1x1x79x128xi32, #tpu.memory_space<hbm>>
      %dma_start3A_91 = tpu.memref_squeeze %dma_start3A_90 : memref<1x1x79x128xi32, #tpu.memory_space<hbm>> -> memref<79x128xi32, #tpu.memory_space<hbm>>
      tpu.enqueue_dma source(%dma_start3A_91 : memref<79x128xi32, #tpu.memory_space<hbm>>) target(%dma_start3A_87 : memref<79x128xi32, #tpu.memory_space<vmem>>) target_semaphore(%run_scoped3A_76 : memref<!tpu.dma_semaphore, #tpu.memory_space<semaphore_mem>>)
      %dma_wait3A = arith.constant 0 : i32
      %dma_wait3A_92 = arith.constant 0 : i32
      %dma_wait3A_93 = tpu.memref_slice %arg8[%run_scoped3A_9, %dma_wait3A, %dma_wait3A_92] : memref<2x79x128xi32, #tpu.memory_space<vmem>> -> memref<1x79x128xi32, #tpu.memory_space<vmem>>
      %dma_wait3A_94 = tpu.memref_squeeze %dma_wait3A_93 : memref<1x79x128xi32, #tpu.memory_space<vmem>> -> memref<79x128xi32, #tpu.memory_space<vmem>>
      %dma_wait3A_95 = arith.constant 0 : i32
      %dma_wait3A_96 = arith.constant 0 : i32
      %dma_wait3A_97 = tpu.memref_slice %arg4[%add3A_7, %arg0, %dma_wait3A_95, %dma_wait3A_96] : memref<32x2x79x128xi32, #tpu.memory_space<hbm>> -> memref<1x1x79x128xi32, #tpu.memory_space<hbm>>
      %dma_wait3A_98 = tpu.memref_squeeze %dma_wait3A_97 : memref<1x1x79x128xi32, #tpu.memory_space<hbm>> -> memref<79x128xi32, #tpu.memory_space<hbm>>
      %dma_wait3A_99 = arith.constant 0 : i32
      %dma_wait3A_100 = arith.constant 0 : i32
      %dma_wait3A_101 = tpu.memref_slice %arg8[%run_scoped3A_9, %dma_wait3A_99, %dma_wait3A_100] : memref<2x79x128xi32, #tpu.memory_space<vmem>> -> memref<1x79x128xi32, #tpu.memory_space<vmem>>
      %dma_wait3A_102 = tpu.memref_squeeze %dma_wait3A_101 : memref<1x79x128xi32, #tpu.memory_space<vmem>> -> memref<79x128xi32, #tpu.memory_space<vmem>>
      %dma_wait3A_103 = arith.constant 0 : i32
      %dma_wait3A_104 = arith.constant 0 : i32
      %dma_wait3A_105 = tpu.memref_slice %arg4[%add3A_7, %arg0, %dma_wait3A_103, %dma_wait3A_104] : memref<32x2x79x128xi32, #tpu.memory_space<hbm>> -> memref<1x1x79x128xi32, #tpu.memory_space<hbm>>
      %dma_wait3A_106 = tpu.memref_squeeze %dma_wait3A_105 : memref<1x1x79x128xi32, #tpu.memory_space<hbm>> -> memref<79x128xi32, #tpu.memory_space<hbm>>
      tpu.wait_dma2 semaphore(%run_scoped3A_76 : memref<!tpu.dma_semaphore, #tpu.memory_space<semaphore_mem>>) src(%dma_wait3A_106 : memref<79x128xi32, #tpu.memory_space<hbm>>) dst(%dma_wait3A_102 : memref<79x128xi32, #tpu.memory_space<vmem>>)
      tpu.yield
    }) : () -> ()
    %run_scoped3A_10 = arith.constant 1 : i32
    "tpu.region"() ({
      %run_scoped3A_76 = tpu.sem_alloc : memref<!tpu.dma_semaphore, #tpu.memory_space<semaphore_mem>>
      %dma_start3A = arith.constant 0 : i32
      %dma_start3A_77 = tpu.memref_slice %arg9[%run_scoped3A_10, %dma_start3A] : memref<2x16xi32, #tpu.memory_space<vmem>> -> memref<1x16xi32, #tpu.memory_space<vmem>>
      %dma_start3A_78 = tpu.memref_squeeze %dma_start3A_77 : memref<1x16xi32, #tpu.memory_space<vmem>> -> memref<16xi32, #tpu.memory_space<vmem>>
      %dma_start3A_79 = arith.constant 0 : i32
      %dma_start3A_80 = tpu.memref_slice %arg5[%add3A_7, %arg0, %dma_start3A_79] : memref<32x2x16xi32, #tpu.memory_space<hbm>> -> memref<1x1x16xi32, #tpu.memory_space<hbm>>
      %dma_start3A_81 = tpu.memref_squeeze %dma_start3A_80 : memref<1x1x16xi32, #tpu.memory_space<hbm>> -> memref<16xi32, #tpu.memory_space<hbm>>
      %dma_start3A_82 = arith.constant 0 : i32
      %dma_start3A_83 = tpu.memref_slice %arg9[%run_scoped3A_10, %dma_start3A_82] : memref<2x16xi32, #tpu.memory_space<vmem>> -> memref<1x16xi32, #tpu.memory_space<vmem>>
      %dma_start3A_84 = tpu.memref_squeeze %dma_start3A_83 : memref<1x16xi32, #tpu.memory_space<vmem>> -> memref<16xi32, #tpu.memory_space<vmem>>
      %dma_start3A_85 = arith.constant 0 : i32
      %dma_start3A_86 = tpu.memref_slice %arg5[%add3A_7, %arg0, %dma_start3A_85] : memref<32x2x16xi32, #tpu.memory_space<hbm>> -> memref<1x1x16xi32, #tpu.memory_space<hbm>>
      %dma_start3A_87 = tpu.memref_squeeze %dma_start3A_86 : memref<1x1x16xi32, #tpu.memory_space<hbm>> -> memref<16xi32, #tpu.memory_space<hbm>>
      tpu.enqueue_dma source(%dma_start3A_87 : memref<16xi32, #tpu.memory_space<hbm>>) target(%dma_start3A_84 : memref<16xi32, #tpu.memory_space<vmem>>) target_semaphore(%run_scoped3A_76 : memref<!tpu.dma_semaphore, #tpu.memory_space<semaphore_mem>>)
      %dma_wait3A = arith.constant 0 : i32
      %dma_wait3A_88 = tpu.memref_slice %arg9[%run_scoped3A_10, %dma_wait3A] : memref<2x16xi32, #tpu.memory_space<vmem>> -> memref<1x16xi32, #tpu.memory_space<vmem>>
      %dma_wait3A_89 = tpu.memref_squeeze %dma_wait3A_88 : memref<1x16xi32, #tpu.memory_space<vmem>> -> memref<16xi32, #tpu.memory_space<vmem>>
      %dma_wait3A_90 = arith.constant 0 : i32
      %dma_wait3A_91 = tpu.memref_slice %arg5[%add3A_7, %arg0, %dma_wait3A_90] : memref<32x2x16xi32, #tpu.memory_space<hbm>> -> memref<1x1x16xi32, #tpu.memory_space<hbm>>
      %dma_wait3A_92 = tpu.memref_squeeze %dma_wait3A_91 : memref<1x1x16xi32, #tpu.memory_space<hbm>> -> memref<16xi32, #tpu.memory_space<hbm>>
      %dma_wait3A_93 = arith.constant 0 : i32
      %dma_wait3A_94 = tpu.memref_slice %arg9[%run_scoped3A_10, %dma_wait3A_93] : memref<2x16xi32, #tpu.memory_space<vmem>> -> memref<1x16xi32, #tpu.memory_space<vmem>>
      %dma_wait3A_95 = tpu.memref_squeeze %dma_wait3A_94 : memref<1x16xi32, #tpu.memory_space<vmem>> -> memref<16xi32, #tpu.memory_space<vmem>>
      %dma_wait3A_96 = arith.constant 0 : i32
      %dma_wait3A_97 = tpu.memref_slice %arg5[%add3A_7, %arg0, %dma_wait3A_96] : memref<32x2x16xi32, #tpu.memory_space<hbm>> -> memref<1x1x16xi32, #tpu.memory_space<hbm>>
      %dma_wait3A_98 = tpu.memref_squeeze %dma_wait3A_97 : memref<1x1x16xi32, #tpu.memory_space<hbm>> -> memref<16xi32, #tpu.memory_space<hbm>>
      tpu.wait_dma2 semaphore(%run_scoped3A_76 : memref<!tpu.dma_semaphore, #tpu.memory_space<semaphore_mem>>) src(%dma_wait3A_98 : memref<16xi32, #tpu.memory_space<hbm>>) dst(%dma_wait3A_95 : memref<16xi32, #tpu.memory_space<vmem>>)
      tpu.yield
    }) : () -> ()
    %broadcast_in_dim3A = arith.constant 0.000000e+00 : f32
    %broadcast_in_dim3A_11 = vector.broadcast %broadcast_in_dim3A : f32 to vector<16xf32>
    %scan3A = arith.constant 0 : i32
    %scan3A_12 = arith.constant 0 : i32
    %scan3A_13 = arith.constant 1024 : i32
    %scan3A_14 = arith.addi %scan3A_12, %scan3A_13 : i32
    %scan3A_15 = arith.constant 1 : i32
    scf.for %scan3A_76 = %scan3A_12 to %scan3A_14 step %scan3A_15  : i32 {
      %jit3A = arith.constant 8 : i32
      %div3A = arith.divsi %scan3A_76, %jit3A : i32
      %sign3A = arith.constant 0 : i32
      %sign3A_77 = arith.cmpi sgt, %scan3A_76, %sign3A : i32
      %sign3A_78 = arith.extui %sign3A_77 : i1 to i32
      %sign3A_79 = arith.constant 0 : i32
      %sign3A_80 = arith.cmpi slt, %scan3A_76, %sign3A_79 : i32
      %sign3A_81 = arith.extui %sign3A_80 : i1 to i32
      %sign3A_82 = arith.subi %sign3A_78, %sign3A_81 : i32
      %sign3A_83 = arith.constant 0 : i32
      %sign3A_84 = arith.cmpi sgt, %jit3A, %sign3A_83 : i32
      %sign3A_85 = arith.extui %sign3A_84 : i1 to i32
      %sign3A_86 = arith.constant 0 : i32
      %sign3A_87 = arith.cmpi slt, %jit3A, %sign3A_86 : i32
      %sign3A_88 = arith.extui %sign3A_87 : i1 to i32
      %sign3A_89 = arith.subi %sign3A_85, %sign3A_88 : i32
      %ne3A = arith.cmpi ne, %sign3A_82, %sign3A_89 : i32
      %rem3A = arith.remsi %scan3A_76, %jit3A : i32
      %ne3A_90 = arith.constant 0 : i32
      %ne3A_91 = arith.cmpi ne, %rem3A, %ne3A_90 : i32
      %and3A = arith.andi %ne3A, %ne3A_91 : i1
      %sub3A = arith.constant 1 : i32
      %sub3A_92 = arith.subi %div3A, %sub3A : i32
      %select_n3A = arith.select %and3A, %sub3A_92, %div3A : i32
      %jit3A_93 = arith.constant 8 : i32
      %eq3A = arith.constant 0 : i32
      %eq3A_94 = arith.cmpi eq, %jit3A_93, %eq3A : i32
      %jit3A_95 = arith.constant 1 : i32
      %select_n3A_96 = arith.select %eq3A_94, %jit3A_95, %jit3A_93 : i32
      %rem3A_97 = arith.remsi %scan3A_76, %select_n3A_96 : i32
      %ne3A_98 = arith.constant 0 : i32
      %ne3A_99 = arith.cmpi ne, %rem3A_97, %ne3A_98 : i32
      %lt3A = arith.constant 0 : i32
      %lt3A_100 = arith.cmpi slt, %rem3A_97, %lt3A : i32
      %lt3A_101 = arith.constant 0 : i32
      %lt3A_102 = arith.cmpi slt, %select_n3A_96, %lt3A_101 : i32
      %ne3A_103 = arith.xori %lt3A_100, %lt3A_102 : i1
      %and3A_104 = arith.andi %ne3A_103, %ne3A_99 : i1
      %add3A_105 = arith.addi %rem3A_97, %select_n3A_96 : i32
      %select_n3A_106 = arith.select %and3A_104, %add3A_105, %rem3A_97 : i32
      %mul3A_107 = arith.constant 16 : i32
      %mul3A_108 = arith.muli %select_n3A_106, %mul3A_107 : i32
      %swap3A = arith.index_cast %select_n3A : i32 to index
      %swap3A_109 = arith.index_cast %mul3A_108 : i32 to index
      %swap3A_110 = tpu.vector_load %arg10[%swap3A, %swap3A_109] {strides = array<i32>} : memref<128x128xf32, #tpu.memory_space<vmem>>, vector<16xf32>,
      tpu.vector_store %arg10[%swap3A, %swap3A_109], %broadcast_in_dim3A_11 {strides = array<i32>} : memref<128x128xf32, #tpu.memory_space<vmem>>, vector<16xf32>,
    }
    %scan3A_16 = arith.constant 1024 : i32
    %mul3A_17 = arith.constant 336 : i32
    %mul3A_18 = arith.muli %arg1, %mul3A_17 : i32
    "tpu.region"() ({
      %run_scoped3A_76 = tpu.sem_alloc : memref<!tpu.dma_semaphore, #tpu.memory_space<semaphore_mem>>
      %dma_start3A = arith.constant 0 : i32
      %dma_start3A_77 = tpu.memref_slice %arg11[%mul3A_18, %dma_start3A] : memref<5376x128xf32, #tpu.memory_space<vmem_shared>> -> memref<128x128xf32, #tpu.memory_space<vmem_shared>>
      %dma_start3A_78 = arith.constant 0 : i32
      %dma_start3A_79 = tpu.memref_slice %arg11[%mul3A_18, %dma_start3A_78] : memref<5376x128xf32, #tpu.memory_space<vmem_shared>> -> memref<128x128xf32, #tpu.memory_space<vmem_shared>>
      tpu.enqueue_dma source(%arg10 : memref<128x128xf32, #tpu.memory_space<vmem>>) target(%dma_start3A_79 : memref<128x128xf32, #tpu.memory_space<vmem_shared>>) target_semaphore(%run_scoped3A_76 : memref<!tpu.dma_semaphore, #tpu.memory_space<semaphore_mem>>)
      %dma_wait3A = arith.constant 0 : i32
      %dma_wait3A_80 = tpu.memref_slice %arg11[%mul3A_18, %dma_wait3A] : memref<5376x128xf32, #tpu.memory_space<vmem_shared>> -> memref<128x128xf32, #tpu.memory_space<vmem_shared>>
      %dma_wait3A_81 = arith.constant 0 : i32
      %dma_wait3A_82 = tpu.memref_slice %arg11[%mul3A_18, %dma_wait3A_81] : memref<5376x128xf32, #tpu.memory_space<vmem_shared>> -> memref<128x128xf32, #tpu.memory_space<vmem_shared>>
      tpu.wait_dma2 semaphore(%run_scoped3A_76 : memref<!tpu.dma_semaphore, #tpu.memory_space<semaphore_mem>>) src(%arg10 : memref<128x128xf32, #tpu.memory_space<vmem>>) dst(%dma_wait3A_82 : memref<128x128xf32, #tpu.memory_space<vmem_shared>>)
      tpu.yield
    }) : () -> ()
    %mul3A_19 = arith.constant 336 : i32
    %mul3A_20 = arith.muli %arg1, %mul3A_19 : i32
    %add3A_21 = arith.constant 128 : i32
    %add3A_22 = arith.addi %mul3A_20, %add3A_21 : i32
    "tpu.region"() ({
      %run_scoped3A_76 = tpu.sem_alloc : memref<!tpu.dma_semaphore, #tpu.memory_space<semaphore_mem>>
      %dma_start3A = arith.constant 0 : i32
      %dma_start3A_77 = tpu.memref_slice %arg11[%add3A_22, %dma_start3A] : memref<5376x128xf32, #tpu.memory_space<vmem_shared>> -> memref<128x128xf32, #tpu.memory_space<vmem_shared>>
      %dma_start3A_78 = arith.constant 0 : i32
      %dma_start3A_79 = tpu.memref_slice %arg11[%add3A_22, %dma_start3A_78] : memref<5376x128xf32, #tpu.memory_space<vmem_shared>> -> memref<128x128xf32, #tpu.memory_space<vmem_shared>>
      tpu.enqueue_dma source(%arg10 : memref<128x128xf32, #tpu.memory_space<vmem>>) target(%dma_start3A_79 : memref<128x128xf32, #tpu.memory_space<vmem_shared>>) target_semaphore(%run_scoped3A_76 : memref<!tpu.dma_semaphore, #tpu.memory_space<semaphore_mem>>)
      %dma_wait3A = arith.constant 0 : i32
      %dma_wait3A_80 = tpu.memref_slice %arg11[%add3A_22, %dma_wait3A] : memref<5376x128xf32, #tpu.memory_space<vmem_shared>> -> memref<128x128xf32, #tpu.memory_space<vmem_shared>>
      %dma_wait3A_81 = arith.constant 0 : i32
      %dma_wait3A_82 = tpu.memref_slice %arg11[%add3A_22, %dma_wait3A_81] : memref<5376x128xf32, #tpu.memory_space<vmem_shared>> -> memref<128x128xf32, #tpu.memory_space<vmem_shared>>
      tpu.wait_dma2 semaphore(%run_scoped3A_76 : memref<!tpu.dma_semaphore, #tpu.memory_space<semaphore_mem>>) src(%arg10 : memref<128x128xf32, #tpu.memory_space<vmem>>) dst(%dma_wait3A_82 : memref<128x128xf32, #tpu.memory_space<vmem_shared>>)
      tpu.yield
    }) : () -> ()
    %mul3A_23 = arith.constant 336 : i32
    %mul3A_24 = arith.muli %arg1, %mul3A_23 : i32
    %add3A_25 = arith.constant 256 : i32
    %add3A_26 = arith.addi %mul3A_24, %add3A_25 : i32
    "tpu.region"() ({
      %run_scoped3A_76 = tpu.sem_alloc : memref<!tpu.dma_semaphore, #tpu.memory_space<semaphore_mem>>
      %dma_start3A = arith.constant 0 : i32
      %dma_start3A_77 = arith.constant 0 : i32
      %dma_start3A_78 = tpu.memref_slice %arg10[%dma_start3A, %dma_start3A_77] : memref<128x128xf32, #tpu.memory_space<vmem>> -> memref<80x128xf32, #tpu.memory_space<vmem>>
      %dma_start3A_79 = arith.constant 0 : i32
      %dma_start3A_80 = tpu.memref_slice %arg11[%add3A_26, %dma_start3A_79] : memref<5376x128xf32, #tpu.memory_space<vmem_shared>> -> memref<80x128xf32, #tpu.memory_space<vmem_shared>>
      %dma_start3A_81 = arith.constant 0 : i32
      %dma_start3A_82 = tpu.memref_slice %arg11[%add3A_26, %dma_start3A_81] : memref<5376x128xf32, #tpu.memory_space<vmem_shared>> -> memref<80x128xf32, #tpu.memory_space<vmem_shared>>
      %dma_start3A_83 = arith.constant 0 : i32
      %dma_start3A_84 = arith.constant 0 : i32
      %dma_start3A_85 = tpu.memref_slice %arg10[%dma_start3A_83, %dma_start3A_84] : memref<128x128xf32, #tpu.memory_space<vmem>> -> memref<80x128xf32, #tpu.memory_space<vmem>>
      tpu.enqueue_dma source(%dma_start3A_85 : memref<80x128xf32, #tpu.memory_space<vmem>>) target(%dma_start3A_82 : memref<80x128xf32, #tpu.memory_space<vmem_shared>>) target_semaphore(%run_scoped3A_76 : memref<!tpu.dma_semaphore, #tpu.memory_space<semaphore_mem>>)
      %dma_wait3A = arith.constant 0 : i32
      %dma_wait3A_86 = arith.constant 0 : i32
      %dma_wait3A_87 = tpu.memref_slice %arg10[%dma_wait3A, %dma_wait3A_86] : memref<128x128xf32, #tpu.memory_space<vmem>> -> memref<80x128xf32, #tpu.memory_space<vmem>>
      %dma_wait3A_88 = arith.constant 0 : i32
      %dma_wait3A_89 = tpu.memref_slice %arg11[%add3A_26, %dma_wait3A_88] : memref<5376x128xf32, #tpu.memory_space<vmem_shared>> -> memref<80x128xf32, #tpu.memory_space<vmem_shared>>
      %dma_wait3A_90 = arith.constant 0 : i32
      %dma_wait3A_91 = tpu.memref_slice %arg11[%add3A_26, %dma_wait3A_90] : memref<5376x128xf32, #tpu.memory_space<vmem_shared>> -> memref<80x128xf32, #tpu.memory_space<vmem_shared>>
      %dma_wait3A_92 = arith.constant 0 : i32
      %dma_wait3A_93 = arith.constant 0 : i32
      %dma_wait3A_94 = tpu.memref_slice %arg10[%dma_wait3A_92, %dma_wait3A_93] : memref<128x128xf32, #tpu.memory_space<vmem>> -> memref<80x128xf32, #tpu.memory_space<vmem>>
      tpu.wait_dma2 semaphore(%run_scoped3A_76 : memref<!tpu.dma_semaphore, #tpu.memory_space<semaphore_mem>>) src(%dma_wait3A_94 : memref<80x128xf32, #tpu.memory_space<vmem>>) dst(%dma_wait3A_91 : memref<80x128xf32, #tpu.memory_space<vmem_shared>>)
      tpu.yield
    }) : () -> ()
    %barrier3A = arith.constant 0 : index
    tpu.barrier barrier_id(%barrier3A)
    %get3A = arith.constant 0 : i32
    %get3A_27 = arith.index_cast %get3A : i32 to index
    %get3A_28 = arith.constant 0 : index
    %get3A_29 = tpu.vector_load %arg9[%get3A_27, %get3A_28] {strides = array<i32>} : memref<2x16xi32, #tpu.memory_space<vmem>>, vector<16xi32>,
    %reduce_max3A = arith.constant true
    %reduce_max3A_30 = vector.broadcast %reduce_max3A : i1 to vector<16xi1>
    %reduce_max3A_31 = arith.constant -2147483648 : i32
    %reduce_max3A_32 = vector.broadcast %reduce_max3A_31 : i32 to vector<16xi32>
    %reduce_max3A_33 = arith.xori %get3A_29, %reduce_max3A_32 : vector<16xi32>
    %reduce_max3A_34 = tpu.scan <max>, %reduce_max3A_33 masked %reduce_max3A_30 : vector<16xi32>, vector<16xi1> -> vector<16xi32>
    %reduce_max3A_35 = arith.xori %reduce_max3A_34, %reduce_max3A_32 : vector<16xi32>
    %reduce_max3A_36 = vector.extract %reduce_max3A_35[15] : i32 from vector<16xi32>
    %while3A = arith.constant 0 : i32
    %while3A_37 = arith.constant 0 : i32
    %while3A_38 = arith.subi %reduce_max3A_36, %while3A_37 : i32
    %while3A_39 = arith.addi %while3A_37, %while3A_38 : i32
    %while3A_40 = arith.constant 1 : i32
    %while3A_41 = arith.divsi %while3A_38, %while3A_40 : i32
    %while3A_42 = arith.muli %while3A_41, %while3A_40 : i32
    %while3A_43 = arith.addi %while3A_37, %while3A_42 : i32
    %while3A_44 = arith.constant 1 : i32
    scf.for %while3A_76 = %while3A_37 to %while3A_43 step %while3A_44  : i32 {
      %run_scoped3A_77 = arith.constant 0 : i32
      "tpu.region"() ({
        %run_scoped3A_79 = tpu.sem_alloc : memref<!tpu.dma_semaphore, #tpu.memory_space<semaphore_mem>>
        %dma_start3A = arith.constant 0 : i32
        %dma_start3A_80 = tpu.memref_slice %arg7[%run_scoped3A_77, %while3A_76, %dma_start3A] : memref<2x79x128xi32, #tpu.memory_space<vmem>> -> memref<1x1x128xi32, #tpu.memory_space<vmem>>
        %dma_start3A_81 = tpu.memref_squeeze %dma_start3A_80 : memref<1x1x128xi32, #tpu.memory_space<vmem>> -> memref<128xi32, #tpu.memory_space<vmem>>
        %dma_start3A_82 = arith.constant 0 : i32
        %dma_start3A_83 = arith.constant 0 : i32
        %dma_start3A_84 = tpu.memref_slice %arg2[%dma_start3A_82, %dma_start3A_83] : memref<10000x128xf32, #tpu.memory_space<hbm>> -> memref<10000x128xf32, #tpu.memory_space<hbm>>
        tpu.enqueue_indirect_dma source(%dma_start3A_84 : memref<10000x128xf32, #tpu.memory_space<hbm>>) target(%arg10 : memref<128x128xf32, #tpu.memory_space<vmem>>) offsets(%dma_start3A_81 : memref<128xi32, #tpu.memory_space<vmem>>) semaphore(%run_scoped3A_79 : memref<!tpu.dma_semaphore, #tpu.memory_space<semaphore_mem>>)
        %dma_wait3A = arith.constant 0 : i32
        %dma_wait3A_85 = tpu.memref_slice %arg7[%run_scoped3A_77, %while3A_76, %dma_wait3A] : memref<2x79x128xi32, #tpu.memory_space<vmem>> -> memref<1x1x128xi32, #tpu.memory_space<vmem>>
        %dma_wait3A_86 = tpu.memref_squeeze %dma_wait3A_85 : memref<1x1x128xi32, #tpu.memory_space<vmem>> -> memref<128xi32, #tpu.memory_space<vmem>>
        %dma_wait3A_87 = arith.constant 0 : i32
        %dma_wait3A_88 = arith.constant 0 : i32
        %dma_wait3A_89 = tpu.memref_slice %arg2[%dma_wait3A_87, %dma_wait3A_88] : memref<10000x128xf32, #tpu.memory_space<hbm>> -> memref<10000x128xf32, #tpu.memory_space<hbm>>
        tpu.wait_indirect_dma semaphore(%run_scoped3A_79 : memref<!tpu.dma_semaphore, #tpu.memory_space<semaphore_mem>>) src(%dma_wait3A_89 : memref<10000x128xf32, #tpu.memory_space<hbm>>) dst(%arg10 : memref<128x128xf32, #tpu.memory_space<vmem>>)
        tpu.yield
      }) : () -> ()
      %run_scoped3A_78 = arith.constant 0 : i32
      "tpu.region"() ({
        %run_scoped3A_79 = tpu.sem_alloc : memref<!tpu.dma_semaphore, #tpu.memory_space<semaphore_mem>>
        %dma_start3A = arith.constant 0 : i32
        %dma_start3A_80 = tpu.memref_slice %arg8[%run_scoped3A_78, %while3A_76, %dma_start3A] : memref<2x79x128xi32, #tpu.memory_space<vmem>> -> memref<1x1x128xi32, #tpu.memory_space<vmem>>
        %dma_start3A_81 = tpu.memref_squeeze %dma_start3A_80 : memref<1x1x128xi32, #tpu.memory_space<vmem>> -> memref<128xi32, #tpu.memory_space<vmem>>
        %dma_start3A_82 = arith.constant 0 : i32
        %dma_start3A_83 = arith.constant 0 : i32
        %dma_start3A_84 = tpu.memref_slice %arg11[%dma_start3A_82, %dma_start3A_83] : memref<5376x128xf32, #tpu.memory_space<vmem_shared>> -> memref<5376x128xf32, #tpu.memory_space<vmem_shared>>
        tpu.enqueue_indirect_dma source(%arg10 : memref<128x128xf32, #tpu.memory_space<vmem>>) target(%dma_start3A_84 : memref<5376x128xf32, #tpu.memory_space<vmem_shared>>) offsets(%dma_start3A_81 : memref<128xi32, #tpu.memory_space<vmem>>) semaphore(%run_scoped3A_79 : memref<!tpu.dma_semaphore, #tpu.memory_space<semaphore_mem>>) {add = true}
        %dma_wait3A = arith.constant 0 : i32
        %dma_wait3A_85 = tpu.memref_slice %arg8[%run_scoped3A_78, %while3A_76, %dma_wait3A] : memref<2x79x128xi32, #tpu.memory_space<vmem>> -> memref<1x1x128xi32, #tpu.memory_space<vmem>>
        %dma_wait3A_86 = tpu.memref_squeeze %dma_wait3A_85 : memref<1x1x128xi32, #tpu.memory_space<vmem>> -> memref<128xi32, #tpu.memory_space<vmem>>
        %dma_wait3A_87 = arith.constant 0 : i32
        %dma_wait3A_88 = arith.constant 0 : i32
        %dma_wait3A_89 = tpu.memref_slice %arg11[%dma_wait3A_87, %dma_wait3A_88] : memref<5376x128xf32, #tpu.memory_space<vmem_shared>> -> memref<5376x128xf32, #tpu.memory_space<vmem_shared>>
        tpu.wait_indirect_dma semaphore(%run_scoped3A_79 : memref<!tpu.dma_semaphore, #tpu.memory_space<semaphore_mem>>) src(%arg10 : memref<128x128xf32, #tpu.memory_space<vmem>>) dst(%dma_wait3A_89 : memref<5376x128xf32, #tpu.memory_space<vmem_shared>>)
        tpu.yield
      }) : () -> ()
    }
    %while3A_45 = arith.constant 1 : i32
    scf.for %while3A_76 = %while3A_43 to %while3A_39 step %while3A_45  : i32 {
      %run_scoped3A_77 = arith.constant 0 : i32
      "tpu.region"() ({
        %run_scoped3A_79 = tpu.sem_alloc : memref<!tpu.dma_semaphore, #tpu.memory_space<semaphore_mem>>
        %dma_start3A = arith.constant 0 : i32
        %dma_start3A_80 = tpu.memref_slice %arg7[%run_scoped3A_77, %while3A_76, %dma_start3A] : memref<2x79x128xi32, #tpu.memory_space<vmem>> -> memref<1x1x128xi32, #tpu.memory_space<vmem>>
        %dma_start3A_81 = tpu.memref_squeeze %dma_start3A_80 : memref<1x1x128xi32, #tpu.memory_space<vmem>> -> memref<128xi32, #tpu.memory_space<vmem>>
        %dma_start3A_82 = arith.constant 0 : i32
        %dma_start3A_83 = arith.constant 0 : i32
        %dma_start3A_84 = tpu.memref_slice %arg2[%dma_start3A_82, %dma_start3A_83] : memref<10000x128xf32, #tpu.memory_space<hbm>> -> memref<10000x128xf32, #tpu.memory_space<hbm>>
        tpu.enqueue_indirect_dma source(%dma_start3A_84 : memref<10000x128xf32, #tpu.memory_space<hbm>>) target(%arg10 : memref<128x128xf32, #tpu.memory_space<vmem>>) offsets(%dma_start3A_81 : memref<128xi32, #tpu.memory_space<vmem>>) semaphore(%run_scoped3A_79 : memref<!tpu.dma_semaphore, #tpu.memory_space<semaphore_mem>>)
        %dma_wait3A = arith.constant 0 : i32
        %dma_wait3A_85 = tpu.memref_slice %arg7[%run_scoped3A_77, %while3A_76, %dma_wait3A] : memref<2x79x128xi32, #tpu.memory_space<vmem>> -> memref<1x1x128xi32, #tpu.memory_space<vmem>>
        %dma_wait3A_86 = tpu.memref_squeeze %dma_wait3A_85 : memref<1x1x128xi32, #tpu.memory_space<vmem>> -> memref<128xi32, #tpu.memory_space<vmem>>
        %dma_wait3A_87 = arith.constant 0 : i32
        %dma_wait3A_88 = arith.constant 0 : i32
        %dma_wait3A_89 = tpu.memref_slice %arg2[%dma_wait3A_87, %dma_wait3A_88] : memref<10000x128xf32, #tpu.memory_space<hbm>> -> memref<10000x128xf32, #tpu.memory_space<hbm>>
        tpu.wait_indirect_dma semaphore(%run_scoped3A_79 : memref<!tpu.dma_semaphore, #tpu.memory_space<semaphore_mem>>) src(%dma_wait3A_89 : memref<10000x128xf32, #tpu.memory_space<hbm>>) dst(%arg10 : memref<128x128xf32, #tpu.memory_space<vmem>>)
        tpu.yield
      }) : () -> ()
      %run_scoped3A_78 = arith.constant 0 : i32
      "tpu.region"() ({
        %run_scoped3A_79 = tpu.sem_alloc : memref<!tpu.dma_semaphore, #tpu.memory_space<semaphore_mem>>
        %dma_start3A = arith.constant 0 : i32
        %dma_start3A_80 = tpu.memref_slice %arg8[%run_scoped3A_78, %while3A_76, %dma_start3A] : memref<2x79x128xi32, #tpu.memory_space<vmem>> -> memref<1x1x128xi32, #tpu.memory_space<vmem>>
        %dma_start3A_81 = tpu.memref_squeeze %dma_start3A_80 : memref<1x1x128xi32, #tpu.memory_space<vmem>> -> memref<128xi32, #tpu.memory_space<vmem>>
        %dma_start3A_82 = arith.constant 0 : i32
        %dma_start3A_83 = arith.constant 0 : i32
        %dma_start3A_84 = tpu.memref_slice %arg11[%dma_start3A_82, %dma_start3A_83] : memref<5376x128xf32, #tpu.memory_space<vmem_shared>> -> memref<5376x128xf32, #tpu.memory_space<vmem_shared>>
        tpu.enqueue_indirect_dma source(%arg10 : memref<128x128xf32, #tpu.memory_space<vmem>>) target(%dma_start3A_84 : memref<5376x128xf32, #tpu.memory_space<vmem_shared>>) offsets(%dma_start3A_81 : memref<128xi32, #tpu.memory_space<vmem>>) semaphore(%run_scoped3A_79 : memref<!tpu.dma_semaphore, #tpu.memory_space<semaphore_mem>>) {add = true}
        %dma_wait3A = arith.constant 0 : i32
        %dma_wait3A_85 = tpu.memref_slice %arg8[%run_scoped3A_78, %while3A_76, %dma_wait3A] : memref<2x79x128xi32, #tpu.memory_space<vmem>> -> memref<1x1x128xi32, #tpu.memory_space<vmem>>
        %dma_wait3A_86 = tpu.memref_squeeze %dma_wait3A_85 : memref<1x1x128xi32, #tpu.memory_space<vmem>> -> memref<128xi32, #tpu.memory_space<vmem>>
        %dma_wait3A_87 = arith.constant 0 : i32
        %dma_wait3A_88 = arith.constant 0 : i32
        %dma_wait3A_89 = tpu.memref_slice %arg11[%dma_wait3A_87, %dma_wait3A_88] : memref<5376x128xf32, #tpu.memory_space<vmem_shared>> -> memref<5376x128xf32, #tpu.memory_space<vmem_shared>>
        tpu.wait_indirect_dma semaphore(%run_scoped3A_79 : memref<!tpu.dma_semaphore, #tpu.memory_space<semaphore_mem>>) src(%arg10 : memref<128x128xf32, #tpu.memory_space<vmem>>) dst(%dma_wait3A_89 : memref<5376x128xf32, #tpu.memory_space<vmem_shared>>)
        tpu.yield
      }) : () -> ()
    }
    %get3A_46 = arith.constant 1 : i32
    %get3A_47 = arith.index_cast %get3A_46 : i32 to index
    %get3A_48 = arith.constant 0 : index
    %get3A_49 = tpu.vector_load %arg9[%get3A_47, %get3A_48] {strides = array<i32>} : memref<2x16xi32, #tpu.memory_space<vmem>>, vector<16xi32>,
    %reduce_max3A_50 = arith.constant true
    %reduce_max3A_51 = vector.broadcast %reduce_max3A_50 : i1 to vector<16xi1>
    %reduce_max3A_52 = arith.constant -2147483648 : i32
    %reduce_max3A_53 = vector.broadcast %reduce_max3A_52 : i32 to vector<16xi32>
    %reduce_max3A_54 = arith.xori %get3A_49, %reduce_max3A_53 : vector<16xi32>
    %reduce_max3A_55 = tpu.scan <max>, %reduce_max3A_54 masked %reduce_max3A_51 : vector<16xi32>, vector<16xi1> -> vector<16xi32>
    %reduce_max3A_56 = arith.xori %reduce_max3A_55, %reduce_max3A_53 : vector<16xi32>
    %reduce_max3A_57 = vector.extract %reduce_max3A_56[15] : i32 from vector<16xi32>
    %while3A_58 = arith.constant 0 : i32
    %while3A_59 = arith.constant 0 : i32
    %while3A_60 = arith.subi %reduce_max3A_57, %while3A_59 : i32
    %while3A_61 = arith.addi %while3A_59, %while3A_60 : i32
    %while3A_62 = arith.constant 1 : i32
    %while3A_63 = arith.divsi %while3A_60, %while3A_62 : i32
    %while3A_64 = arith.muli %while3A_63, %while3A_62 : i32
    %while3A_65 = arith.addi %while3A_59, %while3A_64 : i32
    %while3A_66 = arith.constant 1 : i32
    scf.for %while3A_76 = %while3A_59 to %while3A_65 step %while3A_66  : i32 {
      %run_scoped3A_77 = arith.constant 1 : i32
      "tpu.region"() ({
        %run_scoped3A_79 = tpu.sem_alloc : memref<!tpu.dma_semaphore, #tpu.memory_space<semaphore_mem>>
        %dma_start3A = arith.constant 0 : i32
        %dma_start3A_80 = tpu.memref_slice %arg7[%run_scoped3A_77, %while3A_76, %dma_start3A] : memref<2x79x128xi32, #tpu.memory_space<vmem>> -> memref<1x1x128xi32, #tpu.memory_space<vmem>>
        %dma_start3A_81 = tpu.memref_squeeze %dma_start3A_80 : memref<1x1x128xi32, #tpu.memory_space<vmem>> -> memref<128xi32, #tpu.memory_space<vmem>>
        %dma_start3A_82 = arith.constant 0 : i32
        %dma_start3A_83 = arith.constant 0 : i32
        %dma_start3A_84 = tpu.memref_slice %arg2[%dma_start3A_82, %dma_start3A_83] : memref<10000x128xf32, #tpu.memory_space<hbm>> -> memref<10000x128xf32, #tpu.memory_space<hbm>>
        tpu.enqueue_indirect_dma source(%dma_start3A_84 : memref<10000x128xf32, #tpu.memory_space<hbm>>) target(%arg10 : memref<128x128xf32, #tpu.memory_space<vmem>>) offsets(%dma_start3A_81 : memref<128xi32, #tpu.memory_space<vmem>>) semaphore(%run_scoped3A_79 : memref<!tpu.dma_semaphore, #tpu.memory_space<semaphore_mem>>)
        %dma_wait3A = arith.constant 0 : i32
        %dma_wait3A_85 = tpu.memref_slice %arg7[%run_scoped3A_77, %while3A_76, %dma_wait3A] : memref<2x79x128xi32, #tpu.memory_space<vmem>> -> memref<1x1x128xi32, #tpu.memory_space<vmem>>
        %dma_wait3A_86 = tpu.memref_squeeze %dma_wait3A_85 : memref<1x1x128xi32, #tpu.memory_space<vmem>> -> memref<128xi32, #tpu.memory_space<vmem>>
        %dma_wait3A_87 = arith.constant 0 : i32
        %dma_wait3A_88 = arith.constant 0 : i32
        %dma_wait3A_89 = tpu.memref_slice %arg2[%dma_wait3A_87, %dma_wait3A_88] : memref<10000x128xf32, #tpu.memory_space<hbm>> -> memref<10000x128xf32, #tpu.memory_space<hbm>>
        tpu.wait_indirect_dma semaphore(%run_scoped3A_79 : memref<!tpu.dma_semaphore, #tpu.memory_space<semaphore_mem>>) src(%dma_wait3A_89 : memref<10000x128xf32, #tpu.memory_space<hbm>>) dst(%arg10 : memref<128x128xf32, #tpu.memory_space<vmem>>)
        tpu.yield
      }) : () -> ()
      %run_scoped3A_78 = arith.constant 1 : i32
      "tpu.region"() ({
        %run_scoped3A_79 = tpu.sem_alloc : memref<!tpu.dma_semaphore, #tpu.memory_space<semaphore_mem>>
        %dma_start3A = arith.constant 0 : i32
        %dma_start3A_80 = tpu.memref_slice %arg8[%run_scoped3A_78, %while3A_76, %dma_start3A] : memref<2x79x128xi32, #tpu.memory_space<vmem>> -> memref<1x1x128xi32, #tpu.memory_space<vmem>>
        %dma_start3A_81 = tpu.memref_squeeze %dma_start3A_80 : memref<1x1x128xi32, #tpu.memory_space<vmem>> -> memref<128xi32, #tpu.memory_space<vmem>>
        %dma_start3A_82 = arith.constant 0 : i32
        %dma_start3A_83 = arith.constant 0 : i32
        %dma_start3A_84 = tpu.memref_slice %arg11[%dma_start3A_82, %dma_start3A_83] : memref<5376x128xf32, #tpu.memory_space<vmem_shared>> -> memref<5376x128xf32, #tpu.memory_space<vmem_shared>>
        tpu.enqueue_indirect_dma source(%arg10 : memref<128x128xf32, #tpu.memory_space<vmem>>) target(%dma_start3A_84 : memref<5376x128xf32, #tpu.memory_space<vmem_shared>>) offsets(%dma_start3A_81 : memref<128xi32, #tpu.memory_space<vmem>>) semaphore(%run_scoped3A_79 : memref<!tpu.dma_semaphore, #tpu.memory_space<semaphore_mem>>) {add = true}
        %dma_wait3A = arith.constant 0 : i32
        %dma_wait3A_85 = tpu.memref_slice %arg8[%run_scoped3A_78, %while3A_76, %dma_wait3A] : memref<2x79x128xi32, #tpu.memory_space<vmem>> -> memref<1x1x128xi32, #tpu.memory_space<vmem>>
        %dma_wait3A_86 = tpu.memref_squeeze %dma_wait3A_85 : memref<1x1x128xi32, #tpu.memory_space<vmem>> -> memref<128xi32, #tpu.memory_space<vmem>>
        %dma_wait3A_87 = arith.constant 0 : i32
        %dma_wait3A_88 = arith.constant 0 : i32
        %dma_wait3A_89 = tpu.memref_slice %arg11[%dma_wait3A_87, %dma_wait3A_88] : memref<5376x128xf32, #tpu.memory_space<vmem_shared>> -> memref<5376x128xf32, #tpu.memory_space<vmem_shared>>
        tpu.wait_indirect_dma semaphore(%run_scoped3A_79 : memref<!tpu.dma_semaphore, #tpu.memory_space<semaphore_mem>>) src(%arg10 : memref<128x128xf32, #tpu.memory_space<vmem>>) dst(%dma_wait3A_89 : memref<5376x128xf32, #tpu.memory_space<vmem_shared>>)
        tpu.yield
      }) : () -> ()
    }
    %while3A_67 = arith.constant 1 : i32
    scf.for %while3A_76 = %while3A_65 to %while3A_61 step %while3A_67  : i32 {
      %run_scoped3A_77 = arith.constant 1 : i32
      "tpu.region"() ({
        %run_scoped3A_79 = tpu.sem_alloc : memref<!tpu.dma_semaphore, #tpu.memory_space<semaphore_mem>>
        %dma_start3A = arith.constant 0 : i32
        %dma_start3A_80 = tpu.memref_slice %arg7[%run_scoped3A_77, %while3A_76, %dma_start3A] : memref<2x79x128xi32, #tpu.memory_space<vmem>> -> memref<1x1x128xi32, #tpu.memory_space<vmem>>
        %dma_start3A_81 = tpu.memref_squeeze %dma_start3A_80 : memref<1x1x128xi32, #tpu.memory_space<vmem>> -> memref<128xi32, #tpu.memory_space<vmem>>
        %dma_start3A_82 = arith.constant 0 : i32
        %dma_start3A_83 = arith.constant 0 : i32
        %dma_start3A_84 = tpu.memref_slice %arg2[%dma_start3A_82, %dma_start3A_83] : memref<10000x128xf32, #tpu.memory_space<hbm>> -> memref<10000x128xf32, #tpu.memory_space<hbm>>
        tpu.enqueue_indirect_dma source(%dma_start3A_84 : memref<10000x128xf32, #tpu.memory_space<hbm>>) target(%arg10 : memref<128x128xf32, #tpu.memory_space<vmem>>) offsets(%dma_start3A_81 : memref<128xi32, #tpu.memory_space<vmem>>) semaphore(%run_scoped3A_79 : memref<!tpu.dma_semaphore, #tpu.memory_space<semaphore_mem>>)
        %dma_wait3A = arith.constant 0 : i32
        %dma_wait3A_85 = tpu.memref_slice %arg7[%run_scoped3A_77, %while3A_76, %dma_wait3A] : memref<2x79x128xi32, #tpu.memory_space<vmem>> -> memref<1x1x128xi32, #tpu.memory_space<vmem>>
        %dma_wait3A_86 = tpu.memref_squeeze %dma_wait3A_85 : memref<1x1x128xi32, #tpu.memory_space<vmem>> -> memref<128xi32, #tpu.memory_space<vmem>>
        %dma_wait3A_87 = arith.constant 0 : i32
        %dma_wait3A_88 = arith.constant 0 : i32
        %dma_wait3A_89 = tpu.memref_slice %arg2[%dma_wait3A_87, %dma_wait3A_88] : memref<10000x128xf32, #tpu.memory_space<hbm>> -> memref<10000x128xf32, #tpu.memory_space<hbm>>
        tpu.wait_indirect_dma semaphore(%run_scoped3A_79 : memref<!tpu.dma_semaphore, #tpu.memory_space<semaphore_mem>>) src(%dma_wait3A_89 : memref<10000x128xf32, #tpu.memory_space<hbm>>) dst(%arg10 : memref<128x128xf32, #tpu.memory_space<vmem>>)
        tpu.yield
      }) : () -> ()
      %run_scoped3A_78 = arith.constant 1 : i32
      "tpu.region"() ({
        %run_scoped3A_79 = tpu.sem_alloc : memref<!tpu.dma_semaphore, #tpu.memory_space<semaphore_mem>>
        %dma_start3A = arith.constant 0 : i32
        %dma_start3A_80 = tpu.memref_slice %arg8[%run_scoped3A_78, %while3A_76, %dma_start3A] : memref<2x79x128xi32, #tpu.memory_space<vmem>> -> memref<1x1x128xi32, #tpu.memory_space<vmem>>
        %dma_start3A_81 = tpu.memref_squeeze %dma_start3A_80 : memref<1x1x128xi32, #tpu.memory_space<vmem>> -> memref<128xi32, #tpu.memory_space<vmem>>
        %dma_start3A_82 = arith.constant 0 : i32
        %dma_start3A_83 = arith.constant 0 : i32
        %dma_start3A_84 = tpu.memref_slice %arg11[%dma_start3A_82, %dma_start3A_83] : memref<5376x128xf32, #tpu.memory_space<vmem_shared>> -> memref<5376x128xf32, #tpu.memory_space<vmem_shared>>
        tpu.enqueue_indirect_dma source(%arg10 : memref<128x128xf32, #tpu.memory_space<vmem>>) target(%dma_start3A_84 : memref<5376x128xf32, #tpu.memory_space<vmem_shared>>) offsets(%dma_start3A_81 : memref<128xi32, #tpu.memory_space<vmem>>) semaphore(%run_scoped3A_79 : memref<!tpu.dma_semaphore, #tpu.memory_space<semaphore_mem>>) {add = true}
        %dma_wait3A = arith.constant 0 : i32
        %dma_wait3A_85 = tpu.memref_slice %arg8[%run_scoped3A_78, %while3A_76, %dma_wait3A] : memref<2x79x128xi32, #tpu.memory_space<vmem>> -> memref<1x1x128xi32, #tpu.memory_space<vmem>>
        %dma_wait3A_86 = tpu.memref_squeeze %dma_wait3A_85 : memref<1x1x128xi32, #tpu.memory_space<vmem>> -> memref<128xi32, #tpu.memory_space<vmem>>
        %dma_wait3A_87 = arith.constant 0 : i32
        %dma_wait3A_88 = arith.constant 0 : i32
        %dma_wait3A_89 = tpu.memref_slice %arg11[%dma_wait3A_87, %dma_wait3A_88] : memref<5376x128xf32, #tpu.memory_space<vmem_shared>> -> memref<5376x128xf32, #tpu.memory_space<vmem_shared>>
        tpu.wait_indirect_dma semaphore(%run_scoped3A_79 : memref<!tpu.dma_semaphore, #tpu.memory_space<semaphore_mem>>) src(%arg10 : memref<128x128xf32, #tpu.memory_space<vmem>>) dst(%dma_wait3A_89 : memref<5376x128xf32, #tpu.memory_space<vmem_shared>>)
        tpu.yield
      }) : () -> ()
    }
    %barrier3A_68 = arith.constant 0 : index
    tpu.barrier barrier_id(%barrier3A_68)
    %mul3A_69 = arith.constant 320 : i32
    %mul3A_70 = arith.muli %arg1, %mul3A_69 : i32
    %mul3A_71 = arith.constant 5120 : i32
    %mul3A_72 = arith.muli %arg0, %mul3A_71 : i32
    %mul3A_73 = arith.constant 320 : i32
    %mul3A_74 = arith.muli %arg1, %mul3A_73 : i32
    %add3A_75 = arith.addi %mul3A_72, %mul3A_74 : i32
    "tpu.region"() ({
      %run_scoped3A_76 = tpu.sem_alloc : memref<!tpu.dma_semaphore, #tpu.memory_space<semaphore_mem>>
      %dma_start3A = arith.constant 0 : i32
      %dma_start3A_77 = tpu.memref_slice %arg6[%add3A_75, %dma_start3A] : memref<10240x128xf32, #tpu.memory_space<hbm>> -> memref<320x128xf32, #tpu.memory_space<hbm>>
      %dma_start3A_78 = arith.constant 0 : i32
      %dma_start3A_79 = tpu.memref_slice %arg11[%mul3A_70, %dma_start3A_78] : memref<5376x128xf32, #tpu.memory_space<vmem_shared>> -> memref<320x128xf32, #tpu.memory_space<vmem_shared>>
      tpu.enqueue_dma source(%dma_start3A_79 : memref<320x128xf32, #tpu.memory_space<vmem_shared>>) target(%dma_start3A_77 : memref<320x128xf32, #tpu.memory_space<hbm>>) target_semaphore(%run_scoped3A_76 : memref<!tpu.dma_semaphore, #tpu.memory_space<semaphore_mem>>)
      %dma_wait3A = arith.constant 0 : i32
      %dma_wait3A_80 = tpu.memref_slice %arg6[%add3A_75, %dma_wait3A] : memref<10240x128xf32, #tpu.memory_space<hbm>> -> memref<320x128xf32, #tpu.memory_space<hbm>>
      %dma_wait3A_81 = arith.constant 0 : i32
      %dma_wait3A_82 = tpu.memref_slice %arg11[%mul3A_70, %dma_wait3A_81] : memref<5376x128xf32, #tpu.memory_space<vmem_shared>> -> memref<320x128xf32, #tpu.memory_space<vmem_shared>>
      tpu.wait_dma2 semaphore(%run_scoped3A_76 : memref<!tpu.dma_semaphore, #tpu.memory_space<semaphore_mem>>) src(%dma_wait3A_82 : memref<320x128xf32, #tpu.memory_space<vmem_shared>>) dst(%dma_wait3A_80 : memref<320x128xf32, #tpu.memory_space<hbm>>)
      tpu.yield
    }) : () -> ()
    return
  }
}

#map = affine_map<(d0, d1) -> (0, 0, 0)>
module attributes {stable_mosaic.version = 14 : i64} {
  func.func @_deg_kernel(%arg0: i32, %arg1: i32, %arg2: memref<2x32x10000xi32, #tpu.memory_space<hbm>>, %arg3: memref<32x2x10000xf32, #tpu.memory_space<hbm>>, %arg4: memref<32x2x10112xi32, #tpu.memory_space<hbm>>, %arg5: memref<32x2x10112xi32, #tpu.memory_space<hbm>>, %arg6: memref<32x2x16xi32, #tpu.memory_space<hbm>>, %arg7: memref<2x10000xi32, #tpu.memory_space<vmem>>, %arg8: memref<10000xf32, #tpu.memory_space<vmem>>, %arg9: memref<10000xf32, #tpu.memory_space<vmem>>, %arg10: memref<10112xi32, #tpu.memory_space<vmem>>, %arg11: memref<10112xi32, #tpu.memory_space<vmem>>, %arg12: memref<10112xi32, #tpu.memory_space<vmem>>, %arg13: memref<10112xi32, #tpu.memory_space<vmem>>, %arg14: memref<2x16xi32, #tpu.memory_space<vmem>>) attributes {dimension_semantics = [#tpu.dimension_semantics<core_parallel>, #tpu.dimension_semantics<subcore_parallel>], iteration_bounds = array<i64: 2, 16>, scalar_prefetch = 0 : i64, scratch_operands = 8 : i64, tpu.core_type = #tpu.core_type<sc_vector_subcore>, window_params = [{transform_indices = #map}, {transform_indices = #map}, {transform_indices = #map}, {transform_indices = #map}, {transform_indices = #map}]} {
    %mul3A = arith.constant 2 : i32
    %mul3A_0 = arith.muli %arg1, %mul3A : i32
    %add3A = arith.addi %mul3A_0, %arg0 : i32
    %run_scoped3A = arith.constant 0 : i32
    %run_scoped3A_1 = arith.constant 0 : i32
    "tpu.region"() ({
      %run_scoped3A_97 = tpu.sem_alloc : memref<!tpu.dma_semaphore, #tpu.memory_space<semaphore_mem>>
      %dma_start3A = arith.constant 0 : i32
      %dma_start3A_98 = tpu.memref_slice %arg7[%run_scoped3A_1, %dma_start3A] : memref<2x10000xi32, #tpu.memory_space<vmem>> -> memref<1x10000xi32, #tpu.memory_space<vmem>>
      %dma_start3A_99 = tpu.memref_squeeze %dma_start3A_98 : memref<1x10000xi32, #tpu.memory_space<vmem>> -> memref<10000xi32, #tpu.memory_space<vmem>>
      %dma_start3A_100 = arith.constant 0 : i32
      %dma_start3A_101 = tpu.memref_slice %arg2[%run_scoped3A, %add3A, %dma_start3A_100] : memref<2x32x10000xi32, #tpu.memory_space<hbm>> -> memref<1x1x10000xi32, #tpu.memory_space<hbm>>
      %dma_start3A_102 = tpu.memref_squeeze %dma_start3A_101 : memref<1x1x10000xi32, #tpu.memory_space<hbm>> -> memref<10000xi32, #tpu.memory_space<hbm>>
      %dma_start3A_103 = arith.constant 0 : i32
      %dma_start3A_104 = tpu.memref_slice %arg7[%run_scoped3A_1, %dma_start3A_103] : memref<2x10000xi32, #tpu.memory_space<vmem>> -> memref<1x10000xi32, #tpu.memory_space<vmem>>
      %dma_start3A_105 = tpu.memref_squeeze %dma_start3A_104 : memref<1x10000xi32, #tpu.memory_space<vmem>> -> memref<10000xi32, #tpu.memory_space<vmem>>
      %dma_start3A_106 = arith.constant 0 : i32
      %dma_start3A_107 = tpu.memref_slice %arg2[%run_scoped3A, %add3A, %dma_start3A_106] : memref<2x32x10000xi32, #tpu.memory_space<hbm>> -> memref<1x1x10000xi32, #tpu.memory_space<hbm>>
      %dma_start3A_108 = tpu.memref_squeeze %dma_start3A_107 : memref<1x1x10000xi32, #tpu.memory_space<hbm>> -> memref<10000xi32, #tpu.memory_space<hbm>>
      tpu.enqueue_dma source(%dma_start3A_108 : memref<10000xi32, #tpu.memory_space<hbm>>) target(%dma_start3A_105 : memref<10000xi32, #tpu.memory_space<vmem>>) target_semaphore(%run_scoped3A_97 : memref<!tpu.dma_semaphore, #tpu.memory_space<semaphore_mem>>)
      %dma_wait3A = arith.constant 0 : i32
      %dma_wait3A_109 = tpu.memref_slice %arg7[%run_scoped3A_1, %dma_wait3A] : memref<2x10000xi32, #tpu.memory_space<vmem>> -> memref<1x10000xi32, #tpu.memory_space<vmem>>
      %dma_wait3A_110 = tpu.memref_squeeze %dma_wait3A_109 : memref<1x10000xi32, #tpu.memory_space<vmem>> -> memref<10000xi32, #tpu.memory_space<vmem>>
      %dma_wait3A_111 = arith.constant 0 : i32
      %dma_wait3A_112 = tpu.memref_slice %arg2[%run_scoped3A, %add3A, %dma_wait3A_111] : memref<2x32x10000xi32, #tpu.memory_space<hbm>> -> memref<1x1x10000xi32, #tpu.memory_space<hbm>>
      %dma_wait3A_113 = tpu.memref_squeeze %dma_wait3A_112 : memref<1x1x10000xi32, #tpu.memory_space<hbm>> -> memref<10000xi32, #tpu.memory_space<hbm>>
      %dma_wait3A_114 = arith.constant 0 : i32
      %dma_wait3A_115 = tpu.memref_slice %arg7[%run_scoped3A_1, %dma_wait3A_114] : memref<2x10000xi32, #tpu.memory_space<vmem>> -> memref<1x10000xi32, #tpu.memory_space<vmem>>
      %dma_wait3A_116 = tpu.memref_squeeze %dma_wait3A_115 : memref<1x10000xi32, #tpu.memory_space<vmem>> -> memref<10000xi32, #tpu.memory_space<vmem>>
      %dma_wait3A_117 = arith.constant 0 : i32
      %dma_wait3A_118 = tpu.memref_slice %arg2[%run_scoped3A, %add3A, %dma_wait3A_117] : memref<2x32x10000xi32, #tpu.memory_space<hbm>> -> memref<1x1x10000xi32, #tpu.memory_space<hbm>>
      %dma_wait3A_119 = tpu.memref_squeeze %dma_wait3A_118 : memref<1x1x10000xi32, #tpu.memory_space<hbm>> -> memref<10000xi32, #tpu.memory_space<hbm>>
      tpu.wait_dma2 semaphore(%run_scoped3A_97 : memref<!tpu.dma_semaphore, #tpu.memory_space<semaphore_mem>>) src(%dma_wait3A_119 : memref<10000xi32, #tpu.memory_space<hbm>>) dst(%dma_wait3A_116 : memref<10000xi32, #tpu.memory_space<vmem>>)
      tpu.yield
    }) : () -> ()
    %run_scoped3A_2 = arith.constant 1 : i32
    %run_scoped3A_3 = arith.constant 1 : i32
    "tpu.region"() ({
      %run_scoped3A_97 = tpu.sem_alloc : memref<!tpu.dma_semaphore, #tpu.memory_space<semaphore_mem>>
      %dma_start3A = arith.constant 0 : i32
      %dma_start3A_98 = tpu.memref_slice %arg7[%run_scoped3A_3, %dma_start3A] : memref<2x10000xi32, #tpu.memory_space<vmem>> -> memref<1x10000xi32, #tpu.memory_space<vmem>>
      %dma_start3A_99 = tpu.memref_squeeze %dma_start3A_98 : memref<1x10000xi32, #tpu.memory_space<vmem>> -> memref<10000xi32, #tpu.memory_space<vmem>>
      %dma_start3A_100 = arith.constant 0 : i32
      %dma_start3A_101 = tpu.memref_slice %arg2[%run_scoped3A_2, %add3A, %dma_start3A_100] : memref<2x32x10000xi32, #tpu.memory_space<hbm>> -> memref<1x1x10000xi32, #tpu.memory_space<hbm>>
      %dma_start3A_102 = tpu.memref_squeeze %dma_start3A_101 : memref<1x1x10000xi32, #tpu.memory_space<hbm>> -> memref<10000xi32, #tpu.memory_space<hbm>>
      %dma_start3A_103 = arith.constant 0 : i32
      %dma_start3A_104 = tpu.memref_slice %arg7[%run_scoped3A_3, %dma_start3A_103] : memref<2x10000xi32, #tpu.memory_space<vmem>> -> memref<1x10000xi32, #tpu.memory_space<vmem>>
      %dma_start3A_105 = tpu.memref_squeeze %dma_start3A_104 : memref<1x10000xi32, #tpu.memory_space<vmem>> -> memref<10000xi32, #tpu.memory_space<vmem>>
      %dma_start3A_106 = arith.constant 0 : i32
      %dma_start3A_107 = tpu.memref_slice %arg2[%run_scoped3A_2, %add3A, %dma_start3A_106] : memref<2x32x10000xi32, #tpu.memory_space<hbm>> -> memref<1x1x10000xi32, #tpu.memory_space<hbm>>
      %dma_start3A_108 = tpu.memref_squeeze %dma_start3A_107 : memref<1x1x10000xi32, #tpu.memory_space<hbm>> -> memref<10000xi32, #tpu.memory_space<hbm>>
      tpu.enqueue_dma source(%dma_start3A_108 : memref<10000xi32, #tpu.memory_space<hbm>>) target(%dma_start3A_105 : memref<10000xi32, #tpu.memory_space<vmem>>) target_semaphore(%run_scoped3A_97 : memref<!tpu.dma_semaphore, #tpu.memory_space<semaphore_mem>>)
      %dma_wait3A = arith.constant 0 : i32
      %dma_wait3A_109 = tpu.memref_slice %arg7[%run_scoped3A_3, %dma_wait3A] : memref<2x10000xi32, #tpu.memory_space<vmem>> -> memref<1x10000xi32, #tpu.memory_space<vmem>>
      %dma_wait3A_110 = tpu.memref_squeeze %dma_wait3A_109 : memref<1x10000xi32, #tpu.memory_space<vmem>> -> memref<10000xi32, #tpu.memory_space<vmem>>
      %dma_wait3A_111 = arith.constant 0 : i32
      %dma_wait3A_112 = tpu.memref_slice %arg2[%run_scoped3A_2, %add3A, %dma_wait3A_111] : memref<2x32x10000xi32, #tpu.memory_space<hbm>> -> memref<1x1x10000xi32, #tpu.memory_space<hbm>>
      %dma_wait3A_113 = tpu.memref_squeeze %dma_wait3A_112 : memref<1x1x10000xi32, #tpu.memory_space<hbm>> -> memref<10000xi32, #tpu.memory_space<hbm>>
      %dma_wait3A_114 = arith.constant 0 : i32
      %dma_wait3A_115 = tpu.memref_slice %arg7[%run_scoped3A_3, %dma_wait3A_114] : memref<2x10000xi32, #tpu.memory_space<vmem>> -> memref<1x10000xi32, #tpu.memory_space<vmem>>
      %dma_wait3A_116 = tpu.memref_squeeze %dma_wait3A_115 : memref<1x10000xi32, #tpu.memory_space<vmem>> -> memref<10000xi32, #tpu.memory_space<vmem>>
      %dma_wait3A_117 = arith.constant 0 : i32
      %dma_wait3A_118 = tpu.memref_slice %arg2[%run_scoped3A_2, %add3A, %dma_wait3A_117] : memref<2x32x10000xi32, #tpu.memory_space<hbm>> -> memref<1x1x10000xi32, #tpu.memory_space<hbm>>
      %dma_wait3A_119 = tpu.memref_squeeze %dma_wait3A_118 : memref<1x1x10000xi32, #tpu.memory_space<hbm>> -> memref<10000xi32, #tpu.memory_space<hbm>>
      tpu.wait_dma2 semaphore(%run_scoped3A_97 : memref<!tpu.dma_semaphore, #tpu.memory_space<semaphore_mem>>) src(%dma_wait3A_119 : memref<10000xi32, #tpu.memory_space<hbm>>) dst(%dma_wait3A_116 : memref<10000xi32, #tpu.memory_space<vmem>>)
      tpu.yield
    }) : () -> ()
    %broadcast_in_dim3A = arith.constant 0.000000e+00 : f32
    %broadcast_in_dim3A_4 = vector.broadcast %broadcast_in_dim3A : f32 to vector<16xf32>
    %broadcast_in_dim3A_5 = arith.constant 0 : i32
    %broadcast_in_dim3A_6 = vector.broadcast %broadcast_in_dim3A_5 : i32 to vector<16xi32>
    %broadcast_in_dim3A_7 = arith.constant 5120 : i32
    %broadcast_in_dim3A_8 = vector.broadcast %broadcast_in_dim3A_7 : i32 to vector<16xi32>
    %scan3A = arith.constant 0 : i32
    %scan3A_9 = arith.constant 0 : i32
    %scan3A_10 = arith.constant 625 : i32
    %scan3A_11 = arith.addi %scan3A_9, %scan3A_10 : i32
    %scan3A_12 = arith.constant 1 : i32
    scf.for %scan3A_97 = %scan3A_9 to %scan3A_11 step %scan3A_12  : i32 {
      %mul3A_98 = arith.constant 16 : i32
      %mul3A_99 = arith.muli %scan3A_97, %mul3A_98 : i32
      %swap3A_100 = arith.index_cast %mul3A_99 : i32 to index
      %swap3A_101 = tpu.vector_load %arg8[%swap3A_100] {strides = array<i32>} : memref<10000xf32, #tpu.memory_space<vmem>>, vector<16xf32>,
      tpu.vector_store %arg8[%swap3A_100], %broadcast_in_dim3A_4 {strides = array<i32>} : memref<10000xf32, #tpu.memory_space<vmem>>, vector<16xf32>,
      %mul3A_102 = arith.constant 16 : i32
      %mul3A_103 = arith.muli %scan3A_97, %mul3A_102 : i32
      %swap3A_104 = arith.index_cast %mul3A_103 : i32 to index
      %swap3A_105 = tpu.vector_load %arg9[%swap3A_104] {strides = array<i32>} : memref<10000xf32, #tpu.memory_space<vmem>>, vector<16xf32>,
      tpu.vector_store %arg9[%swap3A_104], %broadcast_in_dim3A_4 {strides = array<i32>} : memref<10000xf32, #tpu.memory_space<vmem>>, vector<16xf32>,
    }
    %scan3A_13 = arith.constant 625 : i32
    %scan3A_14 = arith.constant 0 : i32
    %scan3A_15 = arith.constant 0 : i32
    %scan3A_16 = arith.constant 632 : i32
    %scan3A_17 = arith.addi %scan3A_15, %scan3A_16 : i32
    %scan3A_18 = arith.constant 1 : i32
    scf.for %scan3A_97 = %scan3A_15 to %scan3A_17 step %scan3A_18  : i32 {
      %mul3A_98 = arith.constant 16 : i32
      %mul3A_99 = arith.muli %scan3A_97, %mul3A_98 : i32
      %swap3A_100 = arith.index_cast %mul3A_99 : i32 to index
      %swap3A_101 = tpu.vector_load %arg10[%swap3A_100] {strides = array<i32>} : memref<10112xi32, #tpu.memory_space<vmem>>, vector<16xi32>,
      tpu.vector_store %arg10[%swap3A_100], %broadcast_in_dim3A_6 {strides = array<i32>} : memref<10112xi32, #tpu.memory_space<vmem>>, vector<16xi32>,
      %mul3A_102 = arith.constant 16 : i32
      %mul3A_103 = arith.muli %scan3A_97, %mul3A_102 : i32
      %swap3A_104 = arith.index_cast %mul3A_103 : i32 to index
      %swap3A_105 = tpu.vector_load %arg11[%swap3A_104] {strides = array<i32>} : memref<10112xi32, #tpu.memory_space<vmem>>, vector<16xi32>,
      tpu.vector_store %arg11[%swap3A_104], %broadcast_in_dim3A_6 {strides = array<i32>} : memref<10112xi32, #tpu.memory_space<vmem>>, vector<16xi32>,
      %mul3A_106 = arith.constant 16 : i32
      %mul3A_107 = arith.muli %scan3A_97, %mul3A_106 : i32
      %swap3A_108 = arith.index_cast %mul3A_107 : i32 to index
      %swap3A_109 = tpu.vector_load %arg12[%swap3A_108] {strides = array<i32>} : memref<10112xi32, #tpu.memory_space<vmem>>, vector<16xi32>,
      tpu.vector_store %arg12[%swap3A_108], %broadcast_in_dim3A_8 {strides = array<i32>} : memref<10112xi32, #tpu.memory_space<vmem>>, vector<16xi32>,
      %mul3A_110 = arith.constant 16 : i32
      %mul3A_111 = arith.muli %scan3A_97, %mul3A_110 : i32
      %swap3A_112 = arith.index_cast %mul3A_111 : i32 to index
      %swap3A_113 = tpu.vector_load %arg13[%swap3A_112] {strides = array<i32>} : memref<10112xi32, #tpu.memory_space<vmem>>, vector<16xi32>,
      tpu.vector_store %arg13[%swap3A_112], %broadcast_in_dim3A_8 {strides = array<i32>} : memref<10112xi32, #tpu.memory_space<vmem>>, vector<16xi32>,
    }
    %scan3A_19 = arith.constant 632 : i32
    %broadcast_in_dim3A_20 = arith.constant 1.000000e+00 : f32
    %broadcast_in_dim3A_21 = vector.broadcast %broadcast_in_dim3A_20 : f32 to vector<16xf32>
    %scan3A_22 = arith.constant 0 : i32
    %scan3A_23 = arith.constant 0 : i32
    %scan3A_24 = arith.constant 0 : i32
    %scan3A_25 = arith.constant 625 : i32
    %scan3A_26 = arith.addi %scan3A_24, %scan3A_25 : i32
    %scan3A_27 = arith.constant 1 : i32
    %scan3A_28:2 = scf.for %scan3A_97 = %scan3A_24 to %scan3A_26 step %scan3A_27 iter_args(%scan3A_98 = %scan3A_22, %scan3A_99 = %scan3A_23) -> (i32, i32)  : i32 {
      %mul3A_100 = arith.constant 16 : i32
      %mul3A_101 = arith.muli %scan3A_97, %mul3A_100 : i32
      %get3A = arith.constant 0 : i32
      %get3A_102 = arith.index_cast %get3A : i32 to index
      %get3A_103 = arith.index_cast %mul3A_101 : i32 to index
      %get3A_104 = tpu.vector_load %arg7[%get3A_102, %get3A_103] {strides = array<i32>} : memref<2x10000xi32, #tpu.memory_space<vmem>>, vector<16xi32>,
      %mul3A_105 = arith.constant 16 : i32
      %mul3A_106 = arith.muli %scan3A_97, %mul3A_105 : i32
      %get3A_107 = arith.constant 1 : i32
      %get3A_108 = arith.index_cast %get3A_107 : i32 to index
      %get3A_109 = arith.index_cast %mul3A_106 : i32 to index
      %get3A_110 = tpu.vector_load %arg7[%get3A_108, %get3A_109] {strides = array<i32>} : memref<2x10000xi32, #tpu.memory_space<vmem>>, vector<16xi32>,
      tpu.vector_store_idx %arg8[%get3A_104], %broadcast_in_dim3A_21 {add = true} : memref<10000xf32, #tpu.memory_space<vmem>>[vector<16xi32>], vector<16xf32>,
      tpu.vector_store_idx %arg9[%get3A_110], %broadcast_in_dim3A_21 {add = true} : memref<10000xf32, #tpu.memory_space<vmem>>[vector<16xi32>], vector<16xf32>,
      %lt3A = arith.constant 5120 : i32
      %lt3A_111 = vector.broadcast %lt3A : i32 to vector<16xi32>
      %lt3A_112 = arith.cmpi slt, %get3A_110, %lt3A_111 : vector<16xi32>
      %not3A = arith.constant dense<true> : vector<16xi1>
      %not3A_113 = arith.xori %lt3A_112, %not3A : vector<16xi1>
      %swap3A_114 = arith.index_cast %scan3A_98 : i32 to index
      %swap3A_115 = tpu.vector_load %arg10[%swap3A_114] masked %lt3A_112 {strides = array<i32>} : memref<10112xi32, #tpu.memory_space<vmem>>, vector<16xi32>, vector<16xi1>
      tpu.vector_store %arg10[%swap3A_114], %get3A_104 masked %lt3A_112 {strides = array<i32>} : memref<10112xi32, #tpu.memory_space<vmem>>, vector<16xi32>, vector<16xi1>
      %swap3A_116 = arith.index_cast %scan3A_98 : i32 to index
      %swap3A_117 = tpu.vector_load %arg12[%swap3A_116] masked %lt3A_112 {strides = array<i32>} : memref<10112xi32, #tpu.memory_space<vmem>>, vector<16xi32>, vector<16xi1>
      tpu.vector_store %arg12[%swap3A_116], %get3A_110 masked %lt3A_112 {strides = array<i32>} : memref<10112xi32, #tpu.memory_space<vmem>>, vector<16xi32>, vector<16xi1>
      %swap3A_118 = arith.index_cast %scan3A_99 : i32 to index
      %swap3A_119 = tpu.vector_load %arg11[%swap3A_118] masked %not3A_113 {strides = array<i32>} : memref<10112xi32, #tpu.memory_space<vmem>>, vector<16xi32>, vector<16xi1>
      tpu.vector_store %arg11[%swap3A_118], %get3A_104 masked %not3A_113 {strides = array<i32>} : memref<10112xi32, #tpu.memory_space<vmem>>, vector<16xi32>, vector<16xi1>
      %sub3A_120 = arith.constant 5120 : i32
      %sub3A_121 = vector.broadcast %sub3A_120 : i32 to vector<16xi32>
      %sub3A_122 = arith.subi %get3A_110, %sub3A_121 : vector<16xi32>
      %swap3A_123 = arith.index_cast %scan3A_99 : i32 to index
      %swap3A_124 = tpu.vector_load %arg13[%swap3A_123] masked %not3A_113 {strides = array<i32>} : memref<10112xi32, #tpu.memory_space<vmem>>, vector<16xi32>, vector<16xi1>
      tpu.vector_store %arg13[%swap3A_123], %sub3A_122 masked %not3A_113 {strides = array<i32>} : memref<10112xi32, #tpu.memory_space<vmem>>, vector<16xi32>, vector<16xi1>
      %convert_element_type3A = arith.extui %lt3A_112 : vector<16xi1> to vector<16xi32>
      %reduce_sum3A = arith.constant true
      %reduce_sum3A_125 = vector.broadcast %reduce_sum3A : i1 to vector<16xi1>
      %reduce_sum3A_126 = tpu.scan <sum>, %convert_element_type3A masked %reduce_sum3A_125 : vector<16xi32>, vector<16xi1> -> vector<16xi32>
      %reduce_sum3A_127 = vector.extract %reduce_sum3A_126[15] : i32 from vector<16xi32>
      %add3A_128 = arith.addi %scan3A_98, %reduce_sum3A_127 : i32
      %sub3A_129 = arith.constant 16 : i32
      %sub3A_130 = arith.subi %sub3A_129, %reduce_sum3A_127 : i32
      %add3A_131 = arith.addi %scan3A_99, %sub3A_130 : i32
      scf.yield %add3A_128, %add3A_131 : i32, i32
    }
    %scan3A_29 = arith.constant 625 : i32
    %add3A_30 = arith.constant 128 : i32
    %add3A_31 = arith.addi %scan3A_28#0, %add3A_30 : i32
    %sub3A = arith.constant 1 : i32
    %sub3A_32 = arith.subi %add3A_31, %sub3A : i32
    %jit3A = arith.constant 128 : i32
    %div3A = arith.divsi %sub3A_32, %jit3A : i32
    %sign3A = arith.constant 0 : i32
    %sign3A_33 = arith.cmpi sgt, %sub3A_32, %sign3A : i32
    %sign3A_34 = arith.extui %sign3A_33 : i1 to i32
    %sign3A_35 = arith.constant 0 : i32
    %sign3A_36 = arith.cmpi slt, %sub3A_32, %sign3A_35 : i32
    %sign3A_37 = arith.extui %sign3A_36 : i1 to i32
    %sign3A_38 = arith.subi %sign3A_34, %sign3A_37 : i32
    %sign3A_39 = arith.constant 0 : i32
    %sign3A_40 = arith.cmpi sgt, %jit3A, %sign3A_39 : i32
    %sign3A_41 = arith.extui %sign3A_40 : i1 to i32
    %sign3A_42 = arith.constant 0 : i32
    %sign3A_43 = arith.cmpi slt, %jit3A, %sign3A_42 : i32
    %sign3A_44 = arith.extui %sign3A_43 : i1 to i32
    %sign3A_45 = arith.subi %sign3A_41, %sign3A_44 : i32
    %ne3A = arith.cmpi ne, %sign3A_38, %sign3A_45 : i32
    %rem3A = arith.remsi %sub3A_32, %jit3A : i32
    %ne3A_46 = arith.constant 0 : i32
    %ne3A_47 = arith.cmpi ne, %rem3A, %ne3A_46 : i32
    %and3A = arith.andi %ne3A, %ne3A_47 : i1
    %sub3A_48 = arith.constant 1 : i32
    %sub3A_49 = arith.subi %div3A, %sub3A_48 : i32
    %select_n3A = arith.select %and3A, %sub3A_49, %div3A : i32
    %broadcast_in_dim3A_50 = vector.broadcast %select_n3A : i32 to vector<16xi32>
    %swap3A = arith.constant 0 : i32
    %swap3A_51 = arith.index_cast %swap3A : i32 to index
    %swap3A_52 = arith.constant 0 : index
    %swap3A_53 = tpu.vector_load %arg14[%swap3A_51, %swap3A_52] {strides = array<i32>} : memref<2x16xi32, #tpu.memory_space<vmem>>, vector<16xi32>,
    tpu.vector_store %arg14[%swap3A_51, %swap3A_52], %broadcast_in_dim3A_50 {strides = array<i32>} : memref<2x16xi32, #tpu.memory_space<vmem>>, vector<16xi32>,
    %add3A_54 = arith.constant 128 : i32
    %add3A_55 = arith.addi %scan3A_28#1, %add3A_54 : i32
    %sub3A_56 = arith.constant 1 : i32
    %sub3A_57 = arith.subi %add3A_55, %sub3A_56 : i32
    %jit3A_58 = arith.constant 128 : i32
    %div3A_59 = arith.divsi %sub3A_57, %jit3A_58 : i32
    %sign3A_60 = arith.constant 0 : i32
    %sign3A_61 = arith.cmpi sgt, %sub3A_57, %sign3A_60 : i32
    %sign3A_62 = arith.extui %sign3A_61 : i1 to i32
    %sign3A_63 = arith.constant 0 : i32
    %sign3A_64 = arith.cmpi slt, %sub3A_57, %sign3A_63 : i32
    %sign3A_65 = arith.extui %sign3A_64 : i1 to i32
    %sign3A_66 = arith.subi %sign3A_62, %sign3A_65 : i32
    %sign3A_67 = arith.constant 0 : i32
    %sign3A_68 = arith.cmpi sgt, %jit3A_58, %sign3A_67 : i32
    %sign3A_69 = arith.extui %sign3A_68 : i1 to i32
    %sign3A_70 = arith.constant 0 : i32
    %sign3A_71 = arith.cmpi slt, %jit3A_58, %sign3A_70 : i32
    %sign3A_72 = arith.extui %sign3A_71 : i1 to i32
    %sign3A_73 = arith.subi %sign3A_69, %sign3A_72 : i32
    %ne3A_74 = arith.cmpi ne, %sign3A_66, %sign3A_73 : i32
    %rem3A_75 = arith.remsi %sub3A_57, %jit3A_58 : i32
    %ne3A_76 = arith.constant 0 : i32
    %ne3A_77 = arith.cmpi ne, %rem3A_75, %ne3A_76 : i32
    %and3A_78 = arith.andi %ne3A_74, %ne3A_77 : i1
    %sub3A_79 = arith.constant 1 : i32
    %sub3A_80 = arith.subi %div3A_59, %sub3A_79 : i32
    %select_n3A_81 = arith.select %and3A_78, %sub3A_80, %div3A_59 : i32
    %broadcast_in_dim3A_82 = vector.broadcast %select_n3A_81 : i32 to vector<16xi32>
    %swap3A_83 = arith.constant 1 : i32
    %swap3A_84 = arith.index_cast %swap3A_83 : i32 to index
    %swap3A_85 = arith.constant 0 : index
    %swap3A_86 = tpu.vector_load %arg14[%swap3A_84, %swap3A_85] {strides = array<i32>} : memref<2x16xi32, #tpu.memory_space<vmem>>, vector<16xi32>,
    tpu.vector_store %arg14[%swap3A_84, %swap3A_85], %broadcast_in_dim3A_82 {strides = array<i32>} : memref<2x16xi32, #tpu.memory_space<vmem>>, vector<16xi32>,
    %run_scoped3A_87 = arith.constant 0 : i32
    "tpu.region"() ({
      %run_scoped3A_97 = tpu.sem_alloc : memref<!tpu.dma_semaphore, #tpu.memory_space<semaphore_mem>>
      %dma_start3A = arith.constant 0 : i32
      %dma_start3A_98 = tpu.memref_slice %arg3[%add3A, %run_scoped3A_87, %dma_start3A] : memref<32x2x10000xf32, #tpu.memory_space<hbm>> -> memref<1x1x10000xf32, #tpu.memory_space<hbm>>
      %dma_start3A_99 = tpu.memref_squeeze %dma_start3A_98 : memref<1x1x10000xf32, #tpu.memory_space<hbm>> -> memref<10000xf32, #tpu.memory_space<hbm>>
      %dma_start3A_100 = arith.constant 0 : i32
      %dma_start3A_101 = tpu.memref_slice %arg3[%add3A, %run_scoped3A_87, %dma_start3A_100] : memref<32x2x10000xf32, #tpu.memory_space<hbm>> -> memref<1x1x10000xf32, #tpu.memory_space<hbm>>
      %dma_start3A_102 = tpu.memref_squeeze %dma_start3A_101 : memref<1x1x10000xf32, #tpu.memory_space<hbm>> -> memref<10000xf32, #tpu.memory_space<hbm>>
      tpu.enqueue_dma source(%arg8 : memref<10000xf32, #tpu.memory_space<vmem>>) target(%dma_start3A_102 : memref<10000xf32, #tpu.memory_space<hbm>>) target_semaphore(%run_scoped3A_97 : memref<!tpu.dma_semaphore, #tpu.memory_space<semaphore_mem>>)
      %dma_wait3A = arith.constant 0 : i32
      %dma_wait3A_103 = tpu.memref_slice %arg3[%add3A, %run_scoped3A_87, %dma_wait3A] : memref<32x2x10000xf32, #tpu.memory_space<hbm>> -> memref<1x1x10000xf32, #tpu.memory_space<hbm>>
      %dma_wait3A_104 = tpu.memref_squeeze %dma_wait3A_103 : memref<1x1x10000xf32, #tpu.memory_space<hbm>> -> memref<10000xf32, #tpu.memory_space<hbm>>
      %dma_wait3A_105 = arith.constant 0 : i32
      %dma_wait3A_106 = tpu.memref_slice %arg3[%add3A, %run_scoped3A_87, %dma_wait3A_105] : memref<32x2x10000xf32, #tpu.memory_space<hbm>> -> memref<1x1x10000xf32, #tpu.memory_space<hbm>>
      %dma_wait3A_107 = tpu.memref_squeeze %dma_wait3A_106 : memref<1x1x10000xf32, #tpu.memory_space<hbm>> -> memref<10000xf32, #tpu.memory_space<hbm>>
      tpu.wait_dma2 semaphore(%run_scoped3A_97 : memref<!tpu.dma_semaphore, #tpu.memory_space<semaphore_mem>>) src(%arg8 : memref<10000xf32, #tpu.memory_space<vmem>>) dst(%dma_wait3A_107 : memref<10000xf32, #tpu.memory_space<hbm>>)
      tpu.yield
    }) : () -> ()
    %run_scoped3A_88 = arith.constant 1 : i32
    "tpu.region"() ({
      %run_scoped3A_97 = tpu.sem_alloc : memref<!tpu.dma_semaphore, #tpu.memory_space<semaphore_mem>>
      %dma_start3A = arith.constant 0 : i32
      %dma_start3A_98 = tpu.memref_slice %arg3[%add3A, %run_scoped3A_88, %dma_start3A] : memref<32x2x10000xf32, #tpu.memory_space<hbm>> -> memref<1x1x10000xf32, #tpu.memory_space<hbm>>
      %dma_start3A_99 = tpu.memref_squeeze %dma_start3A_98 : memref<1x1x10000xf32, #tpu.memory_space<hbm>> -> memref<10000xf32, #tpu.memory_space<hbm>>
      %dma_start3A_100 = arith.constant 0 : i32
      %dma_start3A_101 = tpu.memref_slice %arg3[%add3A, %run_scoped3A_88, %dma_start3A_100] : memref<32x2x10000xf32, #tpu.memory_space<hbm>> -> memref<1x1x10000xf32, #tpu.memory_space<hbm>>
      %dma_start3A_102 = tpu.memref_squeeze %dma_start3A_101 : memref<1x1x10000xf32, #tpu.memory_space<hbm>> -> memref<10000xf32, #tpu.memory_space<hbm>>
      tpu.enqueue_dma source(%arg9 : memref<10000xf32, #tpu.memory_space<vmem>>) target(%dma_start3A_102 : memref<10000xf32, #tpu.memory_space<hbm>>) target_semaphore(%run_scoped3A_97 : memref<!tpu.dma_semaphore, #tpu.memory_space<semaphore_mem>>)
      %dma_wait3A = arith.constant 0 : i32
      %dma_wait3A_103 = tpu.memref_slice %arg3[%add3A, %run_scoped3A_88, %dma_wait3A] : memref<32x2x10000xf32, #tpu.memory_space<hbm>> -> memref<1x1x10000xf32, #tpu.memory_space<hbm>>
      %dma_wait3A_104 = tpu.memref_squeeze %dma_wait3A_103 : memref<1x1x10000xf32, #tpu.memory_space<hbm>> -> memref<10000xf32, #tpu.memory_space<hbm>>
      %dma_wait3A_105 = arith.constant 0 : i32
      %dma_wait3A_106 = tpu.memref_slice %arg3[%add3A, %run_scoped3A_88, %dma_wait3A_105] : memref<32x2x10000xf32, #tpu.memory_space<hbm>> -> memref<1x1x10000xf32, #tpu.memory_space<hbm>>
      %dma_wait3A_107 = tpu.memref_squeeze %dma_wait3A_106 : memref<1x1x10000xf32, #tpu.memory_space<hbm>> -> memref<10000xf32, #tpu.memory_space<hbm>>
      tpu.wait_dma2 semaphore(%run_scoped3A_97 : memref<!tpu.dma_semaphore, #tpu.memory_space<semaphore_mem>>) src(%arg9 : memref<10000xf32, #tpu.memory_space<vmem>>) dst(%dma_wait3A_107 : memref<10000xf32, #tpu.memory_space<hbm>>)
      tpu.yield
    }) : () -> ()
    %run_scoped3A_89 = arith.constant 0 : i32
    "tpu.region"() ({
      %run_scoped3A_97 = tpu.sem_alloc : memref<!tpu.dma_semaphore, #tpu.memory_space<semaphore_mem>>
      %dma_start3A = arith.constant 0 : i32
      %dma_start3A_98 = tpu.memref_slice %arg4[%add3A, %run_scoped3A_89, %dma_start3A] : memref<32x2x10112xi32, #tpu.memory_space<hbm>> -> memref<1x1x10112xi32, #tpu.memory_space<hbm>>
      %dma_start3A_99 = tpu.memref_squeeze %dma_start3A_98 : memref<1x1x10112xi32, #tpu.memory_space<hbm>> -> memref<10112xi32, #tpu.memory_space<hbm>>
      %dma_start3A_100 = arith.constant 0 : i32
      %dma_start3A_101 = tpu.memref_slice %arg4[%add3A, %run_scoped3A_89, %dma_start3A_100] : memref<32x2x10112xi32, #tpu.memory_space<hbm>> -> memref<1x1x10112xi32, #tpu.memory_space<hbm>>
      %dma_start3A_102 = tpu.memref_squeeze %dma_start3A_101 : memref<1x1x10112xi32, #tpu.memory_space<hbm>> -> memref<10112xi32, #tpu.memory_space<hbm>>
      tpu.enqueue_dma source(%arg10 : memref<10112xi32, #tpu.memory_space<vmem>>) target(%dma_start3A_102 : memref<10112xi32, #tpu.memory_space<hbm>>) target_semaphore(%run_scoped3A_97 : memref<!tpu.dma_semaphore, #tpu.memory_space<semaphore_mem>>)
      %dma_wait3A = arith.constant 0 : i32
      %dma_wait3A_103 = tpu.memref_slice %arg4[%add3A, %run_scoped3A_89, %dma_wait3A] : memref<32x2x10112xi32, #tpu.memory_space<hbm>> -> memref<1x1x10112xi32, #tpu.memory_space<hbm>>
      %dma_wait3A_104 = tpu.memref_squeeze %dma_wait3A_103 : memref<1x1x10112xi32, #tpu.memory_space<hbm>> -> memref<10112xi32, #tpu.memory_space<hbm>>
      %dma_wait3A_105 = arith.constant 0 : i32
      %dma_wait3A_106 = tpu.memref_slice %arg4[%add3A, %run_scoped3A_89, %dma_wait3A_105] : memref<32x2x10112xi32, #tpu.memory_space<hbm>> -> memref<1x1x10112xi32, #tpu.memory_space<hbm>>
      %dma_wait3A_107 = tpu.memref_squeeze %dma_wait3A_106 : memref<1x1x10112xi32, #tpu.memory_space<hbm>> -> memref<10112xi32, #tpu.memory_space<hbm>>
      tpu.wait_dma2 semaphore(%run_scoped3A_97 : memref<!tpu.dma_semaphore, #tpu.memory_space<semaphore_mem>>) src(%arg10 : memref<10112xi32, #tpu.memory_space<vmem>>) dst(%dma_wait3A_107 : memref<10112xi32, #tpu.memory_space<hbm>>)
      tpu.yield
    }) : () -> ()
    %run_scoped3A_90 = arith.constant 1 : i32
    "tpu.region"() ({
      %run_scoped3A_97 = tpu.sem_alloc : memref<!tpu.dma_semaphore, #tpu.memory_space<semaphore_mem>>
      %dma_start3A = arith.constant 0 : i32
      %dma_start3A_98 = tpu.memref_slice %arg4[%add3A, %run_scoped3A_90, %dma_start3A] : memref<32x2x10112xi32, #tpu.memory_space<hbm>> -> memref<1x1x10112xi32, #tpu.memory_space<hbm>>
      %dma_start3A_99 = tpu.memref_squeeze %dma_start3A_98 : memref<1x1x10112xi32, #tpu.memory_space<hbm>> -> memref<10112xi32, #tpu.memory_space<hbm>>
      %dma_start3A_100 = arith.constant 0 : i32
      %dma_start3A_101 = tpu.memref_slice %arg4[%add3A, %run_scoped3A_90, %dma_start3A_100] : memref<32x2x10112xi32, #tpu.memory_space<hbm>> -> memref<1x1x10112xi32, #tpu.memory_space<hbm>>
      %dma_start3A_102 = tpu.memref_squeeze %dma_start3A_101 : memref<1x1x10112xi32, #tpu.memory_space<hbm>> -> memref<10112xi32, #tpu.memory_space<hbm>>
      tpu.enqueue_dma source(%arg11 : memref<10112xi32, #tpu.memory_space<vmem>>) target(%dma_start3A_102 : memref<10112xi32, #tpu.memory_space<hbm>>) target_semaphore(%run_scoped3A_97 : memref<!tpu.dma_semaphore, #tpu.memory_space<semaphore_mem>>)
      %dma_wait3A = arith.constant 0 : i32
      %dma_wait3A_103 = tpu.memref_slice %arg4[%add3A, %run_scoped3A_90, %dma_wait3A] : memref<32x2x10112xi32, #tpu.memory_space<hbm>> -> memref<1x1x10112xi32, #tpu.memory_space<hbm>>
      %dma_wait3A_104 = tpu.memref_squeeze %dma_wait3A_103 : memref<1x1x10112xi32, #tpu.memory_space<hbm>> -> memref<10112xi32, #tpu.memory_space<hbm>>
      %dma_wait3A_105 = arith.constant 0 : i32
      %dma_wait3A_106 = tpu.memref_slice %arg4[%add3A, %run_scoped3A_90, %dma_wait3A_105] : memref<32x2x10112xi32, #tpu.memory_space<hbm>> -> memref<1x1x10112xi32, #tpu.memory_space<hbm>>
      %dma_wait3A_107 = tpu.memref_squeeze %dma_wait3A_106 : memref<1x1x10112xi32, #tpu.memory_space<hbm>> -> memref<10112xi32, #tpu.memory_space<hbm>>
      tpu.wait_dma2 semaphore(%run_scoped3A_97 : memref<!tpu.dma_semaphore, #tpu.memory_space<semaphore_mem>>) src(%arg11 : memref<10112xi32, #tpu.memory_space<vmem>>) dst(%dma_wait3A_107 : memref<10112xi32, #tpu.memory_space<hbm>>)
      tpu.yield
    }) : () -> ()
    %run_scoped3A_91 = arith.constant 0 : i32
    "tpu.region"() ({
      %run_scoped3A_97 = tpu.sem_alloc : memref<!tpu.dma_semaphore, #tpu.memory_space<semaphore_mem>>
      %dma_start3A = arith.constant 0 : i32
      %dma_start3A_98 = tpu.memref_slice %arg5[%add3A, %run_scoped3A_91, %dma_start3A] : memref<32x2x10112xi32, #tpu.memory_space<hbm>> -> memref<1x1x10112xi32, #tpu.memory_space<hbm>>
      %dma_start3A_99 = tpu.memref_squeeze %dma_start3A_98 : memref<1x1x10112xi32, #tpu.memory_space<hbm>> -> memref<10112xi32, #tpu.memory_space<hbm>>
      %dma_start3A_100 = arith.constant 0 : i32
      %dma_start3A_101 = tpu.memref_slice %arg5[%add3A, %run_scoped3A_91, %dma_start3A_100] : memref<32x2x10112xi32, #tpu.memory_space<hbm>> -> memref<1x1x10112xi32, #tpu.memory_space<hbm>>
      %dma_start3A_102 = tpu.memref_squeeze %dma_start3A_101 : memref<1x1x10112xi32, #tpu.memory_space<hbm>> -> memref<10112xi32, #tpu.memory_space<hbm>>
      tpu.enqueue_dma source(%arg12 : memref<10112xi32, #tpu.memory_space<vmem>>) target(%dma_start3A_102 : memref<10112xi32, #tpu.memory_space<hbm>>) target_semaphore(%run_scoped3A_97 : memref<!tpu.dma_semaphore, #tpu.memory_space<semaphore_mem>>)
      %dma_wait3A = arith.constant 0 : i32
      %dma_wait3A_103 = tpu.memref_slice %arg5[%add3A, %run_scoped3A_91, %dma_wait3A] : memref<32x2x10112xi32, #tpu.memory_space<hbm>> -> memref<1x1x10112xi32, #tpu.memory_space<hbm>>
      %dma_wait3A_104 = tpu.memref_squeeze %dma_wait3A_103 : memref<1x1x10112xi32, #tpu.memory_space<hbm>> -> memref<10112xi32, #tpu.memory_space<hbm>>
      %dma_wait3A_105 = arith.constant 0 : i32
      %dma_wait3A_106 = tpu.memref_slice %arg5[%add3A, %run_scoped3A_91, %dma_wait3A_105] : memref<32x2x10112xi32, #tpu.memory_space<hbm>> -> memref<1x1x10112xi32, #tpu.memory_space<hbm>>
      %dma_wait3A_107 = tpu.memref_squeeze %dma_wait3A_106 : memref<1x1x10112xi32, #tpu.memory_space<hbm>> -> memref<10112xi32, #tpu.memory_space<hbm>>
      tpu.wait_dma2 semaphore(%run_scoped3A_97 : memref<!tpu.dma_semaphore, #tpu.memory_space<semaphore_mem>>) src(%arg12 : memref<10112xi32, #tpu.memory_space<vmem>>) dst(%dma_wait3A_107 : memref<10112xi32, #tpu.memory_space<hbm>>)
      tpu.yield
    }) : () -> ()
    %run_scoped3A_92 = arith.constant 1 : i32
    "tpu.region"() ({
      %run_scoped3A_97 = tpu.sem_alloc : memref<!tpu.dma_semaphore, #tpu.memory_space<semaphore_mem>>
      %dma_start3A = arith.constant 0 : i32
      %dma_start3A_98 = tpu.memref_slice %arg5[%add3A, %run_scoped3A_92, %dma_start3A] : memref<32x2x10112xi32, #tpu.memory_space<hbm>> -> memref<1x1x10112xi32, #tpu.memory_space<hbm>>
      %dma_start3A_99 = tpu.memref_squeeze %dma_start3A_98 : memref<1x1x10112xi32, #tpu.memory_space<hbm>> -> memref<10112xi32, #tpu.memory_space<hbm>>
      %dma_start3A_100 = arith.constant 0 : i32
      %dma_start3A_101 = tpu.memref_slice %arg5[%add3A, %run_scoped3A_92, %dma_start3A_100] : memref<32x2x10112xi32, #tpu.memory_space<hbm>> -> memref<1x1x10112xi32, #tpu.memory_space<hbm>>
      %dma_start3A_102 = tpu.memref_squeeze %dma_start3A_101 : memref<1x1x10112xi32, #tpu.memory_space<hbm>> -> memref<10112xi32, #tpu.memory_space<hbm>>
      tpu.enqueue_dma source(%arg13 : memref<10112xi32, #tpu.memory_space<vmem>>) target(%dma_start3A_102 : memref<10112xi32, #tpu.memory_space<hbm>>) target_semaphore(%run_scoped3A_97 : memref<!tpu.dma_semaphore, #tpu.memory_space<semaphore_mem>>)
      %dma_wait3A = arith.constant 0 : i32
      %dma_wait3A_103 = tpu.memref_slice %arg5[%add3A, %run_scoped3A_92, %dma_wait3A] : memref<32x2x10112xi32, #tpu.memory_space<hbm>> -> memref<1x1x10112xi32, #tpu.memory_space<hbm>>
      %dma_wait3A_104 = tpu.memref_squeeze %dma_wait3A_103 : memref<1x1x10112xi32, #tpu.memory_space<hbm>> -> memref<10112xi32, #tpu.memory_space<hbm>>
      %dma_wait3A_105 = arith.constant 0 : i32
      %dma_wait3A_106 = tpu.memref_slice %arg5[%add3A, %run_scoped3A_92, %dma_wait3A_105] : memref<32x2x10112xi32, #tpu.memory_space<hbm>> -> memref<1x1x10112xi32, #tpu.memory_space<hbm>>
      %dma_wait3A_107 = tpu.memref_squeeze %dma_wait3A_106 : memref<1x1x10112xi32, #tpu.memory_space<hbm>> -> memref<10112xi32, #tpu.memory_space<hbm>>
      tpu.wait_dma2 semaphore(%run_scoped3A_97 : memref<!tpu.dma_semaphore, #tpu.memory_space<semaphore_mem>>) src(%arg13 : memref<10112xi32, #tpu.memory_space<vmem>>) dst(%dma_wait3A_107 : memref<10112xi32, #tpu.memory_space<hbm>>)
      tpu.yield
    }) : () -> ()
    %run_scoped3A_93 = arith.constant 0 : i32
    %run_scoped3A_94 = arith.constant 0 : i32
    "tpu.region"() ({
      %run_scoped3A_97 = tpu.sem_alloc : memref<!tpu.dma_semaphore, #tpu.memory_space<semaphore_mem>>
      %dma_start3A = arith.constant 0 : i32
      %dma_start3A_98 = tpu.memref_slice %arg14[%run_scoped3A_93, %dma_start3A] : memref<2x16xi32, #tpu.memory_space<vmem>> -> memref<1x16xi32, #tpu.memory_space<vmem>>
      %dma_start3A_99 = tpu.memref_squeeze %dma_start3A_98 : memref<1x16xi32, #tpu.memory_space<vmem>> -> memref<16xi32, #tpu.memory_space<vmem>>
      %dma_start3A_100 = arith.constant 0 : i32
      %dma_start3A_101 = tpu.memref_slice %arg6[%add3A, %run_scoped3A_94, %dma_start3A_100] : memref<32x2x16xi32, #tpu.memory_space<hbm>> -> memref<1x1x16xi32, #tpu.memory_space<hbm>>
      %dma_start3A_102 = tpu.memref_squeeze %dma_start3A_101 : memref<1x1x16xi32, #tpu.memory_space<hbm>> -> memref<16xi32, #tpu.memory_space<hbm>>
      %dma_start3A_103 = arith.constant 0 : i32
      %dma_start3A_104 = tpu.memref_slice %arg6[%add3A, %run_scoped3A_94, %dma_start3A_103] : memref<32x2x16xi32, #tpu.memory_space<hbm>> -> memref<1x1x16xi32, #tpu.memory_space<hbm>>
      %dma_start3A_105 = tpu.memref_squeeze %dma_start3A_104 : memref<1x1x16xi32, #tpu.memory_space<hbm>> -> memref<16xi32, #tpu.memory_space<hbm>>
      %dma_start3A_106 = arith.constant 0 : i32
      %dma_start3A_107 = tpu.memref_slice %arg14[%run_scoped3A_93, %dma_start3A_106] : memref<2x16xi32, #tpu.memory_space<vmem>> -> memref<1x16xi32, #tpu.memory_space<vmem>>
      %dma_start3A_108 = tpu.memref_squeeze %dma_start3A_107 : memref<1x16xi32, #tpu.memory_space<vmem>> -> memref<16xi32, #tpu.memory_space<vmem>>
      tpu.enqueue_dma source(%dma_start3A_108 : memref<16xi32, #tpu.memory_space<vmem>>) target(%dma_start3A_105 : memref<16xi32, #tpu.memory_space<hbm>>) target_semaphore(%run_scoped3A_97 : memref<!tpu.dma_semaphore, #tpu.memory_space<semaphore_mem>>)
      %dma_wait3A = arith.constant 0 : i32
      %dma_wait3A_109 = tpu.memref_slice %arg14[%run_scoped3A_93, %dma_wait3A] : memref<2x16xi32, #tpu.memory_space<vmem>> -> memref<1x16xi32, #tpu.memory_space<vmem>>
      %dma_wait3A_110 = tpu.memref_squeeze %dma_wait3A_109 : memref<1x16xi32, #tpu.memory_space<vmem>> -> memref<16xi32, #tpu.memory_space<vmem>>
      %dma_wait3A_111 = arith.constant 0 : i32
      %dma_wait3A_112 = tpu.memref_slice %arg6[%add3A, %run_scoped3A_94, %dma_wait3A_111] : memref<32x2x16xi32, #tpu.memory_space<hbm>> -> memref<1x1x16xi32, #tpu.memory_space<hbm>>
      %dma_wait3A_113 = tpu.memref_squeeze %dma_wait3A_112 : memref<1x1x16xi32, #tpu.memory_space<hbm>> -> memref<16xi32, #tpu.memory_space<hbm>>
      %dma_wait3A_114 = arith.constant 0 : i32
      %dma_wait3A_115 = tpu.memref_slice %arg6[%add3A, %run_scoped3A_94, %dma_wait3A_114] : memref<32x2x16xi32, #tpu.memory_space<hbm>> -> memref<1x1x16xi32, #tpu.memory_space<hbm>>
      %dma_wait3A_116 = tpu.memref_squeeze %dma_wait3A_115 : memref<1x1x16xi32, #tpu.memory_space<hbm>> -> memref<16xi32, #tpu.memory_space<hbm>>
      %dma_wait3A_117 = arith.constant 0 : i32
      %dma_wait3A_118 = tpu.memref_slice %arg14[%run_scoped3A_93, %dma_wait3A_117] : memref<2x16xi32, #tpu.memory_space<vmem>> -> memref<1x16xi32, #tpu.memory_space<vmem>>
      %dma_wait3A_119 = tpu.memref_squeeze %dma_wait3A_118 : memref<1x16xi32, #tpu.memory_space<vmem>> -> memref<16xi32, #tpu.memory_space<vmem>>
      tpu.wait_dma2 semaphore(%run_scoped3A_97 : memref<!tpu.dma_semaphore, #tpu.memory_space<semaphore_mem>>) src(%dma_wait3A_119 : memref<16xi32, #tpu.memory_space<vmem>>) dst(%dma_wait3A_116 : memref<16xi32, #tpu.memory_space<hbm>>)
      tpu.yield
    }) : () -> ()
    %run_scoped3A_95 = arith.constant 1 : i32
    %run_scoped3A_96 = arith.constant 1 : i32
    "tpu.region"() ({
      %run_scoped3A_97 = tpu.sem_alloc : memref<!tpu.dma_semaphore, #tpu.memory_space<semaphore_mem>>
      %dma_start3A = arith.constant 0 : i32
      %dma_start3A_98 = tpu.memref_slice %arg14[%run_scoped3A_95, %dma_start3A] : memref<2x16xi32, #tpu.memory_space<vmem>> -> memref<1x16xi32, #tpu.memory_space<vmem>>
      %dma_start3A_99 = tpu.memref_squeeze %dma_start3A_98 : memref<1x16xi32, #tpu.memory_space<vmem>> -> memref<16xi32, #tpu.memory_space<vmem>>
      %dma_start3A_100 = arith.constant 0 : i32
      %dma_start3A_101 = tpu.memref_slice %arg6[%add3A, %run_scoped3A_96, %dma_start3A_100] : memref<32x2x16xi32, #tpu.memory_space<hbm>> -> memref<1x1x16xi32, #tpu.memory_space<hbm>>
      %dma_start3A_102 = tpu.memref_squeeze %dma_start3A_101 : memref<1x1x16xi32, #tpu.memory_space<hbm>> -> memref<16xi32, #tpu.memory_space<hbm>>
      %dma_start3A_103 = arith.constant 0 : i32
      %dma_start3A_104 = tpu.memref_slice %arg6[%add3A, %run_scoped3A_96, %dma_start3A_103] : memref<32x2x16xi32, #tpu.memory_space<hbm>> -> memref<1x1x16xi32, #tpu.memory_space<hbm>>
      %dma_start3A_105 = tpu.memref_squeeze %dma_start3A_104 : memref<1x1x16xi32, #tpu.memory_space<hbm>> -> memref<16xi32, #tpu.memory_space<hbm>>
      %dma_start3A_106 = arith.constant 0 : i32
      %dma_start3A_107 = tpu.memref_slice %arg14[%run_scoped3A_95, %dma_start3A_106] : memref<2x16xi32, #tpu.memory_space<vmem>> -> memref<1x16xi32, #tpu.memory_space<vmem>>
      %dma_start3A_108 = tpu.memref_squeeze %dma_start3A_107 : memref<1x16xi32, #tpu.memory_space<vmem>> -> memref<16xi32, #tpu.memory_space<vmem>>
      tpu.enqueue_dma source(%dma_start3A_108 : memref<16xi32, #tpu.memory_space<vmem>>) target(%dma_start3A_105 : memref<16xi32, #tpu.memory_space<hbm>>) target_semaphore(%run_scoped3A_97 : memref<!tpu.dma_semaphore, #tpu.memory_space<semaphore_mem>>)
      %dma_wait3A = arith.constant 0 : i32
      %dma_wait3A_109 = tpu.memref_slice %arg14[%run_scoped3A_95, %dma_wait3A] : memref<2x16xi32, #tpu.memory_space<vmem>> -> memref<1x16xi32, #tpu.memory_space<vmem>>
      %dma_wait3A_110 = tpu.memref_squeeze %dma_wait3A_109 : memref<1x16xi32, #tpu.memory_space<vmem>> -> memref<16xi32, #tpu.memory_space<vmem>>
      %dma_wait3A_111 = arith.constant 0 : i32
      %dma_wait3A_112 = tpu.memref_slice %arg6[%add3A, %run_scoped3A_96, %dma_wait3A_111] : memref<32x2x16xi32, #tpu.memory_space<hbm>> -> memref<1x1x16xi32, #tpu.memory_space<hbm>>
      %dma_wait3A_113 = tpu.memref_squeeze %dma_wait3A_112 : memref<1x1x16xi32, #tpu.memory_space<hbm>> -> memref<16xi32, #tpu.memory_space<hbm>>
      %dma_wait3A_114 = arith.constant 0 : i32
      %dma_wait3A_115 = tpu.memref_slice %arg6[%add3A, %run_scoped3A_96, %dma_wait3A_114] : memref<32x2x16xi32, #tpu.memory_space<hbm>> -> memref<1x1x16xi32, #tpu.memory_space<hbm>>
      %dma_wait3A_116 = tpu.memref_squeeze %dma_wait3A_115 : memref<1x1x16xi32, #tpu.memory_space<hbm>> -> memref<16xi32, #tpu.memory_space<hbm>>
      %dma_wait3A_117 = arith.constant 0 : i32
      %dma_wait3A_118 = tpu.memref_slice %arg14[%run_scoped3A_95, %dma_wait3A_117] : memref<2x16xi32, #tpu.memory_space<vmem>> -> memref<1x16xi32, #tpu.memory_space<vmem>>
      %dma_wait3A_119 = tpu.memref_squeeze %dma_wait3A_118 : memref<1x16xi32, #tpu.memory_space<vmem>> -> memref<16xi32, #tpu.memory_space<vmem>>
      tpu.wait_dma2 semaphore(%run_scoped3A_97 : memref<!tpu.dma_semaphore, #tpu.memory_space<semaphore_mem>>) src(%dma_wait3A_119 : memref<16xi32, #tpu.memory_space<vmem>>) dst(%dma_wait3A_116 : memref<16xi32, #tpu.memory_space<hbm>>)
      tpu.yield
    }) : () -> ()
    return
  }
}

#map = affine_map<(d0, d1) -> (0, 0)>
#map1 = affine_map<(d0, d1) -> (0, 0, 0, 0)>
#map2 = affine_map<(d0, d1) -> (0, 0, 0)>
module attributes {stable_mosaic.version = 14 : i64} {
  func.func @_agg_kernel(%arg0: i32, %arg1: i32, %arg2: memref<10000x128xf32, #tpu.memory_space<hbm>>, %arg3: memref<32x2x79x128xi32, #tpu.memory_space<hbm>>, %arg4: memref<32x2x79x128xi32, #tpu.memory_space<hbm>>, %arg5: memref<32x2x16xi32, #tpu.memory_space<hbm>>, %arg6: memref<10240x128xf32, #tpu.memory_space<hbm>>, %arg7: memref<2x79x128xi32, #tpu.memory_space<vmem>>, %arg8: memref<2x79x128xi32, #tpu.memory_space<vmem>>, %arg9: memref<2x16xi32, #tpu.memory_space<vmem>>, %arg10: memref<128x128xf32, #tpu.memory_space<vmem>>, %arg11: memref<5376x128xf32, #tpu.memory_space<vmem_shared>>, %arg12: memref<!tpu.dma_semaphore, #tpu.memory_space<semaphore_mem>>) attributes {dimension_semantics = [#tpu.dimension_semantics<core_parallel>, #tpu.dimension_semantics<subcore_parallel>], iteration_bounds = array<i64: 2, 16>, scalar_prefetch = 0 : i64, scratch_operands = 6 : i64, tpu.core_type = #tpu.core_type<sc_vector_subcore>, window_params = [{transform_indices = #map}, {transform_indices = #map1}, {transform_indices = #map1}, {transform_indices = #map2}, {transform_indices = #map}]} {
    %mul3A = arith.constant 2 : i32
    %mul3A_0 = arith.muli %mul3A, %arg1 : i32
    %add3A = arith.constant 0 : i32
    %add3A_1 = arith.addi %mul3A_0, %add3A : i32
    %run_scoped3A = arith.constant 0 : i32
    "tpu.region"() ({
      %run_scoped3A_76 = tpu.sem_alloc : memref<!tpu.dma_semaphore, #tpu.memory_space<semaphore_mem>>
      %dma_start3A = arith.constant 0 : i32
      %dma_start3A_77 = arith.constant 0 : i32
      %dma_start3A_78 = tpu.memref_slice %arg7[%run_scoped3A, %dma_start3A, %dma_start3A_77] : memref<2x79x128xi32, #tpu.memory_space<vmem>> -> memref<1x79x128xi32, #tpu.memory_space<vmem>>
      %dma_start3A_79 = tpu.memref_squeeze %dma_start3A_78 : memref<1x79x128xi32, #tpu.memory_space<vmem>> -> memref<79x128xi32, #tpu.memory_space<vmem>>
      %dma_start3A_80 = arith.constant 0 : i32
      %dma_start3A_81 = arith.constant 0 : i32
      %dma_start3A_82 = tpu.memref_slice %arg3[%add3A_1, %arg0, %dma_start3A_80, %dma_start3A_81] : memref<32x2x79x128xi32, #tpu.memory_space<hbm>> -> memref<1x1x79x128xi32, #tpu.memory_space<hbm>>
      %dma_start3A_83 = tpu.memref_squeeze %dma_start3A_82 : memref<1x1x79x128xi32, #tpu.memory_space<hbm>> -> memref<79x128xi32, #tpu.memory_space<hbm>>
      %dma_start3A_84 = arith.constant 0 : i32
      %dma_start3A_85 = arith.constant 0 : i32
      %dma_start3A_86 = tpu.memref_slice %arg7[%run_scoped3A, %dma_start3A_84, %dma_start3A_85] : memref<2x79x128xi32, #tpu.memory_space<vmem>> -> memref<1x79x128xi32, #tpu.memory_space<vmem>>
      %dma_start3A_87 = tpu.memref_squeeze %dma_start3A_86 : memref<1x79x128xi32, #tpu.memory_space<vmem>> -> memref<79x128xi32, #tpu.memory_space<vmem>>
      %dma_start3A_88 = arith.constant 0 : i32
      %dma_start3A_89 = arith.constant 0 : i32
      %dma_start3A_90 = tpu.memref_slice %arg3[%add3A_1, %arg0, %dma_start3A_88, %dma_start3A_89] : memref<32x2x79x128xi32, #tpu.memory_space<hbm>> -> memref<1x1x79x128xi32, #tpu.memory_space<hbm>>
      %dma_start3A_91 = tpu.memref_squeeze %dma_start3A_90 : memref<1x1x79x128xi32, #tpu.memory_space<hbm>> -> memref<79x128xi32, #tpu.memory_space<hbm>>
      tpu.enqueue_dma source(%dma_start3A_91 : memref<79x128xi32, #tpu.memory_space<hbm>>) target(%dma_start3A_87 : memref<79x128xi32, #tpu.memory_space<vmem>>) target_semaphore(%run_scoped3A_76 : memref<!tpu.dma_semaphore, #tpu.memory_space<semaphore_mem>>)
      %dma_wait3A = arith.constant 0 : i32
      %dma_wait3A_92 = arith.constant 0 : i32
      %dma_wait3A_93 = tpu.memref_slice %arg7[%run_scoped3A, %dma_wait3A, %dma_wait3A_92] : memref<2x79x128xi32, #tpu.memory_space<vmem>> -> memref<1x79x128xi32, #tpu.memory_space<vmem>>
      %dma_wait3A_94 = tpu.memref_squeeze %dma_wait3A_93 : memref<1x79x128xi32, #tpu.memory_space<vmem>> -> memref<79x128xi32, #tpu.memory_space<vmem>>
      %dma_wait3A_95 = arith.constant 0 : i32
      %dma_wait3A_96 = arith.constant 0 : i32
      %dma_wait3A_97 = tpu.memref_slice %arg3[%add3A_1, %arg0, %dma_wait3A_95, %dma_wait3A_96] : memref<32x2x79x128xi32, #tpu.memory_space<hbm>> -> memref<1x1x79x128xi32, #tpu.memory_space<hbm>>
      %dma_wait3A_98 = tpu.memref_squeeze %dma_wait3A_97 : memref<1x1x79x128xi32, #tpu.memory_space<hbm>> -> memref<79x128xi32, #tpu.memory_space<hbm>>
      %dma_wait3A_99 = arith.constant 0 : i32
      %dma_wait3A_100 = arith.constant 0 : i32
      %dma_wait3A_101 = tpu.memref_slice %arg7[%run_scoped3A, %dma_wait3A_99, %dma_wait3A_100] : memref<2x79x128xi32, #tpu.memory_space<vmem>> -> memref<1x79x128xi32, #tpu.memory_space<vmem>>
      %dma_wait3A_102 = tpu.memref_squeeze %dma_wait3A_101 : memref<1x79x128xi32, #tpu.memory_space<vmem>> -> memref<79x128xi32, #tpu.memory_space<vmem>>
      %dma_wait3A_103 = arith.constant 0 : i32
      %dma_wait3A_104 = arith.constant 0 : i32
      %dma_wait3A_105 = tpu.memref_slice %arg3[%add3A_1, %arg0, %dma_wait3A_103, %dma_wait3A_104] : memref<32x2x79x128xi32, #tpu.memory_space<hbm>> -> memref<1x1x79x128xi32, #tpu.memory_space<hbm>>
      %dma_wait3A_106 = tpu.memref_squeeze %dma_wait3A_105 : memref<1x1x79x128xi32, #tpu.memory_space<hbm>> -> memref<79x128xi32, #tpu.memory_space<hbm>>
      tpu.wait_dma2 semaphore(%run_scoped3A_76 : memref<!tpu.dma_semaphore, #tpu.memory_space<semaphore_mem>>) src(%dma_wait3A_106 : memref<79x128xi32, #tpu.memory_space<hbm>>) dst(%dma_wait3A_102 : memref<79x128xi32, #tpu.memory_space<vmem>>)
      tpu.yield
    }) : () -> ()
    %run_scoped3A_2 = arith.constant 0 : i32
    "tpu.region"() ({
      %run_scoped3A_76 = tpu.sem_alloc : memref<!tpu.dma_semaphore, #tpu.memory_space<semaphore_mem>>
      %dma_start3A = arith.constant 0 : i32
      %dma_start3A_77 = arith.constant 0 : i32
      %dma_start3A_78 = tpu.memref_slice %arg8[%run_scoped3A_2, %dma_start3A, %dma_start3A_77] : memref<2x79x128xi32, #tpu.memory_space<vmem>> -> memref<1x79x128xi32, #tpu.memory_space<vmem>>
      %dma_start3A_79 = tpu.memref_squeeze %dma_start3A_78 : memref<1x79x128xi32, #tpu.memory_space<vmem>> -> memref<79x128xi32, #tpu.memory_space<vmem>>
      %dma_start3A_80 = arith.constant 0 : i32
      %dma_start3A_81 = arith.constant 0 : i32
      %dma_start3A_82 = tpu.memref_slice %arg4[%add3A_1, %arg0, %dma_start3A_80, %dma_start3A_81] : memref<32x2x79x128xi32, #tpu.memory_space<hbm>> -> memref<1x1x79x128xi32, #tpu.memory_space<hbm>>
      %dma_start3A_83 = tpu.memref_squeeze %dma_start3A_82 : memref<1x1x79x128xi32, #tpu.memory_space<hbm>> -> memref<79x128xi32, #tpu.memory_space<hbm>>
      %dma_start3A_84 = arith.constant 0 : i32
      %dma_start3A_85 = arith.constant 0 : i32
      %dma_start3A_86 = tpu.memref_slice %arg8[%run_scoped3A_2, %dma_start3A_84, %dma_start3A_85] : memref<2x79x128xi32, #tpu.memory_space<vmem>> -> memref<1x79x128xi32, #tpu.memory_space<vmem>>
      %dma_start3A_87 = tpu.memref_squeeze %dma_start3A_86 : memref<1x79x128xi32, #tpu.memory_space<vmem>> -> memref<79x128xi32, #tpu.memory_space<vmem>>
      %dma_start3A_88 = arith.constant 0 : i32
      %dma_start3A_89 = arith.constant 0 : i32
      %dma_start3A_90 = tpu.memref_slice %arg4[%add3A_1, %arg0, %dma_start3A_88, %dma_start3A_89] : memref<32x2x79x128xi32, #tpu.memory_space<hbm>> -> memref<1x1x79x128xi32, #tpu.memory_space<hbm>>
      %dma_start3A_91 = tpu.memref_squeeze %dma_start3A_90 : memref<1x1x79x128xi32, #tpu.memory_space<hbm>> -> memref<79x128xi32, #tpu.memory_space<hbm>>
      tpu.enqueue_dma source(%dma_start3A_91 : memref<79x128xi32, #tpu.memory_space<hbm>>) target(%dma_start3A_87 : memref<79x128xi32, #tpu.memory_space<vmem>>) target_semaphore(%run_scoped3A_76 : memref<!tpu.dma_semaphore, #tpu.memory_space<semaphore_mem>>)
      %dma_wait3A = arith.constant 0 : i32
      %dma_wait3A_92 = arith.constant 0 : i32
      %dma_wait3A_93 = tpu.memref_slice %arg8[%run_scoped3A_2, %dma_wait3A, %dma_wait3A_92] : memref<2x79x128xi32, #tpu.memory_space<vmem>> -> memref<1x79x128xi32, #tpu.memory_space<vmem>>
      %dma_wait3A_94 = tpu.memref_squeeze %dma_wait3A_93 : memref<1x79x128xi32, #tpu.memory_space<vmem>> -> memref<79x128xi32, #tpu.memory_space<vmem>>
      %dma_wait3A_95 = arith.constant 0 : i32
      %dma_wait3A_96 = arith.constant 0 : i32
      %dma_wait3A_97 = tpu.memref_slice %arg4[%add3A_1, %arg0, %dma_wait3A_95, %dma_wait3A_96] : memref<32x2x79x128xi32, #tpu.memory_space<hbm>> -> memref<1x1x79x128xi32, #tpu.memory_space<hbm>>
      %dma_wait3A_98 = tpu.memref_squeeze %dma_wait3A_97 : memref<1x1x79x128xi32, #tpu.memory_space<hbm>> -> memref<79x128xi32, #tpu.memory_space<hbm>>
      %dma_wait3A_99 = arith.constant 0 : i32
      %dma_wait3A_100 = arith.constant 0 : i32
      %dma_wait3A_101 = tpu.memref_slice %arg8[%run_scoped3A_2, %dma_wait3A_99, %dma_wait3A_100] : memref<2x79x128xi32, #tpu.memory_space<vmem>> -> memref<1x79x128xi32, #tpu.memory_space<vmem>>
      %dma_wait3A_102 = tpu.memref_squeeze %dma_wait3A_101 : memref<1x79x128xi32, #tpu.memory_space<vmem>> -> memref<79x128xi32, #tpu.memory_space<vmem>>
      %dma_wait3A_103 = arith.constant 0 : i32
      %dma_wait3A_104 = arith.constant 0 : i32
      %dma_wait3A_105 = tpu.memref_slice %arg4[%add3A_1, %arg0, %dma_wait3A_103, %dma_wait3A_104] : memref<32x2x79x128xi32, #tpu.memory_space<hbm>> -> memref<1x1x79x128xi32, #tpu.memory_space<hbm>>
      %dma_wait3A_106 = tpu.memref_squeeze %dma_wait3A_105 : memref<1x1x79x128xi32, #tpu.memory_space<hbm>> -> memref<79x128xi32, #tpu.memory_space<hbm>>
      tpu.wait_dma2 semaphore(%run_scoped3A_76 : memref<!tpu.dma_semaphore, #tpu.memory_space<semaphore_mem>>) src(%dma_wait3A_106 : memref<79x128xi32, #tpu.memory_space<hbm>>) dst(%dma_wait3A_102 : memref<79x128xi32, #tpu.memory_space<vmem>>)
      tpu.yield
    }) : () -> ()
    %run_scoped3A_3 = arith.constant 0 : i32
    "tpu.region"() ({
      %run_scoped3A_76 = tpu.sem_alloc : memref<!tpu.dma_semaphore, #tpu.memory_space<semaphore_mem>>
      %dma_start3A = arith.constant 0 : i32
      %dma_start3A_77 = tpu.memref_slice %arg9[%run_scoped3A_3, %dma_start3A] : memref<2x16xi32, #tpu.memory_space<vmem>> -> memref<1x16xi32, #tpu.memory_space<vmem>>
      %dma_start3A_78 = tpu.memref_squeeze %dma_start3A_77 : memref<1x16xi32, #tpu.memory_space<vmem>> -> memref<16xi32, #tpu.memory_space<vmem>>
      %dma_start3A_79 = arith.constant 0 : i32
      %dma_start3A_80 = tpu.memref_slice %arg5[%add3A_1, %arg0, %dma_start3A_79] : memref<32x2x16xi32, #tpu.memory_space<hbm>> -> memref<1x1x16xi32, #tpu.memory_space<hbm>>
      %dma_start3A_81 = tpu.memref_squeeze %dma_start3A_80 : memref<1x1x16xi32, #tpu.memory_space<hbm>> -> memref<16xi32, #tpu.memory_space<hbm>>
      %dma_start3A_82 = arith.constant 0 : i32
      %dma_start3A_83 = tpu.memref_slice %arg9[%run_scoped3A_3, %dma_start3A_82] : memref<2x16xi32, #tpu.memory_space<vmem>> -> memref<1x16xi32, #tpu.memory_space<vmem>>
      %dma_start3A_84 = tpu.memref_squeeze %dma_start3A_83 : memref<1x16xi32, #tpu.memory_space<vmem>> -> memref<16xi32, #tpu.memory_space<vmem>>
      %dma_start3A_85 = arith.constant 0 : i32
      %dma_start3A_86 = tpu.memref_slice %arg5[%add3A_1, %arg0, %dma_start3A_85] : memref<32x2x16xi32, #tpu.memory_space<hbm>> -> memref<1x1x16xi32, #tpu.memory_space<hbm>>
      %dma_start3A_87 = tpu.memref_squeeze %dma_start3A_86 : memref<1x1x16xi32, #tpu.memory_space<hbm>> -> memref<16xi32, #tpu.memory_space<hbm>>
      tpu.enqueue_dma source(%dma_start3A_87 : memref<16xi32, #tpu.memory_space<hbm>>) target(%dma_start3A_84 : memref<16xi32, #tpu.memory_space<vmem>>) target_semaphore(%run_scoped3A_76 : memref<!tpu.dma_semaphore, #tpu.memory_space<semaphore_mem>>)
      %dma_wait3A = arith.constant 0 : i32
      %dma_wait3A_88 = tpu.memref_slice %arg9[%run_scoped3A_3, %dma_wait3A] : memref<2x16xi32, #tpu.memory_space<vmem>> -> memref<1x16xi32, #tpu.memory_space<vmem>>
      %dma_wait3A_89 = tpu.memref_squeeze %dma_wait3A_88 : memref<1x16xi32, #tpu.memory_space<vmem>> -> memref<16xi32, #tpu.memory_space<vmem>>
      %dma_wait3A_90 = arith.constant 0 : i32
      %dma_wait3A_91 = tpu.memref_slice %arg5[%add3A_1, %arg0, %dma_wait3A_90] : memref<32x2x16xi32, #tpu.memory_space<hbm>> -> memref<1x1x16xi32, #tpu.memory_space<hbm>>
      %dma_wait3A_92 = tpu.memref_squeeze %dma_wait3A_91 : memref<1x1x16xi32, #tpu.memory_space<hbm>> -> memref<16xi32, #tpu.memory_space<hbm>>
      %dma_wait3A_93 = arith.constant 0 : i32
      %dma_wait3A_94 = tpu.memref_slice %arg9[%run_scoped3A_3, %dma_wait3A_93] : memref<2x16xi32, #tpu.memory_space<vmem>> -> memref<1x16xi32, #tpu.memory_space<vmem>>
      %dma_wait3A_95 = tpu.memref_squeeze %dma_wait3A_94 : memref<1x16xi32, #tpu.memory_space<vmem>> -> memref<16xi32, #tpu.memory_space<vmem>>
      %dma_wait3A_96 = arith.constant 0 : i32
      %dma_wait3A_97 = tpu.memref_slice %arg5[%add3A_1, %arg0, %dma_wait3A_96] : memref<32x2x16xi32, #tpu.memory_space<hbm>> -> memref<1x1x16xi32, #tpu.memory_space<hbm>>
      %dma_wait3A_98 = tpu.memref_squeeze %dma_wait3A_97 : memref<1x1x16xi32, #tpu.memory_space<hbm>> -> memref<16xi32, #tpu.memory_space<hbm>>
      tpu.wait_dma2 semaphore(%run_scoped3A_76 : memref<!tpu.dma_semaphore, #tpu.memory_space<semaphore_mem>>) src(%dma_wait3A_98 : memref<16xi32, #tpu.memory_space<hbm>>) dst(%dma_wait3A_95 : memref<16xi32, #tpu.memory_space<vmem>>)
      tpu.yield
    }) : () -> ()
    %mul3A_4 = arith.constant 2 : i32
    %mul3A_5 = arith.muli %mul3A_4, %arg1 : i32
    %add3A_6 = arith.constant 1 : i32
    %add3A_7 = arith.addi %mul3A_5, %add3A_6 : i32
    %run_scoped3A_8 = arith.constant 1 : i32
    "tpu.region"() ({
      %run_scoped3A_76 = tpu.sem_alloc : memref<!tpu.dma_semaphore, #tpu.memory_space<semaphore_mem>>
      %dma_start3A = arith.constant 0 : i32
      %dma_start3A_77 = arith.constant 0 : i32
      %dma_start3A_78 = tpu.memref_slice %arg7[%run_scoped3A_8, %dma_start3A, %dma_start3A_77] : memref<2x79x128xi32, #tpu.memory_space<vmem>> -> memref<1x79x128xi32, #tpu.memory_space<vmem>>
      %dma_start3A_79 = tpu.memref_squeeze %dma_start3A_78 : memref<1x79x128xi32, #tpu.memory_space<vmem>> -> memref<79x128xi32, #tpu.memory_space<vmem>>
      %dma_start3A_80 = arith.constant 0 : i32
      %dma_start3A_81 = arith.constant 0 : i32
      %dma_start3A_82 = tpu.memref_slice %arg3[%add3A_7, %arg0, %dma_start3A_80, %dma_start3A_81] : memref<32x2x79x128xi32, #tpu.memory_space<hbm>> -> memref<1x1x79x128xi32, #tpu.memory_space<hbm>>
      %dma_start3A_83 = tpu.memref_squeeze %dma_start3A_82 : memref<1x1x79x128xi32, #tpu.memory_space<hbm>> -> memref<79x128xi32, #tpu.memory_space<hbm>>
      %dma_start3A_84 = arith.constant 0 : i32
      %dma_start3A_85 = arith.constant 0 : i32
      %dma_start3A_86 = tpu.memref_slice %arg7[%run_scoped3A_8, %dma_start3A_84, %dma_start3A_85] : memref<2x79x128xi32, #tpu.memory_space<vmem>> -> memref<1x79x128xi32, #tpu.memory_space<vmem>>
      %dma_start3A_87 = tpu.memref_squeeze %dma_start3A_86 : memref<1x79x128xi32, #tpu.memory_space<vmem>> -> memref<79x128xi32, #tpu.memory_space<vmem>>
      %dma_start3A_88 = arith.constant 0 : i32
      %dma_start3A_89 = arith.constant 0 : i32
      %dma_start3A_90 = tpu.memref_slice %arg3[%add3A_7, %arg0, %dma_start3A_88, %dma_start3A_89] : memref<32x2x79x128xi32, #tpu.memory_space<hbm>> -> memref<1x1x79x128xi32, #tpu.memory_space<hbm>>
      %dma_start3A_91 = tpu.memref_squeeze %dma_start3A_90 : memref<1x1x79x128xi32, #tpu.memory_space<hbm>> -> memref<79x128xi32, #tpu.memory_space<hbm>>
      tpu.enqueue_dma source(%dma_start3A_91 : memref<79x128xi32, #tpu.memory_space<hbm>>) target(%dma_start3A_87 : memref<79x128xi32, #tpu.memory_space<vmem>>) target_semaphore(%run_scoped3A_76 : memref<!tpu.dma_semaphore, #tpu.memory_space<semaphore_mem>>)
      %dma_wait3A = arith.constant 0 : i32
      %dma_wait3A_92 = arith.constant 0 : i32
      %dma_wait3A_93 = tpu.memref_slice %arg7[%run_scoped3A_8, %dma_wait3A, %dma_wait3A_92] : memref<2x79x128xi32, #tpu.memory_space<vmem>> -> memref<1x79x128xi32, #tpu.memory_space<vmem>>
      %dma_wait3A_94 = tpu.memref_squeeze %dma_wait3A_93 : memref<1x79x128xi32, #tpu.memory_space<vmem>> -> memref<79x128xi32, #tpu.memory_space<vmem>>
      %dma_wait3A_95 = arith.constant 0 : i32
      %dma_wait3A_96 = arith.constant 0 : i32
      %dma_wait3A_97 = tpu.memref_slice %arg3[%add3A_7, %arg0, %dma_wait3A_95, %dma_wait3A_96] : memref<32x2x79x128xi32, #tpu.memory_space<hbm>> -> memref<1x1x79x128xi32, #tpu.memory_space<hbm>>
      %dma_wait3A_98 = tpu.memref_squeeze %dma_wait3A_97 : memref<1x1x79x128xi32, #tpu.memory_space<hbm>> -> memref<79x128xi32, #tpu.memory_space<hbm>>
      %dma_wait3A_99 = arith.constant 0 : i32
      %dma_wait3A_100 = arith.constant 0 : i32
      %dma_wait3A_101 = tpu.memref_slice %arg7[%run_scoped3A_8, %dma_wait3A_99, %dma_wait3A_100] : memref<2x79x128xi32, #tpu.memory_space<vmem>> -> memref<1x79x128xi32, #tpu.memory_space<vmem>>
      %dma_wait3A_102 = tpu.memref_squeeze %dma_wait3A_101 : memref<1x79x128xi32, #tpu.memory_space<vmem>> -> memref<79x128xi32, #tpu.memory_space<vmem>>
      %dma_wait3A_103 = arith.constant 0 : i32
      %dma_wait3A_104 = arith.constant 0 : i32
      %dma_wait3A_105 = tpu.memref_slice %arg3[%add3A_7, %arg0, %dma_wait3A_103, %dma_wait3A_104] : memref<32x2x79x128xi32, #tpu.memory_space<hbm>> -> memref<1x1x79x128xi32, #tpu.memory_space<hbm>>
      %dma_wait3A_106 = tpu.memref_squeeze %dma_wait3A_105 : memref<1x1x79x128xi32, #tpu.memory_space<hbm>> -> memref<79x128xi32, #tpu.memory_space<hbm>>
      tpu.wait_dma2 semaphore(%run_scoped3A_76 : memref<!tpu.dma_semaphore, #tpu.memory_space<semaphore_mem>>) src(%dma_wait3A_106 : memref<79x128xi32, #tpu.memory_space<hbm>>) dst(%dma_wait3A_102 : memref<79x128xi32, #tpu.memory_space<vmem>>)
      tpu.yield
    }) : () -> ()
    %run_scoped3A_9 = arith.constant 1 : i32
    "tpu.region"() ({
      %run_scoped3A_76 = tpu.sem_alloc : memref<!tpu.dma_semaphore, #tpu.memory_space<semaphore_mem>>
      %dma_start3A = arith.constant 0 : i32
      %dma_start3A_77 = arith.constant 0 : i32
      %dma_start3A_78 = tpu.memref_slice %arg8[%run_scoped3A_9, %dma_start3A, %dma_start3A_77] : memref<2x79x128xi32, #tpu.memory_space<vmem>> -> memref<1x79x128xi32, #tpu.memory_space<vmem>>
      %dma_start3A_79 = tpu.memref_squeeze %dma_start3A_78 : memref<1x79x128xi32, #tpu.memory_space<vmem>> -> memref<79x128xi32, #tpu.memory_space<vmem>>
      %dma_start3A_80 = arith.constant 0 : i32
      %dma_start3A_81 = arith.constant 0 : i32
      %dma_start3A_82 = tpu.memref_slice %arg4[%add3A_7, %arg0, %dma_start3A_80, %dma_start3A_81] : memref<32x2x79x128xi32, #tpu.memory_space<hbm>> -> memref<1x1x79x128xi32, #tpu.memory_space<hbm>>
      %dma_start3A_83 = tpu.memref_squeeze %dma_start3A_82 : memref<1x1x79x128xi32, #tpu.memory_space<hbm>> -> memref<79x128xi32, #tpu.memory_space<hbm>>
      %dma_start3A_84 = arith.constant 0 : i32
      %dma_start3A_85 = arith.constant 0 : i32
      %dma_start3A_86 = tpu.memref_slice %arg8[%run_scoped3A_9, %dma_start3A_84, %dma_start3A_85] : memref<2x79x128xi32, #tpu.memory_space<vmem>> -> memref<1x79x128xi32, #tpu.memory_space<vmem>>
      %dma_start3A_87 = tpu.memref_squeeze %dma_start3A_86 : memref<1x79x128xi32, #tpu.memory_space<vmem>> -> memref<79x128xi32, #tpu.memory_space<vmem>>
      %dma_start3A_88 = arith.constant 0 : i32
      %dma_start3A_89 = arith.constant 0 : i32
      %dma_start3A_90 = tpu.memref_slice %arg4[%add3A_7, %arg0, %dma_start3A_88, %dma_start3A_89] : memref<32x2x79x128xi32, #tpu.memory_space<hbm>> -> memref<1x1x79x128xi32, #tpu.memory_space<hbm>>
      %dma_start3A_91 = tpu.memref_squeeze %dma_start3A_90 : memref<1x1x79x128xi32, #tpu.memory_space<hbm>> -> memref<79x128xi32, #tpu.memory_space<hbm>>
      tpu.enqueue_dma source(%dma_start3A_91 : memref<79x128xi32, #tpu.memory_space<hbm>>) target(%dma_start3A_87 : memref<79x128xi32, #tpu.memory_space<vmem>>) target_semaphore(%run_scoped3A_76 : memref<!tpu.dma_semaphore, #tpu.memory_space<semaphore_mem>>)
      %dma_wait3A = arith.constant 0 : i32
      %dma_wait3A_92 = arith.constant 0 : i32
      %dma_wait3A_93 = tpu.memref_slice %arg8[%run_scoped3A_9, %dma_wait3A, %dma_wait3A_92] : memref<2x79x128xi32, #tpu.memory_space<vmem>> -> memref<1x79x128xi32, #tpu.memory_space<vmem>>
      %dma_wait3A_94 = tpu.memref_squeeze %dma_wait3A_93 : memref<1x79x128xi32, #tpu.memory_space<vmem>> -> memref<79x128xi32, #tpu.memory_space<vmem>>
      %dma_wait3A_95 = arith.constant 0 : i32
      %dma_wait3A_96 = arith.constant 0 : i32
      %dma_wait3A_97 = tpu.memref_slice %arg4[%add3A_7, %arg0, %dma_wait3A_95, %dma_wait3A_96] : memref<32x2x79x128xi32, #tpu.memory_space<hbm>> -> memref<1x1x79x128xi32, #tpu.memory_space<hbm>>
      %dma_wait3A_98 = tpu.memref_squeeze %dma_wait3A_97 : memref<1x1x79x128xi32, #tpu.memory_space<hbm>> -> memref<79x128xi32, #tpu.memory_space<hbm>>
      %dma_wait3A_99 = arith.constant 0 : i32
      %dma_wait3A_100 = arith.constant 0 : i32
      %dma_wait3A_101 = tpu.memref_slice %arg8[%run_scoped3A_9, %dma_wait3A_99, %dma_wait3A_100] : memref<2x79x128xi32, #tpu.memory_space<vmem>> -> memref<1x79x128xi32, #tpu.memory_space<vmem>>
      %dma_wait3A_102 = tpu.memref_squeeze %dma_wait3A_101 : memref<1x79x128xi32, #tpu.memory_space<vmem>> -> memref<79x128xi32, #tpu.memory_space<vmem>>
      %dma_wait3A_103 = arith.constant 0 : i32
      %dma_wait3A_104 = arith.constant 0 : i32
      %dma_wait3A_105 = tpu.memref_slice %arg4[%add3A_7, %arg0, %dma_wait3A_103, %dma_wait3A_104] : memref<32x2x79x128xi32, #tpu.memory_space<hbm>> -> memref<1x1x79x128xi32, #tpu.memory_space<hbm>>
      %dma_wait3A_106 = tpu.memref_squeeze %dma_wait3A_105 : memref<1x1x79x128xi32, #tpu.memory_space<hbm>> -> memref<79x128xi32, #tpu.memory_space<hbm>>
      tpu.wait_dma2 semaphore(%run_scoped3A_76 : memref<!tpu.dma_semaphore, #tpu.memory_space<semaphore_mem>>) src(%dma_wait3A_106 : memref<79x128xi32, #tpu.memory_space<hbm>>) dst(%dma_wait3A_102 : memref<79x128xi32, #tpu.memory_space<vmem>>)
      tpu.yield
    }) : () -> ()
    %run_scoped3A_10 = arith.constant 1 : i32
    "tpu.region"() ({
      %run_scoped3A_76 = tpu.sem_alloc : memref<!tpu.dma_semaphore, #tpu.memory_space<semaphore_mem>>
      %dma_start3A = arith.constant 0 : i32
      %dma_start3A_77 = tpu.memref_slice %arg9[%run_scoped3A_10, %dma_start3A] : memref<2x16xi32, #tpu.memory_space<vmem>> -> memref<1x16xi32, #tpu.memory_space<vmem>>
      %dma_start3A_78 = tpu.memref_squeeze %dma_start3A_77 : memref<1x16xi32, #tpu.memory_space<vmem>> -> memref<16xi32, #tpu.memory_space<vmem>>
      %dma_start3A_79 = arith.constant 0 : i32
      %dma_start3A_80 = tpu.memref_slice %arg5[%add3A_7, %arg0, %dma_start3A_79] : memref<32x2x16xi32, #tpu.memory_space<hbm>> -> memref<1x1x16xi32, #tpu.memory_space<hbm>>
      %dma_start3A_81 = tpu.memref_squeeze %dma_start3A_80 : memref<1x1x16xi32, #tpu.memory_space<hbm>> -> memref<16xi32, #tpu.memory_space<hbm>>
      %dma_start3A_82 = arith.constant 0 : i32
      %dma_start3A_83 = tpu.memref_slice %arg9[%run_scoped3A_10, %dma_start3A_82] : memref<2x16xi32, #tpu.memory_space<vmem>> -> memref<1x16xi32, #tpu.memory_space<vmem>>
      %dma_start3A_84 = tpu.memref_squeeze %dma_start3A_83 : memref<1x16xi32, #tpu.memory_space<vmem>> -> memref<16xi32, #tpu.memory_space<vmem>>
      %dma_start3A_85 = arith.constant 0 : i32
      %dma_start3A_86 = tpu.memref_slice %arg5[%add3A_7, %arg0, %dma_start3A_85] : memref<32x2x16xi32, #tpu.memory_space<hbm>> -> memref<1x1x16xi32, #tpu.memory_space<hbm>>
      %dma_start3A_87 = tpu.memref_squeeze %dma_start3A_86 : memref<1x1x16xi32, #tpu.memory_space<hbm>> -> memref<16xi32, #tpu.memory_space<hbm>>
      tpu.enqueue_dma source(%dma_start3A_87 : memref<16xi32, #tpu.memory_space<hbm>>) target(%dma_start3A_84 : memref<16xi32, #tpu.memory_space<vmem>>) target_semaphore(%run_scoped3A_76 : memref<!tpu.dma_semaphore, #tpu.memory_space<semaphore_mem>>)
      %dma_wait3A = arith.constant 0 : i32
      %dma_wait3A_88 = tpu.memref_slice %arg9[%run_scoped3A_10, %dma_wait3A] : memref<2x16xi32, #tpu.memory_space<vmem>> -> memref<1x16xi32, #tpu.memory_space<vmem>>
      %dma_wait3A_89 = tpu.memref_squeeze %dma_wait3A_88 : memref<1x16xi32, #tpu.memory_space<vmem>> -> memref<16xi32, #tpu.memory_space<vmem>>
      %dma_wait3A_90 = arith.constant 0 : i32
      %dma_wait3A_91 = tpu.memref_slice %arg5[%add3A_7, %arg0, %dma_wait3A_90] : memref<32x2x16xi32, #tpu.memory_space<hbm>> -> memref<1x1x16xi32, #tpu.memory_space<hbm>>
      %dma_wait3A_92 = tpu.memref_squeeze %dma_wait3A_91 : memref<1x1x16xi32, #tpu.memory_space<hbm>> -> memref<16xi32, #tpu.memory_space<hbm>>
      %dma_wait3A_93 = arith.constant 0 : i32
      %dma_wait3A_94 = tpu.memref_slice %arg9[%run_scoped3A_10, %dma_wait3A_93] : memref<2x16xi32, #tpu.memory_space<vmem>> -> memref<1x16xi32, #tpu.memory_space<vmem>>
      %dma_wait3A_95 = tpu.memref_squeeze %dma_wait3A_94 : memref<1x16xi32, #tpu.memory_space<vmem>> -> memref<16xi32, #tpu.memory_space<vmem>>
      %dma_wait3A_96 = arith.constant 0 : i32
      %dma_wait3A_97 = tpu.memref_slice %arg5[%add3A_7, %arg0, %dma_wait3A_96] : memref<32x2x16xi32, #tpu.memory_space<hbm>> -> memref<1x1x16xi32, #tpu.memory_space<hbm>>
      %dma_wait3A_98 = tpu.memref_squeeze %dma_wait3A_97 : memref<1x1x16xi32, #tpu.memory_space<hbm>> -> memref<16xi32, #tpu.memory_space<hbm>>
      tpu.wait_dma2 semaphore(%run_scoped3A_76 : memref<!tpu.dma_semaphore, #tpu.memory_space<semaphore_mem>>) src(%dma_wait3A_98 : memref<16xi32, #tpu.memory_space<hbm>>) dst(%dma_wait3A_95 : memref<16xi32, #tpu.memory_space<vmem>>)
      tpu.yield
    }) : () -> ()
    %broadcast_in_dim3A = arith.constant 0.000000e+00 : f32
    %broadcast_in_dim3A_11 = vector.broadcast %broadcast_in_dim3A : f32 to vector<16xf32>
    %scan3A = arith.constant 0 : i32
    %scan3A_12 = arith.constant 0 : i32
    %scan3A_13 = arith.constant 1024 : i32
    %scan3A_14 = arith.addi %scan3A_12, %scan3A_13 : i32
    %scan3A_15 = arith.constant 1 : i32
    scf.for %scan3A_76 = %scan3A_12 to %scan3A_14 step %scan3A_15  : i32 {
      %jit3A = arith.constant 8 : i32
      %div3A = arith.divsi %scan3A_76, %jit3A : i32
      %sign3A = arith.constant 0 : i32
      %sign3A_77 = arith.cmpi sgt, %scan3A_76, %sign3A : i32
      %sign3A_78 = arith.extui %sign3A_77 : i1 to i32
      %sign3A_79 = arith.constant 0 : i32
      %sign3A_80 = arith.cmpi slt, %scan3A_76, %sign3A_79 : i32
      %sign3A_81 = arith.extui %sign3A_80 : i1 to i32
      %sign3A_82 = arith.subi %sign3A_78, %sign3A_81 : i32
      %sign3A_83 = arith.constant 0 : i32
      %sign3A_84 = arith.cmpi sgt, %jit3A, %sign3A_83 : i32
      %sign3A_85 = arith.extui %sign3A_84 : i1 to i32
      %sign3A_86 = arith.constant 0 : i32
      %sign3A_87 = arith.cmpi slt, %jit3A, %sign3A_86 : i32
      %sign3A_88 = arith.extui %sign3A_87 : i1 to i32
      %sign3A_89 = arith.subi %sign3A_85, %sign3A_88 : i32
      %ne3A = arith.cmpi ne, %sign3A_82, %sign3A_89 : i32
      %rem3A = arith.remsi %scan3A_76, %jit3A : i32
      %ne3A_90 = arith.constant 0 : i32
      %ne3A_91 = arith.cmpi ne, %rem3A, %ne3A_90 : i32
      %and3A = arith.andi %ne3A, %ne3A_91 : i1
      %sub3A = arith.constant 1 : i32
      %sub3A_92 = arith.subi %div3A, %sub3A : i32
      %select_n3A = arith.select %and3A, %sub3A_92, %div3A : i32
      %jit3A_93 = arith.constant 8 : i32
      %eq3A = arith.constant 0 : i32
      %eq3A_94 = arith.cmpi eq, %jit3A_93, %eq3A : i32
      %jit3A_95 = arith.constant 1 : i32
      %select_n3A_96 = arith.select %eq3A_94, %jit3A_95, %jit3A_93 : i32
      %rem3A_97 = arith.remsi %scan3A_76, %select_n3A_96 : i32
      %ne3A_98 = arith.constant 0 : i32
      %ne3A_99 = arith.cmpi ne, %rem3A_97, %ne3A_98 : i32
      %lt3A = arith.constant 0 : i32
      %lt3A_100 = arith.cmpi slt, %rem3A_97, %lt3A : i32
      %lt3A_101 = arith.constant 0 : i32
      %lt3A_102 = arith.cmpi slt, %select_n3A_96, %lt3A_101 : i32
      %ne3A_103 = arith.xori %lt3A_100, %lt3A_102 : i1
      %and3A_104 = arith.andi %ne3A_103, %ne3A_99 : i1
      %add3A_105 = arith.addi %rem3A_97, %select_n3A_96 : i32
      %select_n3A_106 = arith.select %and3A_104, %add3A_105, %rem3A_97 : i32
      %mul3A_107 = arith.constant 16 : i32
      %mul3A_108 = arith.muli %select_n3A_106, %mul3A_107 : i32
      %swap3A = arith.index_cast %select_n3A : i32 to index
      %swap3A_109 = arith.index_cast %mul3A_108 : i32 to index
      %swap3A_110 = tpu.vector_load %arg10[%swap3A, %swap3A_109] {strides = array<i32>} : memref<128x128xf32, #tpu.memory_space<vmem>>, vector<16xf32>,
      tpu.vector_store %arg10[%swap3A, %swap3A_109], %broadcast_in_dim3A_11 {strides = array<i32>} : memref<128x128xf32, #tpu.memory_space<vmem>>, vector<16xf32>,
    }
    %scan3A_16 = arith.constant 1024 : i32
    %mul3A_17 = arith.constant 336 : i32
    %mul3A_18 = arith.muli %arg1, %mul3A_17 : i32
    "tpu.region"() ({
      %run_scoped3A_76 = tpu.sem_alloc : memref<!tpu.dma_semaphore, #tpu.memory_space<semaphore_mem>>
      %dma_start3A = arith.constant 0 : i32
      %dma_start3A_77 = tpu.memref_slice %arg11[%mul3A_18, %dma_start3A] : memref<5376x128xf32, #tpu.memory_space<vmem_shared>> -> memref<128x128xf32, #tpu.memory_space<vmem_shared>>
      %dma_start3A_78 = arith.constant 0 : i32
      %dma_start3A_79 = tpu.memref_slice %arg11[%mul3A_18, %dma_start3A_78] : memref<5376x128xf32, #tpu.memory_space<vmem_shared>> -> memref<128x128xf32, #tpu.memory_space<vmem_shared>>
      tpu.enqueue_dma source(%arg10 : memref<128x128xf32, #tpu.memory_space<vmem>>) target(%dma_start3A_79 : memref<128x128xf32, #tpu.memory_space<vmem_shared>>) target_semaphore(%run_scoped3A_76 : memref<!tpu.dma_semaphore, #tpu.memory_space<semaphore_mem>>)
      %dma_wait3A = arith.constant 0 : i32
      %dma_wait3A_80 = tpu.memref_slice %arg11[%mul3A_18, %dma_wait3A] : memref<5376x128xf32, #tpu.memory_space<vmem_shared>> -> memref<128x128xf32, #tpu.memory_space<vmem_shared>>
      %dma_wait3A_81 = arith.constant 0 : i32
      %dma_wait3A_82 = tpu.memref_slice %arg11[%mul3A_18, %dma_wait3A_81] : memref<5376x128xf32, #tpu.memory_space<vmem_shared>> -> memref<128x128xf32, #tpu.memory_space<vmem_shared>>
      tpu.wait_dma2 semaphore(%run_scoped3A_76 : memref<!tpu.dma_semaphore, #tpu.memory_space<semaphore_mem>>) src(%arg10 : memref<128x128xf32, #tpu.memory_space<vmem>>) dst(%dma_wait3A_82 : memref<128x128xf32, #tpu.memory_space<vmem_shared>>)
      tpu.yield
    }) : () -> ()
    %mul3A_19 = arith.constant 336 : i32
    %mul3A_20 = arith.muli %arg1, %mul3A_19 : i32
    %add3A_21 = arith.constant 128 : i32
    %add3A_22 = arith.addi %mul3A_20, %add3A_21 : i32
    "tpu.region"() ({
      %run_scoped3A_76 = tpu.sem_alloc : memref<!tpu.dma_semaphore, #tpu.memory_space<semaphore_mem>>
      %dma_start3A = arith.constant 0 : i32
      %dma_start3A_77 = tpu.memref_slice %arg11[%add3A_22, %dma_start3A] : memref<5376x128xf32, #tpu.memory_space<vmem_shared>> -> memref<128x128xf32, #tpu.memory_space<vmem_shared>>
      %dma_start3A_78 = arith.constant 0 : i32
      %dma_start3A_79 = tpu.memref_slice %arg11[%add3A_22, %dma_start3A_78] : memref<5376x128xf32, #tpu.memory_space<vmem_shared>> -> memref<128x128xf32, #tpu.memory_space<vmem_shared>>
      tpu.enqueue_dma source(%arg10 : memref<128x128xf32, #tpu.memory_space<vmem>>) target(%dma_start3A_79 : memref<128x128xf32, #tpu.memory_space<vmem_shared>>) target_semaphore(%run_scoped3A_76 : memref<!tpu.dma_semaphore, #tpu.memory_space<semaphore_mem>>)
      %dma_wait3A = arith.constant 0 : i32
      %dma_wait3A_80 = tpu.memref_slice %arg11[%add3A_22, %dma_wait3A] : memref<5376x128xf32, #tpu.memory_space<vmem_shared>> -> memref<128x128xf32, #tpu.memory_space<vmem_shared>>
      %dma_wait3A_81 = arith.constant 0 : i32
      %dma_wait3A_82 = tpu.memref_slice %arg11[%add3A_22, %dma_wait3A_81] : memref<5376x128xf32, #tpu.memory_space<vmem_shared>> -> memref<128x128xf32, #tpu.memory_space<vmem_shared>>
      tpu.wait_dma2 semaphore(%run_scoped3A_76 : memref<!tpu.dma_semaphore, #tpu.memory_space<semaphore_mem>>) src(%arg10 : memref<128x128xf32, #tpu.memory_space<vmem>>) dst(%dma_wait3A_82 : memref<128x128xf32, #tpu.memory_space<vmem_shared>>)
      tpu.yield
    }) : () -> ()
    %mul3A_23 = arith.constant 336 : i32
    %mul3A_24 = arith.muli %arg1, %mul3A_23 : i32
    %add3A_25 = arith.constant 256 : i32
    %add3A_26 = arith.addi %mul3A_24, %add3A_25 : i32
    "tpu.region"() ({
      %run_scoped3A_76 = tpu.sem_alloc : memref<!tpu.dma_semaphore, #tpu.memory_space<semaphore_mem>>
      %dma_start3A = arith.constant 0 : i32
      %dma_start3A_77 = arith.constant 0 : i32
      %dma_start3A_78 = tpu.memref_slice %arg10[%dma_start3A, %dma_start3A_77] : memref<128x128xf32, #tpu.memory_space<vmem>> -> memref<80x128xf32, #tpu.memory_space<vmem>>
      %dma_start3A_79 = arith.constant 0 : i32
      %dma_start3A_80 = tpu.memref_slice %arg11[%add3A_26, %dma_start3A_79] : memref<5376x128xf32, #tpu.memory_space<vmem_shared>> -> memref<80x128xf32, #tpu.memory_space<vmem_shared>>
      %dma_start3A_81 = arith.constant 0 : i32
      %dma_start3A_82 = tpu.memref_slice %arg11[%add3A_26, %dma_start3A_81] : memref<5376x128xf32, #tpu.memory_space<vmem_shared>> -> memref<80x128xf32, #tpu.memory_space<vmem_shared>>
      %dma_start3A_83 = arith.constant 0 : i32
      %dma_start3A_84 = arith.constant 0 : i32
      %dma_start3A_85 = tpu.memref_slice %arg10[%dma_start3A_83, %dma_start3A_84] : memref<128x128xf32, #tpu.memory_space<vmem>> -> memref<80x128xf32, #tpu.memory_space<vmem>>
      tpu.enqueue_dma source(%dma_start3A_85 : memref<80x128xf32, #tpu.memory_space<vmem>>) target(%dma_start3A_82 : memref<80x128xf32, #tpu.memory_space<vmem_shared>>) target_semaphore(%run_scoped3A_76 : memref<!tpu.dma_semaphore, #tpu.memory_space<semaphore_mem>>)
      %dma_wait3A = arith.constant 0 : i32
      %dma_wait3A_86 = arith.constant 0 : i32
      %dma_wait3A_87 = tpu.memref_slice %arg10[%dma_wait3A, %dma_wait3A_86] : memref<128x128xf32, #tpu.memory_space<vmem>> -> memref<80x128xf32, #tpu.memory_space<vmem>>
      %dma_wait3A_88 = arith.constant 0 : i32
      %dma_wait3A_89 = tpu.memref_slice %arg11[%add3A_26, %dma_wait3A_88] : memref<5376x128xf32, #tpu.memory_space<vmem_shared>> -> memref<80x128xf32, #tpu.memory_space<vmem_shared>>
      %dma_wait3A_90 = arith.constant 0 : i32
      %dma_wait3A_91 = tpu.memref_slice %arg11[%add3A_26, %dma_wait3A_90] : memref<5376x128xf32, #tpu.memory_space<vmem_shared>> -> memref<80x128xf32, #tpu.memory_space<vmem_shared>>
      %dma_wait3A_92 = arith.constant 0 : i32
      %dma_wait3A_93 = arith.constant 0 : i32
      %dma_wait3A_94 = tpu.memref_slice %arg10[%dma_wait3A_92, %dma_wait3A_93] : memref<128x128xf32, #tpu.memory_space<vmem>> -> memref<80x128xf32, #tpu.memory_space<vmem>>
      tpu.wait_dma2 semaphore(%run_scoped3A_76 : memref<!tpu.dma_semaphore, #tpu.memory_space<semaphore_mem>>) src(%dma_wait3A_94 : memref<80x128xf32, #tpu.memory_space<vmem>>) dst(%dma_wait3A_91 : memref<80x128xf32, #tpu.memory_space<vmem_shared>>)
      tpu.yield
    }) : () -> ()
    %barrier3A = arith.constant 0 : index
    tpu.barrier barrier_id(%barrier3A)
    %get3A = arith.constant 0 : i32
    %get3A_27 = arith.index_cast %get3A : i32 to index
    %get3A_28 = arith.constant 0 : index
    %get3A_29 = tpu.vector_load %arg9[%get3A_27, %get3A_28] {strides = array<i32>} : memref<2x16xi32, #tpu.memory_space<vmem>>, vector<16xi32>,
    %reduce_max3A = arith.constant true
    %reduce_max3A_30 = vector.broadcast %reduce_max3A : i1 to vector<16xi1>
    %reduce_max3A_31 = arith.constant -2147483648 : i32
    %reduce_max3A_32 = vector.broadcast %reduce_max3A_31 : i32 to vector<16xi32>
    %reduce_max3A_33 = arith.xori %get3A_29, %reduce_max3A_32 : vector<16xi32>
    %reduce_max3A_34 = tpu.scan <max>, %reduce_max3A_33 masked %reduce_max3A_30 : vector<16xi32>, vector<16xi1> -> vector<16xi32>
    %reduce_max3A_35 = arith.xori %reduce_max3A_34, %reduce_max3A_32 : vector<16xi32>
    %reduce_max3A_36 = vector.extract %reduce_max3A_35[15] : i32 from vector<16xi32>
    %while3A = arith.constant 0 : i32
    %while3A_37 = arith.constant 0 : i32
    %while3A_38 = arith.subi %reduce_max3A_36, %while3A_37 : i32
    %while3A_39 = arith.addi %while3A_37, %while3A_38 : i32
    %while3A_40 = arith.constant 1 : i32
    %while3A_41 = arith.divsi %while3A_38, %while3A_40 : i32
    %while3A_42 = arith.muli %while3A_41, %while3A_40 : i32
    %while3A_43 = arith.addi %while3A_37, %while3A_42 : i32
    %while3A_44 = arith.constant 1 : i32
    scf.for %while3A_76 = %while3A_37 to %while3A_43 step %while3A_44  : i32 {
      %run_scoped3A_77 = arith.constant 0 : i32
      "tpu.region"() ({
        %run_scoped3A_79 = tpu.sem_alloc : memref<!tpu.dma_semaphore, #tpu.memory_space<semaphore_mem>>
        %dma_start3A = arith.constant 0 : i32
        %dma_start3A_80 = tpu.memref_slice %arg7[%run_scoped3A_77, %while3A_76, %dma_start3A] : memref<2x79x128xi32, #tpu.memory_space<vmem>> -> memref<1x1x128xi32, #tpu.memory_space<vmem>>
        %dma_start3A_81 = tpu.memref_squeeze %dma_start3A_80 : memref<1x1x128xi32, #tpu.memory_space<vmem>> -> memref<128xi32, #tpu.memory_space<vmem>>
        %dma_start3A_82 = arith.constant 0 : i32
        %dma_start3A_83 = arith.constant 0 : i32
        %dma_start3A_84 = tpu.memref_slice %arg2[%dma_start3A_82, %dma_start3A_83] : memref<10000x128xf32, #tpu.memory_space<hbm>> -> memref<10000x128xf32, #tpu.memory_space<hbm>>
        tpu.enqueue_indirect_dma source(%dma_start3A_84 : memref<10000x128xf32, #tpu.memory_space<hbm>>) target(%arg10 : memref<128x128xf32, #tpu.memory_space<vmem>>) offsets(%dma_start3A_81 : memref<128xi32, #tpu.memory_space<vmem>>) semaphore(%run_scoped3A_79 : memref<!tpu.dma_semaphore, #tpu.memory_space<semaphore_mem>>)
        %dma_wait3A = arith.constant 0 : i32
        %dma_wait3A_85 = tpu.memref_slice %arg7[%run_scoped3A_77, %while3A_76, %dma_wait3A] : memref<2x79x128xi32, #tpu.memory_space<vmem>> -> memref<1x1x128xi32, #tpu.memory_space<vmem>>
        %dma_wait3A_86 = tpu.memref_squeeze %dma_wait3A_85 : memref<1x1x128xi32, #tpu.memory_space<vmem>> -> memref<128xi32, #tpu.memory_space<vmem>>
        %dma_wait3A_87 = arith.constant 0 : i32
        %dma_wait3A_88 = arith.constant 0 : i32
        %dma_wait3A_89 = tpu.memref_slice %arg2[%dma_wait3A_87, %dma_wait3A_88] : memref<10000x128xf32, #tpu.memory_space<hbm>> -> memref<10000x128xf32, #tpu.memory_space<hbm>>
        tpu.wait_indirect_dma semaphore(%run_scoped3A_79 : memref<!tpu.dma_semaphore, #tpu.memory_space<semaphore_mem>>) src(%dma_wait3A_89 : memref<10000x128xf32, #tpu.memory_space<hbm>>) dst(%arg10 : memref<128x128xf32, #tpu.memory_space<vmem>>)
        tpu.yield
      }) : () -> ()
      %run_scoped3A_78 = arith.constant 0 : i32
      "tpu.region"() ({
        %run_scoped3A_79 = tpu.sem_alloc : memref<!tpu.dma_semaphore, #tpu.memory_space<semaphore_mem>>
        %dma_start3A = arith.constant 0 : i32
        %dma_start3A_80 = tpu.memref_slice %arg8[%run_scoped3A_78, %while3A_76, %dma_start3A] : memref<2x79x128xi32, #tpu.memory_space<vmem>> -> memref<1x1x128xi32, #tpu.memory_space<vmem>>
        %dma_start3A_81 = tpu.memref_squeeze %dma_start3A_80 : memref<1x1x128xi32, #tpu.memory_space<vmem>> -> memref<128xi32, #tpu.memory_space<vmem>>
        %dma_start3A_82 = arith.constant 0 : i32
        %dma_start3A_83 = arith.constant 0 : i32
        %dma_start3A_84 = tpu.memref_slice %arg11[%dma_start3A_82, %dma_start3A_83] : memref<5376x128xf32, #tpu.memory_space<vmem_shared>> -> memref<5376x128xf32, #tpu.memory_space<vmem_shared>>
        tpu.enqueue_indirect_dma source(%arg10 : memref<128x128xf32, #tpu.memory_space<vmem>>) target(%dma_start3A_84 : memref<5376x128xf32, #tpu.memory_space<vmem_shared>>) offsets(%dma_start3A_81 : memref<128xi32, #tpu.memory_space<vmem>>) semaphore(%run_scoped3A_79 : memref<!tpu.dma_semaphore, #tpu.memory_space<semaphore_mem>>) {add = true}
        %dma_wait3A = arith.constant 0 : i32
        %dma_wait3A_85 = tpu.memref_slice %arg8[%run_scoped3A_78, %while3A_76, %dma_wait3A] : memref<2x79x128xi32, #tpu.memory_space<vmem>> -> memref<1x1x128xi32, #tpu.memory_space<vmem>>
        %dma_wait3A_86 = tpu.memref_squeeze %dma_wait3A_85 : memref<1x1x128xi32, #tpu.memory_space<vmem>> -> memref<128xi32, #tpu.memory_space<vmem>>
        %dma_wait3A_87 = arith.constant 0 : i32
        %dma_wait3A_88 = arith.constant 0 : i32
        %dma_wait3A_89 = tpu.memref_slice %arg11[%dma_wait3A_87, %dma_wait3A_88] : memref<5376x128xf32, #tpu.memory_space<vmem_shared>> -> memref<5376x128xf32, #tpu.memory_space<vmem_shared>>
        tpu.wait_indirect_dma semaphore(%run_scoped3A_79 : memref<!tpu.dma_semaphore, #tpu.memory_space<semaphore_mem>>) src(%arg10 : memref<128x128xf32, #tpu.memory_space<vmem>>) dst(%dma_wait3A_89 : memref<5376x128xf32, #tpu.memory_space<vmem_shared>>)
        tpu.yield
      }) : () -> ()
    }
    %while3A_45 = arith.constant 1 : i32
    scf.for %while3A_76 = %while3A_43 to %while3A_39 step %while3A_45  : i32 {
      %run_scoped3A_77 = arith.constant 0 : i32
      "tpu.region"() ({
        %run_scoped3A_79 = tpu.sem_alloc : memref<!tpu.dma_semaphore, #tpu.memory_space<semaphore_mem>>
        %dma_start3A = arith.constant 0 : i32
        %dma_start3A_80 = tpu.memref_slice %arg7[%run_scoped3A_77, %while3A_76, %dma_start3A] : memref<2x79x128xi32, #tpu.memory_space<vmem>> -> memref<1x1x128xi32, #tpu.memory_space<vmem>>
        %dma_start3A_81 = tpu.memref_squeeze %dma_start3A_80 : memref<1x1x128xi32, #tpu.memory_space<vmem>> -> memref<128xi32, #tpu.memory_space<vmem>>
        %dma_start3A_82 = arith.constant 0 : i32
        %dma_start3A_83 = arith.constant 0 : i32
        %dma_start3A_84 = tpu.memref_slice %arg2[%dma_start3A_82, %dma_start3A_83] : memref<10000x128xf32, #tpu.memory_space<hbm>> -> memref<10000x128xf32, #tpu.memory_space<hbm>>
        tpu.enqueue_indirect_dma source(%dma_start3A_84 : memref<10000x128xf32, #tpu.memory_space<hbm>>) target(%arg10 : memref<128x128xf32, #tpu.memory_space<vmem>>) offsets(%dma_start3A_81 : memref<128xi32, #tpu.memory_space<vmem>>) semaphore(%run_scoped3A_79 : memref<!tpu.dma_semaphore, #tpu.memory_space<semaphore_mem>>)
        %dma_wait3A = arith.constant 0 : i32
        %dma_wait3A_85 = tpu.memref_slice %arg7[%run_scoped3A_77, %while3A_76, %dma_wait3A] : memref<2x79x128xi32, #tpu.memory_space<vmem>> -> memref<1x1x128xi32, #tpu.memory_space<vmem>>
        %dma_wait3A_86 = tpu.memref_squeeze %dma_wait3A_85 : memref<1x1x128xi32, #tpu.memory_space<vmem>> -> memref<128xi32, #tpu.memory_space<vmem>>
        %dma_wait3A_87 = arith.constant 0 : i32
        %dma_wait3A_88 = arith.constant 0 : i32
        %dma_wait3A_89 = tpu.memref_slice %arg2[%dma_wait3A_87, %dma_wait3A_88] : memref<10000x128xf32, #tpu.memory_space<hbm>> -> memref<10000x128xf32, #tpu.memory_space<hbm>>
        tpu.wait_indirect_dma semaphore(%run_scoped3A_79 : memref<!tpu.dma_semaphore, #tpu.memory_space<semaphore_mem>>) src(%dma_wait3A_89 : memref<10000x128xf32, #tpu.memory_space<hbm>>) dst(%arg10 : memref<128x128xf32, #tpu.memory_space<vmem>>)
        tpu.yield
      }) : () -> ()
      %run_scoped3A_78 = arith.constant 0 : i32
      "tpu.region"() ({
        %run_scoped3A_79 = tpu.sem_alloc : memref<!tpu.dma_semaphore, #tpu.memory_space<semaphore_mem>>
        %dma_start3A = arith.constant 0 : i32
        %dma_start3A_80 = tpu.memref_slice %arg8[%run_scoped3A_78, %while3A_76, %dma_start3A] : memref<2x79x128xi32, #tpu.memory_space<vmem>> -> memref<1x1x128xi32, #tpu.memory_space<vmem>>
        %dma_start3A_81 = tpu.memref_squeeze %dma_start3A_80 : memref<1x1x128xi32, #tpu.memory_space<vmem>> -> memref<128xi32, #tpu.memory_space<vmem>>
        %dma_start3A_82 = arith.constant 0 : i32
        %dma_start3A_83 = arith.constant 0 : i32
        %dma_start3A_84 = tpu.memref_slice %arg11[%dma_start3A_82, %dma_start3A_83] : memref<5376x128xf32, #tpu.memory_space<vmem_shared>> -> memref<5376x128xf32, #tpu.memory_space<vmem_shared>>
        tpu.enqueue_indirect_dma source(%arg10 : memref<128x128xf32, #tpu.memory_space<vmem>>) target(%dma_start3A_84 : memref<5376x128xf32, #tpu.memory_space<vmem_shared>>) offsets(%dma_start3A_81 : memref<128xi32, #tpu.memory_space<vmem>>) semaphore(%run_scoped3A_79 : memref<!tpu.dma_semaphore, #tpu.memory_space<semaphore_mem>>) {add = true}
        %dma_wait3A = arith.constant 0 : i32
        %dma_wait3A_85 = tpu.memref_slice %arg8[%run_scoped3A_78, %while3A_76, %dma_wait3A] : memref<2x79x128xi32, #tpu.memory_space<vmem>> -> memref<1x1x128xi32, #tpu.memory_space<vmem>>
        %dma_wait3A_86 = tpu.memref_squeeze %dma_wait3A_85 : memref<1x1x128xi32, #tpu.memory_space<vmem>> -> memref<128xi32, #tpu.memory_space<vmem>>
        %dma_wait3A_87 = arith.constant 0 : i32
        %dma_wait3A_88 = arith.constant 0 : i32
        %dma_wait3A_89 = tpu.memref_slice %arg11[%dma_wait3A_87, %dma_wait3A_88] : memref<5376x128xf32, #tpu.memory_space<vmem_shared>> -> memref<5376x128xf32, #tpu.memory_space<vmem_shared>>
        tpu.wait_indirect_dma semaphore(%run_scoped3A_79 : memref<!tpu.dma_semaphore, #tpu.memory_space<semaphore_mem>>) src(%arg10 : memref<128x128xf32, #tpu.memory_space<vmem>>) dst(%dma_wait3A_89 : memref<5376x128xf32, #tpu.memory_space<vmem_shared>>)
        tpu.yield
      }) : () -> ()
    }
    %get3A_46 = arith.constant 1 : i32
    %get3A_47 = arith.index_cast %get3A_46 : i32 to index
    %get3A_48 = arith.constant 0 : index
    %get3A_49 = tpu.vector_load %arg9[%get3A_47, %get3A_48] {strides = array<i32>} : memref<2x16xi32, #tpu.memory_space<vmem>>, vector<16xi32>,
    %reduce_max3A_50 = arith.constant true
    %reduce_max3A_51 = vector.broadcast %reduce_max3A_50 : i1 to vector<16xi1>
    %reduce_max3A_52 = arith.constant -2147483648 : i32
    %reduce_max3A_53 = vector.broadcast %reduce_max3A_52 : i32 to vector<16xi32>
    %reduce_max3A_54 = arith.xori %get3A_49, %reduce_max3A_53 : vector<16xi32>
    %reduce_max3A_55 = tpu.scan <max>, %reduce_max3A_54 masked %reduce_max3A_51 : vector<16xi32>, vector<16xi1> -> vector<16xi32>
    %reduce_max3A_56 = arith.xori %reduce_max3A_55, %reduce_max3A_53 : vector<16xi32>
    %reduce_max3A_57 = vector.extract %reduce_max3A_56[15] : i32 from vector<16xi32>
    %while3A_58 = arith.constant 0 : i32
    %while3A_59 = arith.constant 0 : i32
    %while3A_60 = arith.subi %reduce_max3A_57, %while3A_59 : i32
    %while3A_61 = arith.addi %while3A_59, %while3A_60 : i32
    %while3A_62 = arith.constant 1 : i32
    %while3A_63 = arith.divsi %while3A_60, %while3A_62 : i32
    %while3A_64 = arith.muli %while3A_63, %while3A_62 : i32
    %while3A_65 = arith.addi %while3A_59, %while3A_64 : i32
    %while3A_66 = arith.constant 1 : i32
    scf.for %while3A_76 = %while3A_59 to %while3A_65 step %while3A_66  : i32 {
      %run_scoped3A_77 = arith.constant 1 : i32
      "tpu.region"() ({
        %run_scoped3A_79 = tpu.sem_alloc : memref<!tpu.dma_semaphore, #tpu.memory_space<semaphore_mem>>
        %dma_start3A = arith.constant 0 : i32
        %dma_start3A_80 = tpu.memref_slice %arg7[%run_scoped3A_77, %while3A_76, %dma_start3A] : memref<2x79x128xi32, #tpu.memory_space<vmem>> -> memref<1x1x128xi32, #tpu.memory_space<vmem>>
        %dma_start3A_81 = tpu.memref_squeeze %dma_start3A_80 : memref<1x1x128xi32, #tpu.memory_space<vmem>> -> memref<128xi32, #tpu.memory_space<vmem>>
        %dma_start3A_82 = arith.constant 0 : i32
        %dma_start3A_83 = arith.constant 0 : i32
        %dma_start3A_84 = tpu.memref_slice %arg2[%dma_start3A_82, %dma_start3A_83] : memref<10000x128xf32, #tpu.memory_space<hbm>> -> memref<10000x128xf32, #tpu.memory_space<hbm>>
        tpu.enqueue_indirect_dma source(%dma_start3A_84 : memref<10000x128xf32, #tpu.memory_space<hbm>>) target(%arg10 : memref<128x128xf32, #tpu.memory_space<vmem>>) offsets(%dma_start3A_81 : memref<128xi32, #tpu.memory_space<vmem>>) semaphore(%run_scoped3A_79 : memref<!tpu.dma_semaphore, #tpu.memory_space<semaphore_mem>>)
        %dma_wait3A = arith.constant 0 : i32
        %dma_wait3A_85 = tpu.memref_slice %arg7[%run_scoped3A_77, %while3A_76, %dma_wait3A] : memref<2x79x128xi32, #tpu.memory_space<vmem>> -> memref<1x1x128xi32, #tpu.memory_space<vmem>>
        %dma_wait3A_86 = tpu.memref_squeeze %dma_wait3A_85 : memref<1x1x128xi32, #tpu.memory_space<vmem>> -> memref<128xi32, #tpu.memory_space<vmem>>
        %dma_wait3A_87 = arith.constant 0 : i32
        %dma_wait3A_88 = arith.constant 0 : i32
        %dma_wait3A_89 = tpu.memref_slice %arg2[%dma_wait3A_87, %dma_wait3A_88] : memref<10000x128xf32, #tpu.memory_space<hbm>> -> memref<10000x128xf32, #tpu.memory_space<hbm>>
        tpu.wait_indirect_dma semaphore(%run_scoped3A_79 : memref<!tpu.dma_semaphore, #tpu.memory_space<semaphore_mem>>) src(%dma_wait3A_89 : memref<10000x128xf32, #tpu.memory_space<hbm>>) dst(%arg10 : memref<128x128xf32, #tpu.memory_space<vmem>>)
        tpu.yield
      }) : () -> ()
      %run_scoped3A_78 = arith.constant 1 : i32
      "tpu.region"() ({
        %run_scoped3A_79 = tpu.sem_alloc : memref<!tpu.dma_semaphore, #tpu.memory_space<semaphore_mem>>
        %dma_start3A = arith.constant 0 : i32
        %dma_start3A_80 = tpu.memref_slice %arg8[%run_scoped3A_78, %while3A_76, %dma_start3A] : memref<2x79x128xi32, #tpu.memory_space<vmem>> -> memref<1x1x128xi32, #tpu.memory_space<vmem>>
        %dma_start3A_81 = tpu.memref_squeeze %dma_start3A_80 : memref<1x1x128xi32, #tpu.memory_space<vmem>> -> memref<128xi32, #tpu.memory_space<vmem>>
        %dma_start3A_82 = arith.constant 0 : i32
        %dma_start3A_83 = arith.constant 0 : i32
        %dma_start3A_84 = tpu.memref_slice %arg11[%dma_start3A_82, %dma_start3A_83] : memref<5376x128xf32, #tpu.memory_space<vmem_shared>> -> memref<5376x128xf32, #tpu.memory_space<vmem_shared>>
        tpu.enqueue_indirect_dma source(%arg10 : memref<128x128xf32, #tpu.memory_space<vmem>>) target(%dma_start3A_84 : memref<5376x128xf32, #tpu.memory_space<vmem_shared>>) offsets(%dma_start3A_81 : memref<128xi32, #tpu.memory_space<vmem>>) semaphore(%run_scoped3A_79 : memref<!tpu.dma_semaphore, #tpu.memory_space<semaphore_mem>>) {add = true}
        %dma_wait3A = arith.constant 0 : i32
        %dma_wait3A_85 = tpu.memref_slice %arg8[%run_scoped3A_78, %while3A_76, %dma_wait3A] : memref<2x79x128xi32, #tpu.memory_space<vmem>> -> memref<1x1x128xi32, #tpu.memory_space<vmem>>
        %dma_wait3A_86 = tpu.memref_squeeze %dma_wait3A_85 : memref<1x1x128xi32, #tpu.memory_space<vmem>> -> memref<128xi32, #tpu.memory_space<vmem>>
        %dma_wait3A_87 = arith.constant 0 : i32
        %dma_wait3A_88 = arith.constant 0 : i32
        %dma_wait3A_89 = tpu.memref_slice %arg11[%dma_wait3A_87, %dma_wait3A_88] : memref<5376x128xf32, #tpu.memory_space<vmem_shared>> -> memref<5376x128xf32, #tpu.memory_space<vmem_shared>>
        tpu.wait_indirect_dma semaphore(%run_scoped3A_79 : memref<!tpu.dma_semaphore, #tpu.memory_space<semaphore_mem>>) src(%arg10 : memref<128x128xf32, #tpu.memory_space<vmem>>) dst(%dma_wait3A_89 : memref<5376x128xf32, #tpu.memory_space<vmem_shared>>)
        tpu.yield
      }) : () -> ()
    }
    %while3A_67 = arith.constant 1 : i32
    scf.for %while3A_76 = %while3A_65 to %while3A_61 step %while3A_67  : i32 {
      %run_scoped3A_77 = arith.constant 1 : i32
      "tpu.region"() ({
        %run_scoped3A_79 = tpu.sem_alloc : memref<!tpu.dma_semaphore, #tpu.memory_space<semaphore_mem>>
        %dma_start3A = arith.constant 0 : i32
        %dma_start3A_80 = tpu.memref_slice %arg7[%run_scoped3A_77, %while3A_76, %dma_start3A] : memref<2x79x128xi32, #tpu.memory_space<vmem>> -> memref<1x1x128xi32, #tpu.memory_space<vmem>>
        %dma_start3A_81 = tpu.memref_squeeze %dma_start3A_80 : memref<1x1x128xi32, #tpu.memory_space<vmem>> -> memref<128xi32, #tpu.memory_space<vmem>>
        %dma_start3A_82 = arith.constant 0 : i32
        %dma_start3A_83 = arith.constant 0 : i32
        %dma_start3A_84 = tpu.memref_slice %arg2[%dma_start3A_82, %dma_start3A_83] : memref<10000x128xf32, #tpu.memory_space<hbm>> -> memref<10000x128xf32, #tpu.memory_space<hbm>>
        tpu.enqueue_indirect_dma source(%dma_start3A_84 : memref<10000x128xf32, #tpu.memory_space<hbm>>) target(%arg10 : memref<128x128xf32, #tpu.memory_space<vmem>>) offsets(%dma_start3A_81 : memref<128xi32, #tpu.memory_space<vmem>>) semaphore(%run_scoped3A_79 : memref<!tpu.dma_semaphore, #tpu.memory_space<semaphore_mem>>)
        %dma_wait3A = arith.constant 0 : i32
        %dma_wait3A_85 = tpu.memref_slice %arg7[%run_scoped3A_77, %while3A_76, %dma_wait3A] : memref<2x79x128xi32, #tpu.memory_space<vmem>> -> memref<1x1x128xi32, #tpu.memory_space<vmem>>
        %dma_wait3A_86 = tpu.memref_squeeze %dma_wait3A_85 : memref<1x1x128xi32, #tpu.memory_space<vmem>> -> memref<128xi32, #tpu.memory_space<vmem>>
        %dma_wait3A_87 = arith.constant 0 : i32
        %dma_wait3A_88 = arith.constant 0 : i32
        %dma_wait3A_89 = tpu.memref_slice %arg2[%dma_wait3A_87, %dma_wait3A_88] : memref<10000x128xf32, #tpu.memory_space<hbm>> -> memref<10000x128xf32, #tpu.memory_space<hbm>>
        tpu.wait_indirect_dma semaphore(%run_scoped3A_79 : memref<!tpu.dma_semaphore, #tpu.memory_space<semaphore_mem>>) src(%dma_wait3A_89 : memref<10000x128xf32, #tpu.memory_space<hbm>>) dst(%arg10 : memref<128x128xf32, #tpu.memory_space<vmem>>)
        tpu.yield
      }) : () -> ()
      %run_scoped3A_78 = arith.constant 1 : i32
      "tpu.region"() ({
        %run_scoped3A_79 = tpu.sem_alloc : memref<!tpu.dma_semaphore, #tpu.memory_space<semaphore_mem>>
        %dma_start3A = arith.constant 0 : i32
        %dma_start3A_80 = tpu.memref_slice %arg8[%run_scoped3A_78, %while3A_76, %dma_start3A] : memref<2x79x128xi32, #tpu.memory_space<vmem>> -> memref<1x1x128xi32, #tpu.memory_space<vmem>>
        %dma_start3A_81 = tpu.memref_squeeze %dma_start3A_80 : memref<1x1x128xi32, #tpu.memory_space<vmem>> -> memref<128xi32, #tpu.memory_space<vmem>>
        %dma_start3A_82 = arith.constant 0 : i32
        %dma_start3A_83 = arith.constant 0 : i32
        %dma_start3A_84 = tpu.memref_slice %arg11[%dma_start3A_82, %dma_start3A_83] : memref<5376x128xf32, #tpu.memory_space<vmem_shared>> -> memref<5376x128xf32, #tpu.memory_space<vmem_shared>>
        tpu.enqueue_indirect_dma source(%arg10 : memref<128x128xf32, #tpu.memory_space<vmem>>) target(%dma_start3A_84 : memref<5376x128xf32, #tpu.memory_space<vmem_shared>>) offsets(%dma_start3A_81 : memref<128xi32, #tpu.memory_space<vmem>>) semaphore(%run_scoped3A_79 : memref<!tpu.dma_semaphore, #tpu.memory_space<semaphore_mem>>) {add = true}
        %dma_wait3A = arith.constant 0 : i32
        %dma_wait3A_85 = tpu.memref_slice %arg8[%run_scoped3A_78, %while3A_76, %dma_wait3A] : memref<2x79x128xi32, #tpu.memory_space<vmem>> -> memref<1x1x128xi32, #tpu.memory_space<vmem>>
        %dma_wait3A_86 = tpu.memref_squeeze %dma_wait3A_85 : memref<1x1x128xi32, #tpu.memory_space<vmem>> -> memref<128xi32, #tpu.memory_space<vmem>>
        %dma_wait3A_87 = arith.constant 0 : i32
        %dma_wait3A_88 = arith.constant 0 : i32
        %dma_wait3A_89 = tpu.memref_slice %arg11[%dma_wait3A_87, %dma_wait3A_88] : memref<5376x128xf32, #tpu.memory_space<vmem_shared>> -> memref<5376x128xf32, #tpu.memory_space<vmem_shared>>
        tpu.wait_indirect_dma semaphore(%run_scoped3A_79 : memref<!tpu.dma_semaphore, #tpu.memory_space<semaphore_mem>>) src(%arg10 : memref<128x128xf32, #tpu.memory_space<vmem>>) dst(%dma_wait3A_89 : memref<5376x128xf32, #tpu.memory_space<vmem_shared>>)
        tpu.yield
      }) : () -> ()
    }
    %barrier3A_68 = arith.constant 0 : index
    tpu.barrier barrier_id(%barrier3A_68)
    %mul3A_69 = arith.constant 320 : i32
    %mul3A_70 = arith.muli %arg1, %mul3A_69 : i32
    %mul3A_71 = arith.constant 5120 : i32
    %mul3A_72 = arith.muli %arg0, %mul3A_71 : i32
    %mul3A_73 = arith.constant 320 : i32
    %mul3A_74 = arith.muli %arg1, %mul3A_73 : i32
    %add3A_75 = arith.addi %mul3A_72, %mul3A_74 : i32
    "tpu.region"() ({
      %run_scoped3A_76 = tpu.sem_alloc : memref<!tpu.dma_semaphore, #tpu.memory_space<semaphore_mem>>
      %dma_start3A = arith.constant 0 : i32
      %dma_start3A_77 = tpu.memref_slice %arg6[%add3A_75, %dma_start3A] : memref<10240x128xf32, #tpu.memory_space<hbm>> -> memref<320x128xf32, #tpu.memory_space<hbm>>
      %dma_start3A_78 = arith.constant 0 : i32
      %dma_start3A_79 = tpu.memref_slice %arg11[%mul3A_70, %dma_start3A_78] : memref<5376x128xf32, #tpu.memory_space<vmem_shared>> -> memref<320x128xf32, #tpu.memory_space<vmem_shared>>
      tpu.enqueue_dma source(%dma_start3A_79 : memref<320x128xf32, #tpu.memory_space<vmem_shared>>) target(%dma_start3A_77 : memref<320x128xf32, #tpu.memory_space<hbm>>) target_semaphore(%run_scoped3A_76 : memref<!tpu.dma_semaphore, #tpu.memory_space<semaphore_mem>>)
      %dma_wait3A = arith.constant 0 : i32
      %dma_wait3A_80 = tpu.memref_slice %arg6[%add3A_75, %dma_wait3A] : memref<10240x128xf32, #tpu.memory_space<hbm>> -> memref<320x128xf32, #tpu.memory_space<hbm>>
      %dma_wait3A_81 = arith.constant 0 : i32
      %dma_wait3A_82 = tpu.memref_slice %arg11[%mul3A_70, %dma_wait3A_81] : memref<5376x128xf32, #tpu.memory_space<vmem_shared>> -> memref<320x128xf32, #tpu.memory_space<vmem_shared>>
      tpu.wait_dma2 semaphore(%run_scoped3A_76 : memref<!tpu.dma_semaphore, #tpu.memory_space<semaphore_mem>>) src(%dma_wait3A_82 : memref<320x128xf32, #tpu.memory_space<vmem_shared>>) dst(%dma_wait3A_80 : memref<320x128xf32, #tpu.memory_space<hbm>>)
      tpu.yield
    }) : () -> ()
    return
  }
}

module attributes {stable_mosaic.version = 14 : i64} {
  func.func @_a0_body(%arg0: memref<32x2x10000xf32, #tpu.memory_space<vmem>>, %arg1: memref<2x10000xf32, #tpu.memory_space<vmem>>) attributes {dimension_semantics = [], scalar_prefetch = 0 : i64, scratch_operands = 0 : i64, tpu.core_type = #tpu.core_type<tc>} {
    %get3A = arith.constant 0 : index
    %get3A_0 = arith.constant 0 : index
    %get3A_1 = arith.constant 0 : index
    %get3A_2 = vector.load %arg0[%get3A, %get3A_0, %get3A_1] : memref<32x2x10000xf32, #tpu.memory_space<vmem>>, vector<32x2x10000xf32>
    %reduce_sum3A = arith.constant dense<0.000000e+00> : vector<2x10000xf32>
    %reduce_sum3A_3 = vector.multi_reduction <add>, %get3A_2, %reduce_sum3A [0] : vector<32x2x10000xf32> to vector<2x10000xf32>
    %max3A = arith.constant 1.000000e+00 : f32
    %max3A_4 = vector.broadcast %max3A : f32 to vector<2x10000xf32>
    %max3A_5 = arith.maximumf %reduce_sum3A_3, %max3A_4 : vector<2x10000xf32>
    %rsqrt3A = math.rsqrt %max3A_5 : vector<2x10000xf32>
    %swap3A = arith.constant 0 : index
    %swap3A_6 = arith.constant 0 : index
    %swap3A_7 = vector.load %arg1[%swap3A, %swap3A_6] : memref<2x10000xf32, #tpu.memory_space<vmem>>, vector<2x10000xf32>
    tpu.vector_store %arg1[%swap3A, %swap3A_6], %rsqrt3A {strides = array<i32>} : memref<2x10000xf32, #tpu.memory_space<vmem>>, vector<2x10000xf32>,
    return
  }
}

module attributes {stable_mosaic.version = 14 : i64} {
  func.func @_a1_body(%arg0: memref<10000x128xf32, #tpu.memory_space<vmem>>, %arg1: memref<10000x1xf32, #tpu.memory_space<vmem>>, %arg2: memref<128x128xf32, #tpu.memory_space<vmem>>, %arg3: memref<10000x128xf32, #tpu.memory_space<vmem>>) attributes {dimension_semantics = [], scalar_prefetch = 0 : i64, scratch_operands = 0 : i64, tpu.core_type = #tpu.core_type<tc>} {
    %get3A = arith.constant 0 : index
    %get3A_0 = arith.constant 0 : index
    %get3A_1 = vector.load %arg0[%get3A, %get3A_0] : memref<10000x128xf32, #tpu.memory_space<vmem>>, vector<10000x128xf32>
    %get3A_2 = arith.constant 0 : index
    %get3A_3 = arith.constant 0 : index
    %get3A_4 = vector.load %arg1[%get3A_2, %get3A_3] : memref<10000x1xf32, #tpu.memory_space<vmem>>, vector<10000x1xf32>
    %mul3A = vector.broadcast %get3A_4 : vector<10000x1xf32> to vector<10000x128xf32>
    %mul3A_5 = arith.mulf %get3A_1, %mul3A : vector<10000x128xf32>
    %get3A_6 = arith.constant 0 : index
    %get3A_7 = arith.constant 0 : index
    %get3A_8 = vector.load %arg2[%get3A_6, %get3A_7] : memref<128x128xf32, #tpu.memory_space<vmem>>, vector<128x128xf32>
    %dot_general3A = arith.constant dense<0.000000e+00> : vector<10000x128xf32>
    %dot_general3A_9 = tpu.matmul %mul3A_5, %get3A_8, %dot_general3A {dimension_numbers = #tpu.dot_dimension_numbers<[1], [0], [0], [1], [0, 0, 1, 1], [], []>, transpose_lhs_hint = false} : vector<10000x128xf32>, vector<128x128xf32>, vector<10000x128xf32> -> vector<10000x128xf32>
    %swap3A = arith.constant 0 : index
    %swap3A_10 = arith.constant 0 : index
    %swap3A_11 = vector.load %arg3[%swap3A, %swap3A_10] : memref<10000x128xf32, #tpu.memory_space<vmem>>, vector<10000x128xf32>
    tpu.vector_store %arg3[%swap3A, %swap3A_10], %dot_general3A_9 {strides = array<i32>} : memref<10000x128xf32, #tpu.memory_space<vmem>>, vector<10000x128xf32>,
    return
  }
}

module attributes {stable_mosaic.version = 14 : i64} {
  func.func @_b_body(%arg0: memref<10000x128xf32, #tpu.memory_space<vmem>>, %arg1: memref<10000x1xf32, #tpu.memory_space<vmem>>, %arg2: memref<10000x1xf32, #tpu.memory_space<vmem>>, %arg3: memref<1x128xf32, #tpu.memory_space<vmem>>, %arg4: memref<128x128xf32, #tpu.memory_space<vmem>>, %arg5: memref<10000x128xf32, #tpu.memory_space<vmem>>) attributes {dimension_semantics = [], scalar_prefetch = 0 : i64, scratch_operands = 0 : i64, tpu.core_type = #tpu.core_type<tc>} {
    %get3A = arith.constant 0 : index
    %get3A_0 = arith.constant 0 : index
    %get3A_1 = vector.load %arg0[%get3A, %get3A_0] : memref<10000x128xf32, #tpu.memory_space<vmem>>, vector<10000x128xf32>
    %get3A_2 = arith.constant 0 : index
    %get3A_3 = arith.constant 0 : index
    %get3A_4 = vector.load %arg1[%get3A_2, %get3A_3] : memref<10000x1xf32, #tpu.memory_space<vmem>>, vector<10000x1xf32>
    %mul3A = vector.broadcast %get3A_4 : vector<10000x1xf32> to vector<10000x128xf32>
    %mul3A_5 = arith.mulf %get3A_1, %mul3A : vector<10000x128xf32>
    %get3A_6 = arith.constant 0 : index
    %get3A_7 = arith.constant 0 : index
    %get3A_8 = vector.load %arg3[%get3A_6, %get3A_7] : memref<1x128xf32, #tpu.memory_space<vmem>>, vector<1x128xf32>
    %add3A = vector.broadcast %get3A_8 : vector<1x128xf32> to vector<10000x128xf32>
    %add3A_9 = arith.addf %mul3A_5, %add3A : vector<10000x128xf32>
    %tanh3A = math.tanh %add3A_9 : vector<10000x128xf32>
    %get3A_10 = arith.constant 0 : index
    %get3A_11 = arith.constant 0 : index
    %get3A_12 = vector.load %arg2[%get3A_10, %get3A_11] : memref<10000x1xf32, #tpu.memory_space<vmem>>, vector<10000x1xf32>
    %mul3A_13 = vector.broadcast %get3A_12 : vector<10000x1xf32> to vector<10000x128xf32>
    %mul3A_14 = arith.mulf %tanh3A, %mul3A_13 : vector<10000x128xf32>
    %get3A_15 = arith.constant 0 : index
    %get3A_16 = arith.constant 0 : index
    %get3A_17 = vector.load %arg4[%get3A_15, %get3A_16] : memref<128x128xf32, #tpu.memory_space<vmem>>, vector<128x128xf32>
    %dot_general3A = arith.constant dense<0.000000e+00> : vector<10000x128xf32>
    %dot_general3A_18 = tpu.matmul %mul3A_14, %get3A_17, %dot_general3A {dimension_numbers = #tpu.dot_dimension_numbers<[1], [0], [0], [1], [0, 0, 1, 1], [], []>, transpose_lhs_hint = false} : vector<10000x128xf32>, vector<128x128xf32>, vector<10000x128xf32> -> vector<10000x128xf32>
    %swap3A = arith.constant 0 : index
    %swap3A_19 = arith.constant 0 : index
    %swap3A_20 = vector.load %arg5[%swap3A, %swap3A_19] : memref<10000x128xf32, #tpu.memory_space<vmem>>, vector<10000x128xf32>
    tpu.vector_store %arg5[%swap3A, %swap3A_19], %dot_general3A_18 {strides = array<i32>} : memref<10000x128xf32, #tpu.memory_space<vmem>>, vector<10000x128xf32>,
    return
  }
}

module attributes {stable_mosaic.version = 14 : i64} {
  func.func @_c_body(%arg0: memref<10000x128xf32, #tpu.memory_space<vmem>>, %arg1: memref<10000x1xf32, #tpu.memory_space<vmem>>, %arg2: memref<1x128xf32, #tpu.memory_space<vmem>>, %arg3: memref<10000x128xf32, #tpu.memory_space<vmem>>) attributes {dimension_semantics = [], scalar_prefetch = 0 : i64, scratch_operands = 0 : i64, tpu.core_type = #tpu.core_type<tc>} {
    %get3A = arith.constant 0 : index
    %get3A_0 = arith.constant 0 : index
    %get3A_1 = vector.load %arg0[%get3A, %get3A_0] : memref<10000x128xf32, #tpu.memory_space<vmem>>, vector<10000x128xf32>
    %get3A_2 = arith.constant 0 : index
    %get3A_3 = arith.constant 0 : index
    %get3A_4 = vector.load %arg1[%get3A_2, %get3A_3] : memref<10000x1xf32, #tpu.memory_space<vmem>>, vector<10000x1xf32>
    %mul3A = vector.broadcast %get3A_4 : vector<10000x1xf32> to vector<10000x128xf32>
    %mul3A_5 = arith.mulf %get3A_1, %mul3A : vector<10000x128xf32>
    %get3A_6 = arith.constant 0 : index
    %get3A_7 = arith.constant 0 : index
    %get3A_8 = vector.load %arg2[%get3A_6, %get3A_7] : memref<1x128xf32, #tpu.memory_space<vmem>>, vector<1x128xf32>
    %add3A = vector.broadcast %get3A_8 : vector<1x128xf32> to vector<10000x128xf32>
    %add3A_9 = arith.addf %mul3A_5, %add3A : vector<10000x128xf32>
    %slice3A = vector.extract_strided_slice %add3A_9 {offsets = [0, 64], sizes = [10000, 64], strides = [1, 1]} : vector<10000x128xf32> to vector<10000x64xf32>
    %slice3A_10 = vector.extract_strided_slice %add3A_9 {offsets = [0, 0], sizes = [10000, 64], strides = [1, 1]} : vector<10000x128xf32> to vector<10000x64xf32>
    %neg3A = arith.constant 0.000000e+00 : f32
    %neg3A_11 = vector.broadcast %neg3A : f32 to vector<10000x64xf32>
    %neg3A_12 = arith.subf %neg3A_11, %slice3A_10 : vector<10000x64xf32>
    %concatenate3A = tpu.concatenate %slice3A, %neg3A_12 in 1 : vector<10000x64xf32>, vector<10000x64xf32> -> vector<10000x128xf32>
    %swap3A = arith.constant 0 : index
    %swap3A_13 = arith.constant 0 : index
    %swap3A_14 = vector.load %arg3[%swap3A, %swap3A_13] : memref<10000x128xf32, #tpu.memory_space<vmem>>, vector<10000x128xf32>
    tpu.vector_store %arg3[%swap3A, %swap3A_13], %concatenate3A {strides = array<i32>} : memref<10000x128xf32, #tpu.memory_space<vmem>>, vector<10000x128xf32>,
    return
  }
}

</mosaic_0001>

<sc_bundles>
// kernel: kernel.12.cloned.1.call-start
scs
__scs_entry_jumppad:
0x0: {  	(pc) =	sbr.rel $0x88, $3  }
0x1: {  	(tag) =	ssettag $0x0;
	lr =	simm.s32 $0x1  }
0x2: {  	[smem:$0x3F9B] =	sst lr;
	_ =	strace $0xD0000000  }
0x3: {  	_ = 	snop  }
0x4: {  	_ = 	snop  }
0x5: {  	_ = 	snop  }
0x6: {  	_ = 	snop  }
0x7: {  	_ = 	snop  }
__scs_overlays_trampoline_lowered:
0x8: {  	[smem:$0x3FAA] =	sst s0  }
0x9: {  	[smem:$0x3FAB] =	sst s1  }
0xa: {  	[smem:$0x3FAC] =	sst s2  }
0xb: {  	[smem:$0x3FAD] =	sst s3  }
0xc: {  	[smem:$0x3FAE] =	sst s4  }
0xd: {  	[smem:$0x3FAF] =	sst s5  }
0xe: {  	[smem:$0x3FB0] =	sst s6  }
0xf: {  	[smem:$0x3FB1] =	sst s7  }
0x10: {  	[smem:$0x3FB2] =	sst s8  }
0x11: {  	[smem:$0x3FB3] =	sst s9;
	s0 =	simm.s32 @!p0 $0x0  }
0x12: {  	s1 =	sld [smem:$0x3F99];
	s0 =	simm.s32 @p0 $0x1  }
0x13: {  	[smem:$0x3FB4] =	sst s0;
	s0 =	simm.s32 @!p1 $0x0  }
0x14: {  	s2 =	sld [smem:$0x3F98];
	s0 =	simm.s32 @p1 $0x1  }
0x15: {  	[smem:$0x3FB5] =	sst s0;
	s0 =	simm.s32 @!p2 $0x0  }
0x16: {  	s3 =	sld [smem:$0x3FDB];
	s0 =	simm.s32 @p2 $0x1  }
0x17: {  	s4 =	simm.s32 $0x1BF5;
	[smem:$0x3FB7] =	sst s0  }
0x18: {  	s0 =	sld [smem:$0x3F9A];
	_ =	swait.ge [sflag:s4], $0x0  }
0x19: {  	s7 =	sld [smem:$0x3F9B]  }
0x1a: {  	s8 =	sadd.s32 $0xFFFFE003, lr  }
0x1b: {  	s9 =	sadd.s32 $0xFFFFFEF7, lr;
	s5 =	simm.s32 $0xFFFFFFFF;
	p2 =	slt.u32 s8, $0xFFFFF086  }
0x1c: {  	p1 =	slt.u32 s9, $0xF7A;
	s5 =	simm.s32 @!p2 $0x0  }
0x1d: {  	s5 =	simm.s32 @p1 $0x1;
	p0 =	seq.s32 s7, s2  }
0x1e: {  	s7 =	smul.u32 @!p0 $0xF7A, s2;
	p2 =	seq.s32 @!p0 s5, $0x0  }
0x1f: {  	s9 =	smul.u32 $0xF7A, s1;
	s8 =	simm.s32 @!p0 $0x1BF5;
	p2 =	por !p2, p0  }
0x20: {  	[sflag:s8] =	ssyncset.s32 @!p0 $0xFFFFF086;
	s6 =	sadd.s32 @!p0 s3, s7;
	s7 =	simm.s32 @!p0 $0x108  }
0x21: {  	s3 =	sadd.s32 s3, s9;
	s6 =	sadd.s32 @!p0 $0x88, s6;
	s7 =	simm.s32 @p2 $0x1082  }
0x22: {  	[simem:s7], [sflag:s8] =	dma.local @!p0 [hbm:s6], $0xF7A  }
0x23: {  	s9 =	sor.u32 $0xD0000000, s2;
	s6 =	simm.s32 $0x108;
	_ =	swait.ge @!p0 [sflag:s8], $0x0  }
0x24: {  	s3 =	sadd.s32 $0x88, s3;
	s6 =	simm.s32 @!p1 $0x1082;
	[sflag:s4] =	ssyncset.s32 $0xFFFFF086  }
0x25: {  	[simem:s6], [sflag:s4] =	dma.local [hbm:s3], $0xF7A  }
0x26: {  	[smem:$0x3F9B] =	sst s1;
	(tag) =	ssettag s2;
	_ =	strace s9  }
0x27: {  	s1 =	sld [smem:$0x3FAB]  }
0x28: {  	s2 =	sld [smem:$0x3FAC]  }
0x29: {  	s4 =	sld [smem:$0x3FAE]  }
0x2a: {  	p0 =	seq.s32 s5, $0x0;
	s5 =	sld [smem:$0x3FAF]  }
0x2b: {  	s6 =	sld [smem:$0x3FB0]  }
0x2c: {  	s7 =	sld [smem:$0x3FB1]  }
0x2d: {  	s3 =	simm.s32 $0x108;
	s8 =	sld [smem:$0x3FB2]  }
0x2e: {  	s3 =	simm.s32 @!p0 $0x1082;
	s9 =	sld [smem:$0x3FB3]  }
0x2f: {  	lr =	sadd.s32 s0, s3;
	s0 =	sld [smem:$0x3FAA]  }
0x30: {  	s3 =	sld [smem:$0x3FAD]  }
0x31: {  	[smem:$0x3FB6] =	sst s10  }
0x32: {  	s10 =	sld [smem:$0x3FB4];
	_ =	sdelay $0x3  }
0x33: {  	p0 =	seq.s32 s10, $0x1;
	s10 =	sld [smem:$0x3FB6];
	_ =	sdelay $0x3  }
0x34: {  	[smem:$0x3FB6] =	sst s10  }
0x35: {  	s10 =	sld [smem:$0x3FB5];
	_ =	sdelay $0x3  }
0x36: {  	p1 =	seq.s32 s10, $0x1;
	s10 =	sld [smem:$0x3FB6];
	_ =	sdelay $0x3  }
0x37: {  	[smem:$0x3FB6] =	sst s10  }
0x38: {  	s10 =	sld [smem:$0x3FB7]  }
0x39: {  	_ = 	snop;
	(pc) =	sbr.ind lr, $3  }
0x3a: {  	_ = 	snop  }
0x3b: {  	_ = 	snop  }
0x3c: {  	p2 =	seq.s32 s10, $0x1;
	s10 =	sld [smem:$0x3FB6]  }
0x3d: {  	_ =	shalt  }
0x3e: {  	_ =	shalt  }
0x3f: {  	_ =	shalt  }
0x40: {  	_ =	shalt  }
0x41: {  	_ =	shalt  }
0x42: {  	_ =	shalt  }
0x43: {  	_ =	shalt  }
0x44: {  	_ =	shalt  }
0x45: {  	_ =	shalt  }
0x46: {  	_ =	shalt  }
0x47: {  	_ =	shalt  }
0x48: {  	_ =	shalt  }
0x49: {  	_ =	shalt  }
0x4a: {  	_ =	shalt  }
0x4b: {  	_ =	shalt  }
0x4c: {  	_ =	shalt  }
0x4d: {  	_ =	shalt  }
0x4e: {  	_ =	shalt  }
0x4f: {  	_ =	shalt  }
0x50: {  	_ =	shalt  }
0x51: {  	_ =	shalt  }
0x52: {  	_ =	shalt  }
0x53: {  	_ =	shalt  }
0x54: {  	_ =	shalt  }
0x55: {  	_ =	shalt  }
0x56: {  	_ =	shalt  }
0x57: {  	_ =	shalt  }
0x58: {  	_ =	shalt  }
0x59: {  	_ =	shalt  }
0x5a: {  	_ =	shalt  }
0x5b: {  	_ =	shalt  }
0x5c: {  	_ =	shalt  }
0x5d: {  	_ =	shalt  }
0x5e: {  	_ =	shalt  }
0x5f: {  	_ =	shalt  }
0x60: {  	_ =	shalt  }
0x61: {  	_ =	shalt  }
0x62: {  	_ =	shalt  }
0x63: {  	_ =	shalt  }
0x64: {  	_ =	shalt  }
0x65: {  	_ =	shalt  }
0x66: {  	_ =	shalt  }
0x67: {  	_ =	shalt  }
0x68: {  	_ =	shalt  }
0x69: {  	_ =	shalt  }
0x6a: {  	_ =	shalt  }
0x6b: {  	_ =	shalt  }
0x6c: {  	_ =	shalt  }
0x6d: {  	_ =	shalt  }
0x6e: {  	_ =	shalt  }
0x6f: {  	_ =	shalt  }
0x70: {  	_ =	shalt  }
0x71: {  	_ =	shalt  }
0x72: {  	_ =	shalt  }
0x73: {  	_ =	shalt  }
0x74: {  	_ =	shalt  }
0x75: {  	_ =	shalt  }
0x76: {  	_ =	shalt  }
0x77: {  	_ =	shalt  }
0x78: {  	_ =	shalt  }
0x79: {  	_ =	shalt  }
0x7a: {  	_ =	shalt  }
0x7b: {  	_ =	shalt  }
0x7c: {  	_ =	shalt  }
0x7d: {  	_ =	shalt  }
0x7e: {  	_ =	shalt  }
0x7f: {  	_ =	shalt  }
0x80: {  	_ =	shalt  }
0x81: {  	_ =	shalt  }
0x82: {  	_ =	shalt  }
0x83: {  	_ =	shalt  }
0x84: {  	_ =	shalt  }
0x85: {  	_ =	shalt  }
0x86: {  	_ =	shalt  }
0x87: {  	_ =	shalt  }
.Lfunc_end0:
.L_simem_size_0:
called_computation.1_lowered:
.L_overlay_start_0:
0x88: {  	s2 =	sld [smem:$0x3FD9]  }
0x89: {  	s3 =	sld [smem:$0x3FFE];
	_ =	sdelay $0x1  }
0x8a: {  	s1 =	srdreg.scid  }
0x8b: {  	s0 =	sand.u32 $0x1, s1  }
0x8c: {  	s17 =	sshll.u32 s0, $0xA;
	s2 =	sadd.s32 s3, s2  }
0x8d: {  	s2 =	sadd.s32 s2, s17  }
0x8e: {  	[smem:$0x3FC2] =	sst s2  }
0x8f: {  	_ = 	snop  }
0x90: {  	s2 =	sld [smem:$0x3FD0];
	(tm) =	ssettm $0x1  }
0x91: {  	s18 =	sld [smem:$0x3FFB];
	_ =	sdelay $0x3  }
0x92: {  	_ =	strace s18  }
0x93: {  	s3 =	sld [smem:$0x3FFC];
	_ =	sdelay $0x3  }
0x94: {  	_ =	strace s3  }
0x95: {  	s3 =	sld [smem:$0x3FFD];
	_ =	sdelay $0x3  }
0x96: {  	_ =	strace s3  }
0x97: {  	_ =	strace $0x8FFFFFFF  }
0x98: {  	s19 =	sld [smem:$0x3FDB];
	_ =	sdelay $0x1  }
0x99: {  	s4 =	simm.s32 $_scs_section_size  }
0x9a: {  	s5 =	simm.s32 $_size__tile_overlayer_lowered;
	s6 =	simm.s32 $_tile_overlayer_lowered  }
0x9b: {  	s22 =	simm.s32 $0x1BFF;
	s21 =	sshll.u32 s6, $0x1;
	s3 =	sadd.s32 s4, s19  }
0x9c: {  	s7 =	simm.s32 $0x0;
	s20 =	sshll.u32 s5, $0x1;
	s5 =	sadd.s32 s21, s3  }
0x9d: {  	[timem:s7], [sflag:s22] =	dma.local [hbm:s5], s20  }
0x9e: {  	_ =	swait.ge [sflag:s22], s20  }
0x9f: {  	s4 =	ssub.s32 $0x0, s20;
	[sflag:s22] =	ssyncset.done $0x0  }
0xa0: {  	[sflag:s22] =	ssyncadd.s32 s4;
	_ =	sdelay $0x1  }
0xa1: {  	s23 =	simm.s32 $0x1B8B  }
0xa2: {  	_ =	swait.ge [sflag:s23], $0x1  }
0xa3: {  	[sflag:s23] =	ssyncset.done $0x0  }
0xa4: {  	s25 =	simm.s32 $0x1B8E;
	s24 =	sld [smem:$0x3FFE];
	[sflag:s23] =	ssyncadd.s32 $0xFFFFFFFF  }
0xa5: {  	s26 =	simm.s32 $execute0_lowered;
	[smem:$0x3FD2] =	sst s25  }
0xa6: {  	s5 =	sshll.u32 s26, $0x1;
	_ =	strace $0x80000049;
	[dreg:$0x1] =	wrdreg $0xFFFFFFFF  }
0xa7: {  	s28 =	simm.s32 $_size_execute0_lowered;
	s3 =	sadd.s32 s3, s5;
	[dreg:$0x0] =	wrdreg $0x0  }
0xa8: {  	s5 =	sshll.u32 s28, $0x1;
	[dreg:$0x2] =	wrdreg s3  }
0xa9: {  	[dreg:$0x3] =	wrdreg s5  }
0xaa: {  	[dreg:$0x4] =	wrdreg $0xC0  }
0xab: {  	_ =	task [dreg:s7], $0x5FFFF  }
0xac: {  	[dreg:$0x1] =	wrdreg $0xFFFFFFFF  }
0xad: {  	[dreg:$0x0] =	wrdreg $0x60  }
0xae: {  	[dreg:$0x2] =	wrdreg s2  }
0xaf: {  	[dreg:$0x3] =	wrdreg s24  }
0xb0: {  	[dreg:$0x4] =	wrdreg $0xE1000  }
0xb1: {  	[dreg:$0x5] =	wrdreg $0x9  }
0xb2: {  	_ =	task.clear_ibuf [dreg:s7], $0x6FFFF;
	_ =	strace $0x90000049  }
0xb3: {  	s29 =	simm.s32 $0x9;
	_ =	strace $0x8000004B  }
0xb4: {  	_ =	swait.ge [sflag:s29], $0x1  }
0xb5: {  	[sflag:s29] =	ssyncadd.s32 $0xFFFFFFFF  }
0xb6: {  	_ =	strace $0x9000004B  }
0xb7: {  	_ =	sfence  }
0xb8: {  	s30 =	sld [smem:$0x0];
	_ =	sdelay $0x2  }
0xb9: {  	s31 =	sshll.u32 s1, $0xD;
	s1 =	sshrl.u32 s1, $0x2  }
0xba: {  	s3 =	sand.u32 $0x4000, s31;
	s1 =	sadd.s32 s1, s30  }
0xbb: {  	s0 =	sor.u32 s3, s0;
	s1 =	sshll.u32 s1, $0x11  }
0xbc: {  	s0 =	sor.u32 s1, s0  }
0xbd: {  	s0 =	sadd.s32 $0x8F2B, s0  }
0xbe: {  	[sflag:s0] =	ssyncadd.remote.s32 $0x1  }
0xbf: {  	_ =	sfence.sel $0xFFFF  }
0xc0: {  	[dreg:$0x0] =	wrdreg $0xFFFFFFFF;
	(pc) =	sbr.abs _section_cstart, $3  }
0xc1: {  	[dreg:$0x1] =	wrdreg $0xFFFFFFFF  }
0xc2: {  	_ =	task.clear_ibuf [dreg:s7], $0x2FFFF;
	_ =	strace $0x9FFFFFFF  }
0xc3: {  	(tm) =	ssettm $0x7FFFFFFF  }
tec
execute0_lowered:
.L_overlay_start_1:
0x0: {  	(tag) =	ssettag $0x1  }
0x1: {  	s1 =	rddreg [dreg:$0x0]  }
0x2: {  	s5 =	rddreg [dreg:$0x1]  }
0x3: {  	s2 =	rddreg [dreg:$0x2]  }
0x4: {  	s3 =	srdreg.scid;
	s0 =	rddreg [dreg:$0x3]  }
0x5: {  	s4 =	simm.s32 $0x0;
	s6 =	sand.u32 $0x1, s3;
	s3 =	stileid.u32  }
0x6: {  	s18 =	simm.s32 $0xA000;
	[smem:$0x7FF] =	sst s4;
	s7 =	smul.u32 $0x14000, s6  }
0x7: {  	s10 =	sadd.s32 $0x2C00, s5;
	s11 =	sadd.s32 $0x16C00, s5;
	s8 =	smul.u32 $0x1400, s3  }
0x8: {  	s13 =	sadd.s32 $0x3E000, s5;
	_ =	strace $0x8000004A;
	s9 =	smul.u32 $0x2800, s6  }
0x9: {  	s12 =	smul.u32 $0xA000, s3;
	s19 =	ssub.s32 $0x2, s6;
	s22 =	sshll.u32 s6, $0x7  }
0xa: {  	s23 =	sshll.u32 s3, $0x9;
	s15 =	sshllo.u32 s3, $0x1;
	s26 =	smul.u32 $0x2A000, s3  }
0xb: {  	s29 =	smul.u32 $0x28000, s3;
	s20 =	sshrl.u32 s19, $0x1;
	s6 =	sor.u32 s22, s23  }
0xc: {  	s16 =	smul.u32 $0x5000, s15;
	s15 =	sshll.u32 s15, $0x8;
	s23 =	simm.s32 $0x80  }
0xd: {  	s7 =	sadd.s32 s8, s7;
	s21 =	sadd.s32 s9, s12;
	s17 =	ssub.s32 s19, s20  }
0xe: {  	s24 =	sshrl.u32 s6, $0x3;
	s28 =	sor.u32 s22, s15;
	s30 =	sshrl.u32 s26, $0x2  }
0xf: {  	s31 =	sshrl.u32 s29, $0x2;
	s19 =	simm.s32 $0x2800;
	s20 =	simm.s32 $0x7800  }
0x10: {  	s22 =	simm.s32 $0xA100;
	s14 =	sadd.s32 s7, s5;
	s7 =	sshrl.u32 s21, $0x3  }
0x11: {  	s25 =	sadd.s32 s9, s16;
	s15 =	smax.u32 s17, $0x1;
	s16 =	simm.s32 $0x1  }
0x12: {  	s17 =	simm.s32 $0x5000;
	s21 =	simm.s32 $0xA080;
	s5 =	sadd.s32 s10, s7  }
.Ltmp0:
0x13: {  	s6 =	sadd.s32 s11, s7;
	s7 =	sadd.s32 s13, s24;
	(pc) =	sbr.rel .LBB2_1-.Ltmp0, $4  }
0x14: {  	s9 =	sshrl.u32 s25, $0x3;
	s24 =	sadd.s32 s31, s2;
	s14 =	sadd.s32 $0x3E400, s14  }
0x15: {  	s25 =	simm.s32 $0x0;
	s8 =	sadd.s32 s10, s9;
	s9 =	sadd.s32 s11, s9  }
0x16: {  	s10 =	sshrl.u32 s28, $0x3;
	s11 =	sadd.s32 s30, s2;
	s24 =	sshrl.u32 s24, $0x3  }
0x17: {  	v0 =	vimm.f32 $0.0e+00;
	s10 =	sadd.s32 s13, s10;
	s12 =	sadd.s32 $0x4000, s11;
	s13 =	sadd.s32 $0x8000, s11  }
.LBB2_10:
0x18: {  	[sflag:s16] =	ssyncadd.s32 $0xFFFFC000  }
.LBB2_11:
0x19: {  	s25 =	sadd.s32 $0x1, s25  }
0x1a: {  	s26 =	sshll.u32 s3, $0x6;
	p0 =	sne.s32 s25, s15  }
.Ltmp1:
0x1b: {  	[bflag:$0x0] =	sbarrier.arrive $0xFFFF;
	s26 =	sor.u32 $0x1C01, s26;
	(pc) =	sbr.rel @!p0 .LBB2_12-.Ltmp1, $4  }
0x1c: {  	[hbm:s14], [sflag:s26] =	dma.local [spmem:s24], $0x1400  }
0x1d: {  	_ =	swait.ge [sflag:s16], $0x1400  }
0x1e: {  	[sflag:s16] =	ssyncset.done $0x0  }
0x1f: {  	[sflag:s16] =	ssyncadd.s32 $0xFFFFEC00  }
.LBB2_1:
0x20: {  	[tilespmem:s4], [sflag:$0x1] =	stream.linear.gather [hbm4b:s5+s4], $0x2780, $0x38;
	[tilespmem:$0x18900] =	vst v63  }
0x21: {  	_ =	swait.ge [sflag:s16], $0x2780  }
0x22: {  	[sflag:s16] =	ssyncset.done $0x0  }
0x23: {  	[sflag:s16] =	ssyncadd.s32 $0xFFFFD880  }
0x24: {  	[tilespmem:s17], [sflag:$0x1] =	stream.linear.gather [hbm4b:s6+s4], $0x2780, $0x38;
	[tilespmem:$0x18900] =	vst v63  }
0x25: {  	_ =	swait.ge [sflag:s16], $0x2780  }
0x26: {  	[sflag:s16] =	ssyncset.done $0x0  }
0x27: {  	[sflag:s16] =	ssyncadd.s32 $0xFFFFD880  }
0x28: {  	[tilespmem:s18], [sflag:$0x1] =	stream.linear.gather [hbm4b:s7+s4], $0x80, $0x38;
	[tilespmem:$0x18900] =	vst v63  }
0x29: {  	_ =	swait.ge [sflag:s16], $0x80  }
0x2a: {  	[sflag:s16] =	ssyncset.done $0x0  }
0x2b: {  	[sflag:s16] =	ssyncadd.s32 $0xFFFFFF80  }
0x2c: {  	[tilespmem:s19], [sflag:$0x1] =	stream.linear.gather [hbm4b:s8+s4], $0x2780, $0x38;
	[tilespmem:$0x18900] =	vst v63  }
0x2d: {  	_ =	swait.ge [sflag:s16], $0x2780  }
0x2e: {  	[sflag:s16] =	ssyncset.done $0x0  }
0x2f: {  	[sflag:s16] =	ssyncadd.s32 $0xFFFFD880  }
0x30: {  	[tilespmem:s20], [sflag:$0x1] =	stream.linear.gather [hbm4b:s9+s4], $0x2780, $0x38;
	[tilespmem:$0x18900] =	vst v63  }
0x31: {  	_ =	swait.ge [sflag:s16], $0x2780  }
0x32: {  	[sflag:s16] =	ssyncset.done $0x0  }
0x33: {  	[sflag:s16] =	ssyncadd.s32 $0xFFFFD880  }
0x34: {  	[tilespmem:s21], [sflag:$0x1] =	stream.linear.gather [hbm4b:s10+s4], $0x80, $0x38;
	[tilespmem:$0x18900] =	vst v63  }
0x35: {  	s26 =	sand.u32 $0xFE00, s4;
	s28 =	sand.u32 $0x70, s4;
	_ =	swait.ge [sflag:s16], $0x80  }
0x36: {  	s29 =	sshrl.u32 s26, $0x2;
	s26 =	simm.s32 $0x40;
	[sflag:s16] =	ssyncset.done $0x0  }
0x37: {  	s29 =	sor.u32 s28, s29;
	s28 =	simm.s32 $0x0;
	[sflag:s16] =	ssyncadd.s32 $0xFFFFFF80  }
.LBB2_2:
0x38: {  	p0 =	sne.s32 s26, $0xFFC0  }
0x39: {  	[tilespmem:s29+$0xA100] =	vst v0;
	s28 =	sadd.s32 $0x10, s28;
	s29 =	smov.u32 s26;
	s26 =	sadd.s32 $0x40, s26  }
.Ltmp2:
0x3a: {  	(pc) =	sbr.rel @p0 .LBB2_2-.Ltmp2, $4  }
0x3b: {  	_ = 	snop  }
0x3c: {  	s29 =	sand.u32 $0xFE00, s29  }
0x3d: {  	s30 =	sand.u32 $0x70, s28;
	s29 =	sshrl.u32 s29, $0x2  }
0x3e: {  	s29 =	sor.u32 s30, s29  }
0x3f: {  	[tilespmem:s29+$0xA100] =	vst v0  }
0x40: {  	[spmem:s11] =	stream.linear.scatter [tilespmem:s22], [sflag:$0x1], $0x4000, $0x38;
	[tilespmem:$0x18900] =	vst v63  }
0x41: {  	_ =	swait.ge [sflag:s16], $0x4000  }
0x42: {  	[sflag:s16] =	ssyncset.done $0x0  }
0x43: {  	[sflag:s16] =	ssyncadd.s32 $0xFFFFC000  }
0x44: {  	[spmem:s12] =	stream.linear.scatter [tilespmem:s22], [sflag:$0x1], $0x4000, $0x38;
	[tilespmem:$0x18900] =	vst v63  }
0x45: {  	_ =	swait.ge [sflag:s16], $0x4000  }
0x46: {  	[sflag:s16] =	ssyncset.done $0x0  }
0x47: {  	[sflag:s16] =	ssyncadd.s32 $0xFFFFC000  }
0x48: {  	[spmem:s13] =	stream.linear.scatter [tilespmem:s22], [sflag:$0x1], $0x2800, $0x38;
	[tilespmem:$0x18900] =	vst v63  }
0x49: {  	_ =	swait.ge [sflag:s16], $0x2800  }
0x4a: {  	[sflag:s16] =	ssyncset.done $0x0  }
0x4b: {  	[sflag:s16] =	ssyncadd.s32 $0xFFFFD800  }
0x4c: {  	[bflag:$0x0] =	sbarrier.arrive $0xFFFF  }
0x4d: {  	v1 =	vld [tilespmem:$0xA000];
	_ =	sdelay $0x4  }
0x4e: {  	v1 =	vxor.u32 $0x80000000, v1  }
0x4f: {  	(xrf0) =	vmax.scan.msk.u32 $0xffff, v1;
	_ =	sdelay $0x5  }
0x50: {  	v1, _, _ =	vpop (xrf0)  }
0x51: {  	(v2sf) =	vpush v1, $0xF;
	_ =	sdelay $0xe  }
0x52: {  	s26 =	spop (v2sf)  }
0x53: {  	s29 =	sxor.u32 $0x80000000, s26  }
0x54: {  	p0 =	slt.s32 s29, $0x1  }
.Ltmp3:
0x55: {  	_ = 	snop;
	(pc) =	sbr.rel @p0 .LBB2_7-.Ltmp3, $1  }
0x56: {  	_ =	sdelay $0x3  }
0x57: {  	s26 =	simm.s32 $0x0  }
0x58: {  	[tilespmem:s22], [sflag:$0x1] =	stream.indirect.gather [hbm4b:s1+s23], $0x80, s26, s23, $0xb8;
	[tilespmem:$0x18900] =	vst v63  }
0x59: {  	p0 =	sne.s32 s29, $0x1;
	_ =	swait.ge [sflag:s16], $0x4000  }
.Ltmp4:
0x5a: {  	[sflag:s16] =	ssyncset.done $0x0;
	(pc) =	sbr.rel @!p0 .LBB2_6-.Ltmp4, $4  }
0x5b: {  	s28 =	simm.s32 $0x5000;
	[sflag:s16] =	ssyncadd.s32 $0xFFFFC000  }
0x5c: {  	[spmem:s2] =	stream.indirect.scatter.add.f32 [tilespmem:s22], [sflag:$0x1], $0x80, s28, s23, $0xb8;
	[tilespmem:$0x18900] =	vst v63  }
0x5d: {  	_ =	swait.ge [sflag:s16], $0x4000  }
0x5e: {  	s29 =	sadd.s32 $0xFFFFFFFF, s29;
	[sflag:s16] =	ssyncset.done $0x0  }
.LBB2_5:
0x5f: {  	[sflag:s16] =	ssyncadd.s32 $0xFFFFC000;
	s26 =	sadd.s32 $0x80, s26;
	s28 =	sadd.s32 $0x80, s28  }
0x60: {  	[tilespmem:s22], [sflag:$0x1] =	stream.indirect.gather [hbm4b:s1+s23], $0x80, s26, s23, $0xb8;
	[tilespmem:$0x18900] =	vst v63  }
0x61: {  	p0 =	sne.s32 s29, $0x1;
	s29 =	sadd.s32 $0xFFFFFFFF, s29;
	_ =	swait.ge [sflag:s16], $0x4000  }
.Ltmp5:
0x62: {  	[sflag:s16] =	ssyncset.done $0x0;
	(pc) =	sbr.rel @p0 .LBB2_5-.Ltmp5, $4  }
0x63: {  	[sflag:s16] =	ssyncadd.s32 $0xFFFFC000  }
0x64: {  	[spmem:s2] =	stream.indirect.scatter.add.f32 [tilespmem:s22], [sflag:$0x1], $0x80, s28, s23, $0xb8;
	[tilespmem:$0x18900] =	vst v63  }
0x65: {  	_ =	swait.ge [sflag:s16], $0x4000  }
0x66: {  	[sflag:s16] =	ssyncset.done $0x0  }
.LBB2_6:
0x67: {  	[sflag:s16] =	ssyncadd.s32 $0xFFFFC000  }
.LBB2_7:
0x68: {  	v1 =	vld [tilespmem:$0xA080];
	_ =	sdelay $0x4  }
0x69: {  	v1 =	vxor.u32 $0x80000000, v1  }
0x6a: {  	(xrf0) =	vmax.scan.msk.u32 $0xffff, v1;
	_ =	sdelay $0x5  }
0x6b: {  	v1, _, _ =	vpop (xrf0)  }
0x6c: {  	(v2sf) =	vpush v1, $0xF;
	_ =	sdelay $0xe  }
0x6d: {  	s26 =	spop (v2sf)  }
0x6e: {  	s29 =	sxor.u32 $0x80000000, s26  }
0x6f: {  	p0 =	slt.s32 s29, $0x1  }
.Ltmp6:
0x70: {  	_ = 	snop;
	(pc) =	sbr.rel @p0 .LBB2_11-.Ltmp6, $1  }
0x71: {  	_ =	sdelay $0x3  }
0x72: {  	s26 =	simm.s32 $0x2800  }
0x73: {  	[tilespmem:s22], [sflag:$0x1] =	stream.indirect.gather [hbm4b:s1+s23], $0x80, s26, s23, $0xb8;
	[tilespmem:$0x18900] =	vst v63  }
0x74: {  	p0 =	sne.s32 s29, $0x1;
	_ =	swait.ge [sflag:s16], $0x4000  }
.Ltmp7:
0x75: {  	[sflag:s16] =	ssyncset.done $0x0;
	(pc) =	sbr.rel @!p0 .LBB2_10-.Ltmp7, $4  }
0x76: {  	s28 =	simm.s32 $0x7800;
	[sflag:s16] =	ssyncadd.s32 $0xFFFFC000  }
0x77: {  	[spmem:s2] =	stream.indirect.scatter.add.f32 [tilespmem:s22], [sflag:$0x1], $0x80, s28, s23, $0xb8;
	[tilespmem:$0x18900] =	vst v63  }
0x78: {  	_ =	swait.ge [sflag:s16], $0x4000  }
0x79: {  	s29 =	sadd.s32 $0xFFFFFFFF, s29;
	[sflag:s16] =	ssyncset.done $0x0  }
.LBB2_9:
0x7a: {  	[sflag:s16] =	ssyncadd.s32 $0xFFFFC000;
	s28 =	sadd.s32 $0x80, s28;
	s26 =	sadd.s32 $0x80, s26  }
0x7b: {  	[tilespmem:s22], [sflag:$0x1] =	stream.indirect.gather [hbm4b:s1+s23], $0x80, s26, s23, $0xb8;
	[tilespmem:$0x18900] =	vst v63  }
0x7c: {  	p0 =	sne.s32 s29, $0x1;
	s29 =	sadd.s32 $0xFFFFFFFF, s29;
	_ =	swait.ge [sflag:s16], $0x4000  }
.Ltmp8:
0x7d: {  	[sflag:s16] =	ssyncset.done $0x0;
	(pc) =	sbr.rel @p0 .LBB2_9-.Ltmp8, $4  }
0x7e: {  	[sflag:s16] =	ssyncadd.s32 $0xFFFFC000  }
0x7f: {  	[spmem:s2] =	stream.indirect.scatter.add.f32 [tilespmem:s22], [sflag:$0x1], $0x80, s28, s23, $0xb8;
	[tilespmem:$0x18900] =	vst v63  }
0x80: {  	_ =	swait.ge [sflag:s16], $0x4000  }
0x81: {  	[sflag:s16] =	ssyncset.done $0x0  }
.Ltmp9:
0x82: {  	_ = 	snop;
	(pc) =	sbr.rel .LBB2_10-.Ltmp9, $1  }
0x83: {  	_ =	sdelay $0x3  }
.LBB2_12:
0x84: {  	_ =	sfence.sel $0x180000  }
0x85: {  	[bflag:$0x0] =	sbarrier.arrive $0xFFFF  }
0x86: {  	p0 =	sne.s32 s3, $0x0;
	_ =	strace $0x9000004A  }
0x87: {  	s0 =	sadd.s32 @!p0 $0x100000, s0;
	[bflag:$0x2] =	sbarrier.arrive $0xFFFF  }
0x88: {  	[sflag:s0] =	ssyncadd.tile.s32 @!p0 $0x1;
	_ =	shalt  }
.Lfunc_end2:
_tile_overlayer_lowered:
.L_overlay_start_2:
0x89: {  	(tag) =	ssettag $0x2  }
0x8a: {  	s0 =	rddreg [dreg:$0x0];
	s2 =	stileid.u32  }
0x8b: {  	s1 =	rddreg [dreg:$0x1];
	p0 =	sne.s32 s2, $0x0  }
0x8c: {  	s3 =	rddreg [dreg:$0x2];
	[bflag:$0x3] =	sbarrier.arrive $0xFFFF;
	s2 =	simm.s32 @!p0 $0x1C01  }
0x8d: {  	[timem:s3], [sflag:s2] =	dma.local @!p0 [hbm:s0], s1  }
0x8e: {  	s0 =	simm.s32 @!p0 $0x1  }
0x8f: {  	_ =	swait.ge @!p0 [sflag:s0], s1  }
0x90: {  	s1 =	ssub.s32 @!p0 $0x0, s1;
	[sflag:s0] =	ssyncset.done @!p0 $0x0  }
0x91: {  	[sflag:s0] =	ssyncadd.s32 @!p0 s1  }
0x92: {  	[bflag:$0x3] =	sbarrier.arrive $0xFFFF  }
0x93: {  	_ =	shalt  }

// kernel: kernel.15.cloned.1.call-start
scs
__scs_entry_jumppad:
0x0: {  	(pc) =	sbr.rel $0x88, $3  }
0x1: {  	(tag) =	ssettag $0x0;
	lr =	simm.s32 $0x1  }
0x2: {  	[smem:$0x3F9B] =	sst lr;
	_ =	strace $0xD0000000  }
0x3: {  	_ = 	snop  }
0x4: {  	_ = 	snop  }
0x5: {  	_ = 	snop  }
0x6: {  	_ = 	snop  }
0x7: {  	_ = 	snop  }
__scs_overlays_trampoline_lowered:
0x8: {  	[smem:$0x3FAA] =	sst s0  }
0x9: {  	[smem:$0x3FAB] =	sst s1  }
0xa: {  	[smem:$0x3FAC] =	sst s2  }
0xb: {  	[smem:$0x3FAD] =	sst s3  }
0xc: {  	[smem:$0x3FAE] =	sst s4  }
0xd: {  	[smem:$0x3FAF] =	sst s5  }
0xe: {  	[smem:$0x3FB0] =	sst s6  }
0xf: {  	[smem:$0x3FB1] =	sst s7  }
0x10: {  	[smem:$0x3FB2] =	sst s8  }
0x11: {  	[smem:$0x3FB3] =	sst s9;
	s0 =	simm.s32 @!p0 $0x0  }
0x12: {  	s1 =	sld [smem:$0x3F99];
	s0 =	simm.s32 @p0 $0x1  }
0x13: {  	[smem:$0x3FB4] =	sst s0;
	s0 =	simm.s32 @!p1 $0x0  }
0x14: {  	s2 =	sld [smem:$0x3F98];
	s0 =	simm.s32 @p1 $0x1  }
0x15: {  	[smem:$0x3FB5] =	sst s0;
	s0 =	simm.s32 @!p2 $0x0  }
0x16: {  	s3 =	sld [smem:$0x3FDB];
	s0 =	simm.s32 @p2 $0x1  }
0x17: {  	s4 =	simm.s32 $0x1BF5;
	[smem:$0x3FB7] =	sst s0  }
0x18: {  	s0 =	sld [smem:$0x3F9A];
	_ =	swait.ge [sflag:s4], $0x0  }
0x19: {  	s7 =	sld [smem:$0x3F9B]  }
0x1a: {  	s8 =	sadd.s32 $0xFFFFE003, lr  }
0x1b: {  	s9 =	sadd.s32 $0xFFFFFEF7, lr;
	s5 =	simm.s32 $0xFFFFFFFF;
	p2 =	slt.u32 s8, $0xFFFFF086  }
0x1c: {  	p1 =	slt.u32 s9, $0xF7A;
	s5 =	simm.s32 @!p2 $0x0  }
0x1d: {  	s5 =	simm.s32 @p1 $0x1;
	p0 =	seq.s32 s7, s2  }
0x1e: {  	s7 =	smul.u32 @!p0 $0xF7A, s2;
	p2 =	seq.s32 @!p0 s5, $0x0  }
0x1f: {  	s9 =	smul.u32 $0xF7A, s1;
	s8 =	simm.s32 @!p0 $0x1BF5;
	p2 =	por !p2, p0  }
0x20: {  	[sflag:s8] =	ssyncset.s32 @!p0 $0xFFFFF086;
	s6 =	sadd.s32 @!p0 s3, s7;
	s7 =	simm.s32 @!p0 $0x108  }
0x21: {  	s3 =	sadd.s32 s3, s9;
	s6 =	sadd.s32 @!p0 $0x88, s6;
	s7 =	simm.s32 @p2 $0x1082  }
0x22: {  	[simem:s7], [sflag:s8] =	dma.local @!p0 [hbm:s6], $0xF7A  }
0x23: {  	s9 =	sor.u32 $0xD0000000, s2;
	s6 =	simm.s32 $0x108;
	_ =	swait.ge @!p0 [sflag:s8], $0x0  }
0x24: {  	s3 =	sadd.s32 $0x88, s3;
	s6 =	simm.s32 @!p1 $0x1082;
	[sflag:s4] =	ssyncset.s32 $0xFFFFF086  }
0x25: {  	[simem:s6], [sflag:s4] =	dma.local [hbm:s3], $0xF7A  }
0x26: {  	[smem:$0x3F9B] =	sst s1;
	(tag) =	ssettag s2;
	_ =	strace s9  }
0x27: {  	s1 =	sld [smem:$0x3FAB]  }
0x28: {  	s2 =	sld [smem:$0x3FAC]  }
0x29: {  	s4 =	sld [smem:$0x3FAE]  }
0x2a: {  	p0 =	seq.s32 s5, $0x0;
	s5 =	sld [smem:$0x3FAF]  }
0x2b: {  	s6 =	sld [smem:$0x3FB0]  }
0x2c: {  	s7 =	sld [smem:$0x3FB1]  }
0x2d: {  	s3 =	simm.s32 $0x108;
	s8 =	sld [smem:$0x3FB2]  }
0x2e: {  	s3 =	simm.s32 @!p0 $0x1082;
	s9 =	sld [smem:$0x3FB3]  }
0x2f: {  	lr =	sadd.s32 s0, s3;
	s0 =	sld [smem:$0x3FAA]  }
0x30: {  	s3 =	sld [smem:$0x3FAD]  }
0x31: {  	[smem:$0x3FB6] =	sst s10  }
0x32: {  	s10 =	sld [smem:$0x3FB4];
	_ =	sdelay $0x3  }
0x33: {  	p0 =	seq.s32 s10, $0x1;
	s10 =	sld [smem:$0x3FB6];
	_ =	sdelay $0x3  }
0x34: {  	[smem:$0x3FB6] =	sst s10  }
0x35: {  	s10 =	sld [smem:$0x3FB5];
	_ =	sdelay $0x3  }
0x36: {  	p1 =	seq.s32 s10, $0x1;
	s10 =	sld [smem:$0x3FB6];
	_ =	sdelay $0x3  }
0x37: {  	[smem:$0x3FB6] =	sst s10  }
0x38: {  	s10 =	sld [smem:$0x3FB7]  }
0x39: {  	_ = 	snop;
	(pc) =	sbr.ind lr, $3  }
0x3a: {  	_ = 	snop  }
0x3b: {  	_ = 	snop  }
0x3c: {  	p2 =	seq.s32 s10, $0x1;
	s10 =	sld [smem:$0x3FB6]  }
0x3d: {  	_ =	shalt  }
0x3e: {  	_ =	shalt  }
0x3f: {  	_ =	shalt  }
0x40: {  	_ =	shalt  }
0x41: {  	_ =	shalt  }
0x42: {  	_ =	shalt  }
0x43: {  	_ =	shalt  }
0x44: {  	_ =	shalt  }
0x45: {  	_ =	shalt  }
0x46: {  	_ =	shalt  }
0x47: {  	_ =	shalt  }
0x48: {  	_ =	shalt  }
0x49: {  	_ =	shalt  }
0x4a: {  	_ =	shalt  }
0x4b: {  	_ =	shalt  }
0x4c: {  	_ =	shalt  }
0x4d: {  	_ =	shalt  }
0x4e: {  	_ =	shalt  }
0x4f: {  	_ =	shalt  }
0x50: {  	_ =	shalt  }
0x51: {  	_ =	shalt  }
0x52: {  	_ =	shalt  }
0x53: {  	_ =	shalt  }
0x54: {  	_ =	shalt  }
0x55: {  	_ =	shalt  }
0x56: {  	_ =	shalt  }
0x57: {  	_ =	shalt  }
0x58: {  	_ =	shalt  }
0x59: {  	_ =	shalt  }
0x5a: {  	_ =	shalt  }
0x5b: {  	_ =	shalt  }
0x5c: {  	_ =	shalt  }
0x5d: {  	_ =	shalt  }
0x5e: {  	_ =	shalt  }
0x5f: {  	_ =	shalt  }
0x60: {  	_ =	shalt  }
0x61: {  	_ =	shalt  }
0x62: {  	_ =	shalt  }
0x63: {  	_ =	shalt  }
0x64: {  	_ =	shalt  }
0x65: {  	_ =	shalt  }
0x66: {  	_ =	shalt  }
0x67: {  	_ =	shalt  }
0x68: {  	_ =	shalt  }
0x69: {  	_ =	shalt  }
0x6a: {  	_ =	shalt  }
0x6b: {  	_ =	shalt  }
0x6c: {  	_ =	shalt  }
0x6d: {  	_ =	shalt  }
0x6e: {  	_ =	shalt  }
0x6f: {  	_ =	shalt  }
0x70: {  	_ =	shalt  }
0x71: {  	_ =	shalt  }
0x72: {  	_ =	shalt  }
0x73: {  	_ =	shalt  }
0x74: {  	_ =	shalt  }
0x75: {  	_ =	shalt  }
0x76: {  	_ =	shalt  }
0x77: {  	_ =	shalt  }
0x78: {  	_ =	shalt  }
0x79: {  	_ =	shalt  }
0x7a: {  	_ =	shalt  }
0x7b: {  	_ =	shalt  }
0x7c: {  	_ =	shalt  }
0x7d: {  	_ =	shalt  }
0x7e: {  	_ =	shalt  }
0x7f: {  	_ =	shalt  }
0x80: {  	_ =	shalt  }
0x81: {  	_ =	shalt  }
0x82: {  	_ =	shalt  }
0x83: {  	_ =	shalt  }
0x84: {  	_ =	shalt  }
0x85: {  	_ =	shalt  }
0x86: {  	_ =	shalt  }
0x87: {  	_ =	shalt  }
.Lfunc_end0:
.L_simem_size_0:
called_computation.2_lowered:
.L_overlay_start_0:
0x88: {  	s2 =	sld [smem:$0x3FD9]  }
0x89: {  	s3 =	sld [smem:$0x3FFE];
	_ =	sdelay $0x1  }
0x8a: {  	s1 =	srdreg.scid  }
0x8b: {  	s0 =	sand.u32 $0x1, s1  }
0x8c: {  	s17 =	sshll.u32 s0, $0xA;
	s2 =	sadd.s32 s3, s2  }
0x8d: {  	s2 =	sadd.s32 s2, s17  }
0x8e: {  	[smem:$0x3FC2] =	sst s2  }
0x8f: {  	_ = 	snop  }
0x90: {  	s2 =	sld [smem:$0x3FD0];
	(tm) =	ssettm $0x1  }
0x91: {  	s18 =	sld [smem:$0x3FFB];
	_ =	sdelay $0x3  }
0x92: {  	_ =	strace s18  }
0x93: {  	s3 =	sld [smem:$0x3FFC];
	_ =	sdelay $0x3  }
0x94: {  	_ =	strace s3  }
0x95: {  	s3 =	sld [smem:$0x3FFD];
	_ =	sdelay $0x3  }
0x96: {  	_ =	strace s3  }
0x97: {  	_ =	strace $0x8FFFFFFF  }
0x98: {  	s19 =	sld [smem:$0x3FDB];
	_ =	sdelay $0x1  }
0x99: {  	s4 =	simm.s32 $_scs_section_size  }
0x9a: {  	s5 =	simm.s32 $_size__tile_overlayer_lowered;
	s6 =	simm.s32 $_tile_overlayer_lowered  }
0x9b: {  	s22 =	simm.s32 $0x1BFF;
	s21 =	sshll.u32 s6, $0x1;
	s3 =	sadd.s32 s4, s19  }
0x9c: {  	s7 =	simm.s32 $0x0;
	s20 =	sshll.u32 s5, $0x1;
	s5 =	sadd.s32 s21, s3  }
0x9d: {  	[timem:s7], [sflag:s22] =	dma.local [hbm:s5], s20  }
0x9e: {  	_ =	swait.ge [sflag:s22], s20  }
0x9f: {  	s4 =	ssub.s32 $0x0, s20;
	[sflag:s22] =	ssyncset.done $0x0  }
0xa0: {  	[sflag:s22] =	ssyncadd.s32 s4;
	_ =	sdelay $0x1  }
0xa1: {  	s23 =	simm.s32 $0x1B8B  }
0xa2: {  	_ =	swait.ge [sflag:s23], $0x1  }
0xa3: {  	[sflag:s23] =	ssyncset.done $0x0  }
0xa4: {  	s25 =	simm.s32 $0x1B8E;
	s24 =	sld [smem:$0x3FFE];
	[sflag:s23] =	ssyncadd.s32 $0xFFFFFFFF  }
0xa5: {  	s26 =	simm.s32 $execute0_lowered;
	[smem:$0x3FD2] =	sst s25  }
0xa6: {  	s5 =	sshll.u32 s26, $0x1;
	_ =	strace $0x8000004C;
	[dreg:$0x1] =	wrdreg $0xFFFFFFFF  }
0xa7: {  	s28 =	simm.s32 $_size_execute0_lowered;
	s3 =	sadd.s32 s3, s5;
	[dreg:$0x0] =	wrdreg $0x0  }
0xa8: {  	s5 =	sshll.u32 s28, $0x1;
	[dreg:$0x2] =	wrdreg s3  }
0xa9: {  	[dreg:$0x3] =	wrdreg s5  }
0xaa: {  	[dreg:$0x4] =	wrdreg $0xC0  }
0xab: {  	_ =	task [dreg:s7], $0x5FFFF  }
0xac: {  	[dreg:$0x1] =	wrdreg $0xFFFFFFFF  }
0xad: {  	[dreg:$0x0] =	wrdreg $0x60  }
0xae: {  	[dreg:$0x2] =	wrdreg s2  }
0xaf: {  	[dreg:$0x3] =	wrdreg s24  }
0xb0: {  	[dreg:$0x4] =	wrdreg $0xE1000  }
0xb1: {  	[dreg:$0x5] =	wrdreg $0x9  }
0xb2: {  	_ =	task.clear_ibuf [dreg:s7], $0x6FFFF;
	_ =	strace $0x9000004C  }
0xb3: {  	s29 =	simm.s32 $0x9;
	_ =	strace $0x8000004E  }
0xb4: {  	_ =	swait.ge [sflag:s29], $0x1  }
0xb5: {  	[sflag:s29] =	ssyncadd.s32 $0xFFFFFFFF  }
0xb6: {  	_ =	strace $0x9000004E  }
0xb7: {  	_ =	sfence  }
0xb8: {  	s30 =	sld [smem:$0x0];
	_ =	sdelay $0x2  }
0xb9: {  	s31 =	sshll.u32 s1, $0xD;
	s1 =	sshrl.u32 s1, $0x2  }
0xba: {  	s3 =	sand.u32 $0x4000, s31;
	s1 =	sadd.s32 s1, s30  }
0xbb: {  	s0 =	sor.u32 s3, s0;
	s1 =	sshll.u32 s1, $0x11  }
0xbc: {  	s0 =	sor.u32 s1, s0  }
0xbd: {  	s0 =	sadd.s32 $0x8F2B, s0  }
0xbe: {  	[sflag:s0] =	ssyncadd.remote.s32 $0x1  }
0xbf: {  	_ =	sfence.sel $0xFFFF  }
0xc0: {  	[dreg:$0x0] =	wrdreg $0xFFFFFFFF;
	(pc) =	sbr.abs _section_cstart, $3  }
0xc1: {  	[dreg:$0x1] =	wrdreg $0xFFFFFFFF  }
0xc2: {  	_ =	task.clear_ibuf [dreg:s7], $0x2FFFF;
	_ =	strace $0x9FFFFFFF  }
0xc3: {  	(tm) =	ssettm $0x7FFFFFFF  }
tec
execute0_lowered:
.L_overlay_start_1:
0x0: {  	(tag) =	ssettag $0x1  }
0x1: {  	s1 =	rddreg [dreg:$0x0]  }
0x2: {  	s5 =	rddreg [dreg:$0x1]  }
0x3: {  	s2 =	rddreg [dreg:$0x2]  }
0x4: {  	s3 =	srdreg.scid;
	s0 =	rddreg [dreg:$0x3]  }
0x5: {  	s4 =	simm.s32 $0x0;
	s6 =	sand.u32 $0x1, s3;
	s3 =	stileid.u32  }
0x6: {  	s18 =	simm.s32 $0xA000;
	[smem:$0x7FF] =	sst s4;
	s7 =	smul.u32 $0x14000, s6  }
0x7: {  	s10 =	sadd.s32 $0x2C00, s5;
	s11 =	sadd.s32 $0x16C00, s5;
	s8 =	smul.u32 $0x1400, s3  }
0x8: {  	s13 =	sadd.s32 $0x3E000, s5;
	_ =	strace $0x8000004D;
	s9 =	smul.u32 $0x2800, s6  }
0x9: {  	s12 =	smul.u32 $0xA000, s3;
	s19 =	ssub.s32 $0x2, s6;
	s22 =	sshll.u32 s6, $0x7  }
0xa: {  	s23 =	sshll.u32 s3, $0x9;
	s15 =	sshllo.u32 s3, $0x1;
	s26 =	smul.u32 $0x2A000, s3  }
0xb: {  	s29 =	smul.u32 $0x28000, s3;
	s20 =	sshrl.u32 s19, $0x1;
	s6 =	sor.u32 s22, s23  }
0xc: {  	s16 =	smul.u32 $0x5000, s15;
	s15 =	sshll.u32 s15, $0x8;
	s23 =	simm.s32 $0x80  }
0xd: {  	s7 =	sadd.s32 s8, s7;
	s21 =	sadd.s32 s9, s12;
	s17 =	ssub.s32 s19, s20  }
0xe: {  	s24 =	sshrl.u32 s6, $0x3;
	s28 =	sor.u32 s22, s15;
	s30 =	sshrl.u32 s26, $0x2  }
0xf: {  	s31 =	sshrl.u32 s29, $0x2;
	s19 =	simm.s32 $0x2800;
	s20 =	simm.s32 $0x7800  }
0x10: {  	s22 =	simm.s32 $0xA100;
	s14 =	sadd.s32 s7, s5;
	s7 =	sshrl.u32 s21, $0x3  }
0x11: {  	s25 =	sadd.s32 s9, s16;
	s15 =	smax.u32 s17, $0x1;
	s16 =	simm.s32 $0x1  }
0x12: {  	s17 =	simm.s32 $0x5000;
	s21 =	simm.s32 $0xA080;
	s5 =	sadd.s32 s10, s7  }
.Ltmp0:
0x13: {  	s6 =	sadd.s32 s11, s7;
	s7 =	sadd.s32 s13, s24;
	(pc) =	sbr.rel .LBB2_1-.Ltmp0, $4  }
0x14: {  	s9 =	sshrl.u32 s25, $0x3;
	s24 =	sadd.s32 s31, s2;
	s14 =	sadd.s32 $0x3E400, s14  }
0x15: {  	s25 =	simm.s32 $0x0;
	s8 =	sadd.s32 s10, s9;
	s9 =	sadd.s32 s11, s9  }
0x16: {  	s10 =	sshrl.u32 s28, $0x3;
	s11 =	sadd.s32 s30, s2;
	s24 =	sshrl.u32 s24, $0x3  }
0x17: {  	v0 =	vimm.f32 $0.0e+00;
	s10 =	sadd.s32 s13, s10;
	s12 =	sadd.s32 $0x4000, s11;
	s13 =	sadd.s32 $0x8000, s11  }
.LBB2_10:
0x18: {  	[sflag:s16] =	ssyncadd.s32 $0xFFFFC000  }
.LBB2_11:
0x19: {  	s25 =	sadd.s32 $0x1, s25  }
0x1a: {  	s26 =	sshll.u32 s3, $0x6;
	p0 =	sne.s32 s25, s15  }
.Ltmp1:
0x1b: {  	[bflag:$0x0] =	sbarrier.arrive $0xFFFF;
	s26 =	sor.u32 $0x1C01, s26;
	(pc) =	sbr.rel @!p0 .LBB2_12-.Ltmp1, $4  }
0x1c: {  	[hbm:s14], [sflag:s26] =	dma.local [spmem:s24], $0x1400  }
0x1d: {  	_ =	swait.ge [sflag:s16], $0x1400  }
0x1e: {  	[sflag:s16] =	ssyncset.done $0x0  }
0x1f: {  	[sflag:s16] =	ssyncadd.s32 $0xFFFFEC00  }
.LBB2_1:
0x20: {  	[tilespmem:s4], [sflag:$0x1] =	stream.linear.gather [hbm4b:s5+s4], $0x2780, $0x38;
	[tilespmem:$0x18900] =	vst v63  }
0x21: {  	_ =	swait.ge [sflag:s16], $0x2780  }
0x22: {  	[sflag:s16] =	ssyncset.done $0x0  }
0x23: {  	[sflag:s16] =	ssyncadd.s32 $0xFFFFD880  }
0x24: {  	[tilespmem:s17], [sflag:$0x1] =	stream.linear.gather [hbm4b:s6+s4], $0x2780, $0x38;
	[tilespmem:$0x18900] =	vst v63  }
0x25: {  	_ =	swait.ge [sflag:s16], $0x2780  }
0x26: {  	[sflag:s16] =	ssyncset.done $0x0  }
0x27: {  	[sflag:s16] =	ssyncadd.s32 $0xFFFFD880  }
0x28: {  	[tilespmem:s18], [sflag:$0x1] =	stream.linear.gather [hbm4b:s7+s4], $0x80, $0x38;
	[tilespmem:$0x18900] =	vst v63  }
0x29: {  	_ =	swait.ge [sflag:s16], $0x80  }
0x2a: {  	[sflag:s16] =	ssyncset.done $0x0  }
0x2b: {  	[sflag:s16] =	ssyncadd.s32 $0xFFFFFF80  }
0x2c: {  	[tilespmem:s19], [sflag:$0x1] =	stream.linear.gather [hbm4b:s8+s4], $0x2780, $0x38;
	[tilespmem:$0x18900] =	vst v63  }
0x2d: {  	_ =	swait.ge [sflag:s16], $0x2780  }
0x2e: {  	[sflag:s16] =	ssyncset.done $0x0  }
0x2f: {  	[sflag:s16] =	ssyncadd.s32 $0xFFFFD880  }
0x30: {  	[tilespmem:s20], [sflag:$0x1] =	stream.linear.gather [hbm4b:s9+s4], $0x2780, $0x38;
	[tilespmem:$0x18900] =	vst v63  }
0x31: {  	_ =	swait.ge [sflag:s16], $0x2780  }
0x32: {  	[sflag:s16] =	ssyncset.done $0x0  }
0x33: {  	[sflag:s16] =	ssyncadd.s32 $0xFFFFD880  }
0x34: {  	[tilespmem:s21], [sflag:$0x1] =	stream.linear.gather [hbm4b:s10+s4], $0x80, $0x38;
	[tilespmem:$0x18900] =	vst v63  }
0x35: {  	s26 =	sand.u32 $0xFE00, s4;
	s28 =	sand.u32 $0x70, s4;
	_ =	swait.ge [sflag:s16], $0x80  }
0x36: {  	s29 =	sshrl.u32 s26, $0x2;
	s26 =	simm.s32 $0x40;
	[sflag:s16] =	ssyncset.done $0x0  }
0x37: {  	s29 =	sor.u32 s28, s29;
	s28 =	simm.s32 $0x0;
	[sflag:s16] =	ssyncadd.s32 $0xFFFFFF80  }
.LBB2_2:
0x38: {  	p0 =	sne.s32 s26, $0xFFC0  }
0x39: {  	[tilespmem:s29+$0xA100] =	vst v0;
	s28 =	sadd.s32 $0x10, s28;
	s29 =	smov.u32 s26;
	s26 =	sadd.s32 $0x40, s26  }
.Ltmp2:
0x3a: {  	(pc) =	sbr.rel @p0 .LBB2_2-.Ltmp2, $4  }
0x3b: {  	_ = 	snop  }
0x3c: {  	s29 =	sand.u32 $0xFE00, s29  }
0x3d: {  	s30 =	sand.u32 $0x70, s28;
	s29 =	sshrl.u32 s29, $0x2  }
0x3e: {  	s29 =	sor.u32 s30, s29  }
0x3f: {  	[tilespmem:s29+$0xA100] =	vst v0  }
0x40: {  	[spmem:s11] =	stream.linear.scatter [tilespmem:s22], [sflag:$0x1], $0x4000, $0x38;
	[tilespmem:$0x18900] =	vst v63  }
0x41: {  	_ =	swait.ge [sflag:s16], $0x4000  }
0x42: {  	[sflag:s16] =	ssyncset.done $0x0  }
0x43: {  	[sflag:s16] =	ssyncadd.s32 $0xFFFFC000  }
0x44: {  	[spmem:s12] =	stream.linear.scatter [tilespmem:s22], [sflag:$0x1], $0x4000, $0x38;
	[tilespmem:$0x18900] =	vst v63  }
0x45: {  	_ =	swait.ge [sflag:s16], $0x4000  }
0x46: {  	[sflag:s16] =	ssyncset.done $0x0  }
0x47: {  	[sflag:s16] =	ssyncadd.s32 $0xFFFFC000  }
0x48: {  	[spmem:s13] =	stream.linear.scatter [tilespmem:s22], [sflag:$0x1], $0x2800, $0x38;
	[tilespmem:$0x18900] =	vst v63  }
0x49: {  	_ =	swait.ge [sflag:s16], $0x2800  }
0x4a: {  	[sflag:s16] =	ssyncset.done $0x0  }
0x4b: {  	[sflag:s16] =	ssyncadd.s32 $0xFFFFD800  }
0x4c: {  	[bflag:$0x0] =	sbarrier.arrive $0xFFFF  }
0x4d: {  	v1 =	vld [tilespmem:$0xA000];
	_ =	sdelay $0x4  }
0x4e: {  	v1 =	vxor.u32 $0x80000000, v1  }
0x4f: {  	(xrf0) =	vmax.scan.msk.u32 $0xffff, v1;
	_ =	sdelay $0x5  }
0x50: {  	v1, _, _ =	vpop (xrf0)  }
0x51: {  	(v2sf) =	vpush v1, $0xF;
	_ =	sdelay $0xe  }
0x52: {  	s26 =	spop (v2sf)  }
0x53: {  	s29 =	sxor.u32 $0x80000000, s26  }
0x54: {  	p0 =	slt.s32 s29, $0x1  }
.Ltmp3:
0x55: {  	_ = 	snop;
	(pc) =	sbr.rel @p0 .LBB2_7-.Ltmp3, $1  }
0x56: {  	_ =	sdelay $0x3  }
0x57: {  	s26 =	simm.s32 $0x0  }
0x58: {  	[tilespmem:s22], [sflag:$0x1] =	stream.indirect.gather [hbm4b:s1+s23], $0x80, s26, s23, $0xb8;
	[tilespmem:$0x18900] =	vst v63  }
0x59: {  	p0 =	sne.s32 s29, $0x1;
	_ =	swait.ge [sflag:s16], $0x4000  }
.Ltmp4:
0x5a: {  	[sflag:s16] =	ssyncset.done $0x0;
	(pc) =	sbr.rel @!p0 .LBB2_6-.Ltmp4, $4  }
0x5b: {  	s28 =	simm.s32 $0x5000;
	[sflag:s16] =	ssyncadd.s32 $0xFFFFC000  }
0x5c: {  	[spmem:s2] =	stream.indirect.scatter.add.f32 [tilespmem:s22], [sflag:$0x1], $0x80, s28, s23, $0xb8;
	[tilespmem:$0x18900] =	vst v63  }
0x5d: {  	_ =	swait.ge [sflag:s16], $0x4000  }
0x5e: {  	s29 =	sadd.s32 $0xFFFFFFFF, s29;
	[sflag:s16] =	ssyncset.done $0x0  }
.LBB2_5:
0x5f: {  	[sflag:s16] =	ssyncadd.s32 $0xFFFFC000;
	s26 =	sadd.s32 $0x80, s26;
	s28 =	sadd.s32 $0x80, s28  }
0x60: {  	[tilespmem:s22], [sflag:$0x1] =	stream.indirect.gather [hbm4b:s1+s23], $0x80, s26, s23, $0xb8;
	[tilespmem:$0x18900] =	vst v63  }
0x61: {  	p0 =	sne.s32 s29, $0x1;
	s29 =	sadd.s32 $0xFFFFFFFF, s29;
	_ =	swait.ge [sflag:s16], $0x4000  }
.Ltmp5:
0x62: {  	[sflag:s16] =	ssyncset.done $0x0;
	(pc) =	sbr.rel @p0 .LBB2_5-.Ltmp5, $4  }
0x63: {  	[sflag:s16] =	ssyncadd.s32 $0xFFFFC000  }
0x64: {  	[spmem:s2] =	stream.indirect.scatter.add.f32 [tilespmem:s22], [sflag:$0x1], $0x80, s28, s23, $0xb8;
	[tilespmem:$0x18900] =	vst v63  }
0x65: {  	_ =	swait.ge [sflag:s16], $0x4000  }
0x66: {  	[sflag:s16] =	ssyncset.done $0x0  }
.LBB2_6:
0x67: {  	[sflag:s16] =	ssyncadd.s32 $0xFFFFC000  }
.LBB2_7:
0x68: {  	v1 =	vld [tilespmem:$0xA080];
	_ =	sdelay $0x4  }
0x69: {  	v1 =	vxor.u32 $0x80000000, v1  }
0x6a: {  	(xrf0) =	vmax.scan.msk.u32 $0xffff, v1;
	_ =	sdelay $0x5  }
0x6b: {  	v1, _, _ =	vpop (xrf0)  }
0x6c: {  	(v2sf) =	vpush v1, $0xF;
	_ =	sdelay $0xe  }
0x6d: {  	s26 =	spop (v2sf)  }
0x6e: {  	s29 =	sxor.u32 $0x80000000, s26  }
0x6f: {  	p0 =	slt.s32 s29, $0x1  }
.Ltmp6:
0x70: {  	_ = 	snop;
	(pc) =	sbr.rel @p0 .LBB2_11-.Ltmp6, $1  }
0x71: {  	_ =	sdelay $0x3  }
0x72: {  	s26 =	simm.s32 $0x2800  }
0x73: {  	[tilespmem:s22], [sflag:$0x1] =	stream.indirect.gather [hbm4b:s1+s23], $0x80, s26, s23, $0xb8;
	[tilespmem:$0x18900] =	vst v63  }
0x74: {  	p0 =	sne.s32 s29, $0x1;
	_ =	swait.ge [sflag:s16], $0x4000  }
.Ltmp7:
0x75: {  	[sflag:s16] =	ssyncset.done $0x0;
	(pc) =	sbr.rel @!p0 .LBB2_10-.Ltmp7, $4  }
0x76: {  	s28 =	simm.s32 $0x7800;
	[sflag:s16] =	ssyncadd.s32 $0xFFFFC000  }
0x77: {  	[spmem:s2] =	stream.indirect.scatter.add.f32 [tilespmem:s22], [sflag:$0x1], $0x80, s28, s23, $0xb8;
	[tilespmem:$0x18900] =	vst v63  }
0x78: {  	_ =	swait.ge [sflag:s16], $0x4000  }
0x79: {  	s29 =	sadd.s32 $0xFFFFFFFF, s29;
	[sflag:s16] =	ssyncset.done $0x0  }
.LBB2_9:
0x7a: {  	[sflag:s16] =	ssyncadd.s32 $0xFFFFC000;
	s28 =	sadd.s32 $0x80, s28;
	s26 =	sadd.s32 $0x80, s26  }
0x7b: {  	[tilespmem:s22], [sflag:$0x1] =	stream.indirect.gather [hbm4b:s1+s23], $0x80, s26, s23, $0xb8;
	[tilespmem:$0x18900] =	vst v63  }
0x7c: {  	p0 =	sne.s32 s29, $0x1;
	s29 =	sadd.s32 $0xFFFFFFFF, s29;
	_ =	swait.ge [sflag:s16], $0x4000  }
.Ltmp8:
0x7d: {  	[sflag:s16] =	ssyncset.done $0x0;
	(pc) =	sbr.rel @p0 .LBB2_9-.Ltmp8, $4  }
0x7e: {  	[sflag:s16] =	ssyncadd.s32 $0xFFFFC000  }
0x7f: {  	[spmem:s2] =	stream.indirect.scatter.add.f32 [tilespmem:s22], [sflag:$0x1], $0x80, s28, s23, $0xb8;
	[tilespmem:$0x18900] =	vst v63  }
0x80: {  	_ =	swait.ge [sflag:s16], $0x4000  }
0x81: {  	[sflag:s16] =	ssyncset.done $0x0  }
.Ltmp9:
0x82: {  	_ = 	snop;
	(pc) =	sbr.rel .LBB2_10-.Ltmp9, $1  }
0x83: {  	_ =	sdelay $0x3  }
.LBB2_12:
0x84: {  	_ =	sfence.sel $0x180000  }
0x85: {  	[bflag:$0x0] =	sbarrier.arrive $0xFFFF  }
0x86: {  	p0 =	sne.s32 s3, $0x0;
	_ =	strace $0x9000004D  }
0x87: {  	s0 =	sadd.s32 @!p0 $0x100000, s0;
	[bflag:$0x2] =	sbarrier.arrive $0xFFFF  }
0x88: {  	[sflag:s0] =	ssyncadd.tile.s32 @!p0 $0x1;
	_ =	shalt  }
.Lfunc_end2:
_tile_overlayer_lowered:
.L_overlay_start_2:
0x89: {  	(tag) =	ssettag $0x2  }
0x8a: {  	s0 =	rddreg [dreg:$0x0];
	s2 =	stileid.u32  }
0x8b: {  	s1 =	rddreg [dreg:$0x1];
	p0 =	sne.s32 s2, $0x0  }
0x8c: {  	s3 =	rddreg [dreg:$0x2];
	[bflag:$0x3] =	sbarrier.arrive $0xFFFF;
	s2 =	simm.s32 @!p0 $0x1C01  }
0x8d: {  	[timem:s3], [sflag:s2] =	dma.local @!p0 [hbm:s0], s1  }
0x8e: {  	s0 =	simm.s32 @!p0 $0x1  }
0x8f: {  	_ =	swait.ge @!p0 [sflag:s0], s1  }
0x90: {  	s1 =	ssub.s32 @!p0 $0x0, s1;
	[sflag:s0] =	ssyncset.done @!p0 $0x0  }
0x91: {  	[sflag:s0] =	ssyncadd.s32 @!p0 s1  }
0x92: {  	[bflag:$0x3] =	sbarrier.arrive $0xFFFF  }
0x93: {  	_ =	shalt  }

// kernel: kernel.9.cloned.1.call-start
scs
__scs_entry_jumppad:
0x0: {  	(pc) =	sbr.rel $0x88, $3  }
0x1: {  	(tag) =	ssettag $0x0;
	lr =	simm.s32 $0x1  }
0x2: {  	[smem:$0x3F9B] =	sst lr;
	_ =	strace $0xD0000000  }
0x3: {  	_ = 	snop  }
0x4: {  	_ = 	snop  }
0x5: {  	_ = 	snop  }
0x6: {  	_ = 	snop  }
0x7: {  	_ = 	snop  }
__scs_overlays_trampoline_lowered:
0x8: {  	[smem:$0x3FAA] =	sst s0  }
0x9: {  	[smem:$0x3FAB] =	sst s1  }
0xa: {  	[smem:$0x3FAC] =	sst s2  }
0xb: {  	[smem:$0x3FAD] =	sst s3  }
0xc: {  	[smem:$0x3FAE] =	sst s4  }
0xd: {  	[smem:$0x3FAF] =	sst s5  }
0xe: {  	[smem:$0x3FB0] =	sst s6  }
0xf: {  	[smem:$0x3FB1] =	sst s7  }
0x10: {  	[smem:$0x3FB2] =	sst s8  }
0x11: {  	[smem:$0x3FB3] =	sst s9;
	s0 =	simm.s32 @!p0 $0x0  }
0x12: {  	s1 =	sld [smem:$0x3F99];
	s0 =	simm.s32 @p0 $0x1  }
0x13: {  	[smem:$0x3FB4] =	sst s0;
	s0 =	simm.s32 @!p1 $0x0  }
0x14: {  	s2 =	sld [smem:$0x3F98];
	s0 =	simm.s32 @p1 $0x1  }
0x15: {  	[smem:$0x3FB5] =	sst s0;
	s0 =	simm.s32 @!p2 $0x0  }
0x16: {  	s3 =	sld [smem:$0x3FDB];
	s0 =	simm.s32 @p2 $0x1  }
0x17: {  	s4 =	simm.s32 $0x1BF5;
	[smem:$0x3FB7] =	sst s0  }
0x18: {  	s0 =	sld [smem:$0x3F9A];
	_ =	swait.ge [sflag:s4], $0x0  }
0x19: {  	s7 =	sld [smem:$0x3F9B]  }
0x1a: {  	s8 =	sadd.s32 $0xFFFFE003, lr  }
0x1b: {  	s9 =	sadd.s32 $0xFFFFFEF7, lr;
	s5 =	simm.s32 $0xFFFFFFFF;
	p2 =	slt.u32 s8, $0xFFFFF086  }
0x1c: {  	p1 =	slt.u32 s9, $0xF7A;
	s5 =	simm.s32 @!p2 $0x0  }
0x1d: {  	s5 =	simm.s32 @p1 $0x1;
	p0 =	seq.s32 s7, s2  }
0x1e: {  	s7 =	smul.u32 @!p0 $0xF7A, s2;
	p2 =	seq.s32 @!p0 s5, $0x0  }
0x1f: {  	s9 =	smul.u32 $0xF7A, s1;
	s8 =	simm.s32 @!p0 $0x1BF5;
	p2 =	por !p2, p0  }
0x20: {  	[sflag:s8] =	ssyncset.s32 @!p0 $0xFFFFF086;
	s6 =	sadd.s32 @!p0 s3, s7;
	s7 =	simm.s32 @!p0 $0x108  }
0x21: {  	s3 =	sadd.s32 s3, s9;
	s6 =	sadd.s32 @!p0 $0x88, s6;
	s7 =	simm.s32 @p2 $0x1082  }
0x22: {  	[simem:s7], [sflag:s8] =	dma.local @!p0 [hbm:s6], $0xF7A  }
0x23: {  	s9 =	sor.u32 $0xD0000000, s2;
	s6 =	simm.s32 $0x108;
	_ =	swait.ge @!p0 [sflag:s8], $0x0  }
0x24: {  	s3 =	sadd.s32 $0x88, s3;
	s6 =	simm.s32 @!p1 $0x1082;
	[sflag:s4] =	ssyncset.s32 $0xFFFFF086  }
0x25: {  	[simem:s6], [sflag:s4] =	dma.local [hbm:s3], $0xF7A  }
0x26: {  	[smem:$0x3F9B] =	sst s1;
	(tag) =	ssettag s2;
	_ =	strace s9  }
0x27: {  	s1 =	sld [smem:$0x3FAB]  }
0x28: {  	s2 =	sld [smem:$0x3FAC]  }
0x29: {  	s4 =	sld [smem:$0x3FAE]  }
0x2a: {  	p0 =	seq.s32 s5, $0x0;
	s5 =	sld [smem:$0x3FAF]  }
0x2b: {  	s6 =	sld [smem:$0x3FB0]  }
0x2c: {  	s7 =	sld [smem:$0x3FB1]  }
0x2d: {  	s3 =	simm.s32 $0x108;
	s8 =	sld [smem:$0x3FB2]  }
0x2e: {  	s3 =	simm.s32 @!p0 $0x1082;
	s9 =	sld [smem:$0x3FB3]  }
0x2f: {  	lr =	sadd.s32 s0, s3;
	s0 =	sld [smem:$0x3FAA]  }
0x30: {  	s3 =	sld [smem:$0x3FAD]  }
0x31: {  	[smem:$0x3FB6] =	sst s10  }
0x32: {  	s10 =	sld [smem:$0x3FB4];
	_ =	sdelay $0x3  }
0x33: {  	p0 =	seq.s32 s10, $0x1;
	s10 =	sld [smem:$0x3FB6];
	_ =	sdelay $0x3  }
0x34: {  	[smem:$0x3FB6] =	sst s10  }
0x35: {  	s10 =	sld [smem:$0x3FB5];
	_ =	sdelay $0x3  }
0x36: {  	p1 =	seq.s32 s10, $0x1;
	s10 =	sld [smem:$0x3FB6];
	_ =	sdelay $0x3  }
0x37: {  	[smem:$0x3FB6] =	sst s10  }
0x38: {  	s10 =	sld [smem:$0x3FB7]  }
0x39: {  	_ = 	snop;
	(pc) =	sbr.ind lr, $3  }
0x3a: {  	_ = 	snop  }
0x3b: {  	_ = 	snop  }
0x3c: {  	p2 =	seq.s32 s10, $0x1;
	s10 =	sld [smem:$0x3FB6]  }
0x3d: {  	_ =	shalt  }
0x3e: {  	_ =	shalt  }
0x3f: {  	_ =	shalt  }
0x40: {  	_ =	shalt  }
0x41: {  	_ =	shalt  }
0x42: {  	_ =	shalt  }
0x43: {  	_ =	shalt  }
0x44: {  	_ =	shalt  }
0x45: {  	_ =	shalt  }
0x46: {  	_ =	shalt  }
0x47: {  	_ =	shalt  }
0x48: {  	_ =	shalt  }
0x49: {  	_ =	shalt  }
0x4a: {  	_ =	shalt  }
0x4b: {  	_ =	shalt  }
0x4c: {  	_ =	shalt  }
0x4d: {  	_ =	shalt  }
0x4e: {  	_ =	shalt  }
0x4f: {  	_ =	shalt  }
0x50: {  	_ =	shalt  }
0x51: {  	_ =	shalt  }
0x52: {  	_ =	shalt  }
0x53: {  	_ =	shalt  }
0x54: {  	_ =	shalt  }
0x55: {  	_ =	shalt  }
0x56: {  	_ =	shalt  }
0x57: {  	_ =	shalt  }
0x58: {  	_ =	shalt  }
0x59: {  	_ =	shalt  }
0x5a: {  	_ =	shalt  }
0x5b: {  	_ =	shalt  }
0x5c: {  	_ =	shalt  }
0x5d: {  	_ =	shalt  }
0x5e: {  	_ =	shalt  }
0x5f: {  	_ =	shalt  }
0x60: {  	_ =	shalt  }
0x61: {  	_ =	shalt  }
0x62: {  	_ =	shalt  }
0x63: {  	_ =	shalt  }
0x64: {  	_ =	shalt  }
0x65: {  	_ =	shalt  }
0x66: {  	_ =	shalt  }
0x67: {  	_ =	shalt  }
0x68: {  	_ =	shalt  }
0x69: {  	_ =	shalt  }
0x6a: {  	_ =	shalt  }
0x6b: {  	_ =	shalt  }
0x6c: {  	_ =	shalt  }
0x6d: {  	_ =	shalt  }
0x6e: {  	_ =	shalt  }
0x6f: {  	_ =	shalt  }
0x70: {  	_ =	shalt  }
0x71: {  	_ =	shalt  }
0x72: {  	_ =	shalt  }
0x73: {  	_ =	shalt  }
0x74: {  	_ =	shalt  }
0x75: {  	_ =	shalt  }
0x76: {  	_ =	shalt  }
0x77: {  	_ =	shalt  }
0x78: {  	_ =	shalt  }
0x79: {  	_ =	shalt  }
0x7a: {  	_ =	shalt  }
0x7b: {  	_ =	shalt  }
0x7c: {  	_ =	shalt  }
0x7d: {  	_ =	shalt  }
0x7e: {  	_ =	shalt  }
0x7f: {  	_ =	shalt  }
0x80: {  	_ =	shalt  }
0x81: {  	_ =	shalt  }
0x82: {  	_ =	shalt  }
0x83: {  	_ =	shalt  }
0x84: {  	_ =	shalt  }
0x85: {  	_ =	shalt  }
0x86: {  	_ =	shalt  }
0x87: {  	_ =	shalt  }
.Lfunc_end0:
.L_simem_size_0:
called_computation_lowered:
.L_overlay_start_0:
0x88: {  	s2 =	sld [smem:$0x3FD9]  }
0x89: {  	s3 =	sld [smem:$0x3FFE];
	_ =	sdelay $0x1  }
0x8a: {  	s1 =	srdreg.scid  }
0x8b: {  	s0 =	sand.u32 $0x1, s1  }
0x8c: {  	s17 =	sshll.u32 s0, $0xA;
	s2 =	sadd.s32 s3, s2  }
0x8d: {  	s2 =	sadd.s32 s2, s17  }
0x8e: {  	[smem:$0x3FC2] =	sst s2  }
0x8f: {  	_ = 	snop  }
0x90: {  	s2 =	sld [smem:$0x3FD0];
	(tm) =	ssettm $0x1  }
0x91: {  	s18 =	sld [smem:$0x3FFB];
	_ =	sdelay $0x3  }
0x92: {  	_ =	strace s18  }
0x93: {  	s3 =	sld [smem:$0x3FFC];
	_ =	sdelay $0x3  }
0x94: {  	_ =	strace s3  }
0x95: {  	s3 =	sld [smem:$0x3FFD];
	_ =	sdelay $0x3  }
0x96: {  	_ =	strace s3  }
0x97: {  	_ =	strace $0x8FFFFFFF  }
0x98: {  	s19 =	sld [smem:$0x3FDB];
	_ =	sdelay $0x1  }
0x99: {  	s4 =	simm.s32 $_scs_section_size  }
0x9a: {  	s5 =	simm.s32 $_size__tile_overlayer_lowered;
	s6 =	simm.s32 $_tile_overlayer_lowered  }
0x9b: {  	s22 =	simm.s32 $0x1BFF;
	s21 =	sshll.u32 s6, $0x1;
	s3 =	sadd.s32 s4, s19  }
0x9c: {  	s7 =	simm.s32 $0x0;
	s20 =	sshll.u32 s5, $0x1;
	s5 =	sadd.s32 s21, s3  }
0x9d: {  	[timem:s7], [sflag:s22] =	dma.local [hbm:s5], s20  }
0x9e: {  	_ =	swait.ge [sflag:s22], s20  }
0x9f: {  	s4 =	ssub.s32 $0x0, s20;
	[sflag:s22] =	ssyncset.done $0x0  }
0xa0: {  	[sflag:s22] =	ssyncadd.s32 s4;
	_ =	sdelay $0x1  }
0xa1: {  	s23 =	simm.s32 $0x1B8B  }
0xa2: {  	_ =	swait.ge [sflag:s23], $0x1  }
0xa3: {  	[sflag:s23] =	ssyncset.done $0x0  }
0xa4: {  	s25 =	simm.s32 $0x1B8E;
	s24 =	sld [smem:$0x3FFE];
	[sflag:s23] =	ssyncadd.s32 $0xFFFFFFFF  }
0xa5: {  	s26 =	simm.s32 $execute0_lowered;
	[smem:$0x3FD2] =	sst s25  }
0xa6: {  	s5 =	sshll.u32 s26, $0x1;
	_ =	strace $0x80000046;
	[dreg:$0x1] =	wrdreg $0xFFFFFFFF  }
0xa7: {  	s28 =	simm.s32 $_size_execute0_lowered;
	s3 =	sadd.s32 s3, s5;
	[dreg:$0x0] =	wrdreg $0x0  }
0xa8: {  	s5 =	sshll.u32 s28, $0x1;
	[dreg:$0x2] =	wrdreg s3  }
0xa9: {  	[dreg:$0x3] =	wrdreg s5  }
0xaa: {  	[dreg:$0x4] =	wrdreg $0xC0  }
0xab: {  	_ =	task [dreg:s7], $0x5FFFF  }
0xac: {  	[dreg:$0x1] =	wrdreg $0xFFFFFFFF  }
0xad: {  	[dreg:$0x0] =	wrdreg $0x60  }
0xae: {  	[dreg:$0x2] =	wrdreg s2  }
0xaf: {  	[dreg:$0x3] =	wrdreg s24  }
0xb0: {  	[dreg:$0x4] =	wrdreg $0x9  }
0xb1: {  	_ =	task.clear_ibuf [dreg:s7], $0x5FFFF;
	_ =	strace $0x90000046  }
0xb2: {  	s29 =	simm.s32 $0x9;
	_ =	strace $0x80000048  }
0xb3: {  	_ =	swait.ge [sflag:s29], $0x1  }
0xb4: {  	[sflag:s29] =	ssyncadd.s32 $0xFFFFFFFF  }
0xb5: {  	_ =	strace $0x90000048  }
0xb6: {  	_ =	sfence  }
0xb7: {  	s30 =	sld [smem:$0x0];
	_ =	sdelay $0x2  }
0xb8: {  	s31 =	sshll.u32 s1, $0xD;
	s1 =	sshrl.u32 s1, $0x2  }
0xb9: {  	s3 =	sand.u32 $0x4000, s31;
	s1 =	sadd.s32 s1, s30  }
0xba: {  	s0 =	sor.u32 s3, s0;
	s1 =	sshll.u32 s1, $0x11  }
0xbb: {  	s0 =	sor.u32 s1, s0  }
0xbc: {  	s0 =	sadd.s32 $0x8F2B, s0  }
0xbd: {  	[sflag:s0] =	ssyncadd.remote.s32 $0x1  }
0xbe: {  	_ =	sfence.sel $0xFFFF  }
0xbf: {  	[dreg:$0x0] =	wrdreg $0xFFFFFFFF;
	(pc) =	sbr.abs _section_cstart, $3  }
0xc0: {  	[dreg:$0x1] =	wrdreg $0xFFFFFFFF  }
0xc1: {  	_ =	task.clear_ibuf [dreg:s7], $0x2FFFF;
	_ =	strace $0x9FFFFFFF  }
0xc2: {  	(tm) =	ssettm $0x7FFFFFFF  }
0xc3: {  	_ =	shalt  }
tec
execute0_lowered:
.L_overlay_start_1:
0x0: {  	(tag) =	ssettag $0x1  }
0x1: {  	s4 =	rddreg [dreg:$0x0]  }
0x2: {  	s3 =	rddreg [dreg:$0x1];
	s2 =	simm.s32 $0x0  }
0x3: {  	s5 =	srdreg.scid;
	s1 =	stileid.u32;
	s15 =	simm.s32 $0x4F00  }
0x4: {  	s16 =	simm.s32 $0x7680;
	s17 =	simm.s32 $0x80;
	s18 =	simm.s32 $0x100  }
0x5: {  	s19 =	simm.s32 $0x9E00;
	s20 =	simm.s32 $0xC580;
	s21 =	simm.s32 $0xED00  }
0x6: {  	s22 =	simm.s32 $0x11480;
	s23 =	simm.s32 $0x13C00;
	s24 =	simm.s32 $0x13C80  }
0x7: {  	[smem:$0x7FF] =	sst s2;
	s5 =	sand.u32 $0x1, s5;
	s6 =	sshll.u32 s1, $0x1  }
0x8: {  	s7 =	sadd.s32 $0x2C00, s3;
	s8 =	sshrl.u32 s1, $0x2;
	s9 =	sadd.s32 $0x16800, s3  }
0x9: {  	s11 =	sadd.s32 $0x2A400, s3;
	_ =	strace $0x80000047;
	s6 =	sor.u32 s5, s6  }
0xa: {  	s8 =	smul.u32 $0x13C00, s8;
	s25 =	ssub.s32 $0x2, s5;
	s10 =	sshll.u32 s6, $0x7  }
0xb: {  	s12 =	sshll.u32 s6, $0x5;
	s28 =	sshrl.u32 s25, $0x1;
	s13 =	smul.u32 $0x9E0, s6  }
0xc: {  	s10 =	sand.u32 $0x380, s10;
	s12 =	sadd.s32 s12, s3;
	s14 =	ssub.s32 s25, s28  }
0xd: {  	s25 =	simm.s32 $0x0;
	s26 =	sor.u32 s8, s10;
	s31 =	sor.u32 $0x10, s13  }
0xe: {  	s5 =	sadd.s32 s7, s13;
	s10 =	sadd.s32 $0x4F000, s26;
	s29 =	sshrl.u32 s26, $0x3  }
0xf: {  	s6 =	sadd.s32 s7, s31;
	s7 =	sadd.s32 s9, s13;
	s8 =	sadd.s32 s9, s31  }
0x10: {  	s9 =	sadd.s32 s11, s13;
	s13 =	smax.u32 s14, $0x1;
	s14 =	simm.s32 $0x1  }
0x11: {  	v0 =	vimm.f32 $0.0e+00;
	s30 =	sshrl.u32 s10, $0x3;
	s3 =	sadd.s32 s4, s29;
	s10 =	sadd.s32 s11, s31  }
0x12: {  	v1 =	vimm.s32 $0x0;
	v2 =	vimm.s32 $0x1400;
	v3 =	vimm.f32 $1.000000000e+00;
	s11 =	sadd.s32 $0x3E000, s12;
	s12 =	sadd.s32 $0x3E010, s12;
	s4 =	sadd.s32 s4, s30  }
.LBB2_1:
0x13: {  	s26 =	simm.s32 $0x80  }
0x14: {  	s30 =	sadd.s32 $0x0, s3;
	s28 =	simm.s32 $0x100;
	s29 =	simm.s32 $0x0  }
.LBB2_2:
0x15: {  	[tilespmem:s29], [sflag:$0x1] =	stream.linear.gather [hbm4b:s30+s2], $0x80, $0x38;
	[tilespmem:$0x13D00] =	vst v63  }
0x16: {  	s30 =	smov.u32 s26;
	s29 =	smov.u32 s28;
	p0 =	sne.s32 s26, $0x2700  }
.Ltmp0:
0x17: {  	s26 =	sadd.s32 $0x80, s26;
	(pc) =	sbr.rel @p0 .LBB2_2-.Ltmp0, $2  }
0x18: {  	_ =	sdelay $0x2  }
0x19: {  	s28 =	sadd.s32 $0x100, s28;
	s30 =	sadd.s32 s30, s3  }
0x1a: {  	[tilespmem:s29], [sflag:$0x1] =	stream.linear.gather [hbm4b:s30+s2], $0x80, $0x38;
	[tilespmem:$0x13D00] =	vst v63  }
0x1b: {  	_ =	swait.ge [sflag:s14], $0x2780  }
0x1c: {  	s26 =	simm.s32 $0x80;
	s28 =	simm.s32 $0x80;
	[sflag:s14] =	ssyncset.done $0x0  }
0x1d: {  	s30 =	sadd.s32 $0x0, s4;
	s29 =	simm.s32 $0x180;
	[sflag:s14] =	ssyncadd.s32 $0xFFFFD880  }
.LBB2_4:
0x1e: {  	[tilespmem:s26], [sflag:$0x1] =	stream.linear.gather [hbm4b:s30+s2], $0x80, $0x38;
	[tilespmem:$0x13D00] =	vst v63  }
0x1f: {  	s30 =	smov.u32 s28;
	s26 =	smov.u32 s29;
	p0 =	sne.s32 s28, $0x2700  }
.Ltmp1:
0x20: {  	s28 =	sadd.s32 $0x80, s28;
	(pc) =	sbr.rel @p0 .LBB2_4-.Ltmp1, $2  }
0x21: {  	_ =	sdelay $0x2  }
0x22: {  	s29 =	sadd.s32 $0x100, s29;
	s30 =	sadd.s32 s30, s4  }
0x23: {  	[tilespmem:s26], [sflag:$0x1] =	stream.linear.gather [hbm4b:s30+s2], $0x80, $0x38;
	[tilespmem:$0x13D00] =	vst v63  }
0x24: {  	_ =	swait.ge [sflag:s14], $0x2780  }
0x25: {  	s26 =	simm.s32 $0x0;
	[sflag:s14] =	ssyncset.done $0x0  }
0x26: {  	s28 =	simm.s32 $0x40;
	s29 =	simm.s32 $0x0;
	[sflag:s14] =	ssyncadd.s32 $0xFFFFD880  }
.LBB2_6:
0x27: {  	p0 =	sne.s32 s28, $0x9C00;
	[tilespmem:s29+$0x4F00] =	vst v0;
	s30 =	smov.u32 s28;
	s28 =	sadd.s32 $0x40, s28  }
.Ltmp2:
0x28: {  	[tilespmem:s29+$0x7680] =	vst v0;
	(pc) =	sbr.rel @p0 .LBB2_6-.Ltmp2, $2  }
0x29: {  	_ =	sdelay $0x2  }
0x2a: {  	s29 =	sshra.s32 s30, $0x2  }
0x2b: {  	[tilespmem:s29+$0x4F00] =	vst v0  }
0x2c: {  	[tilespmem:s29+$0x7680] =	vst v0  }
.LBB2_8:
0x2d: {  	p0 =	sne.s32 s26, $0x9DC0  }
.Ltmp3:
0x2e: {  	s28 =	sshra.s32 s26, $0x2;
	(pc) =	sbr.rel @p0 .LBB2_8-.Ltmp3, $4  }
0x2f: {  	[tilespmem:s28+$0x9E00] =	vst v1  }
0x30: {  	[tilespmem:s28+$0xC580] =	vst v1  }
0x31: {  	[tilespmem:s28+$0xED00] =	vst v2  }
0x32: {  	s26 =	sadd.s32 $0x40, s26;
	[tilespmem:s28+$0x11480] =	vst v2  }
0x33: {  	s26 =	simm.s32 $0x0  }
0x34: {  	s28 =	sand.u32 $0x70, s26;
	s29 =	sand.u32 $0x7F00, s26  }
0x35: {  	s28 =	sor.u32 s28, s29  }
0x36: {  	v4 =	vld [tilespmem:s28+$0x80];
	_ =	sdelay $0x4  }
0x37: {  	v6 =	vld [tilespmem:s28+$0x0];
	vm0 =	vlt.s32 v4, $0x1400  }
0x38: {  	v5 =	vsel vm0, $0x1, v1  }
0x39: {  	(xrf0) =	vadd.scan.msk.s32 $0xffff, v5;
	_ =	sdelay $0x5  }
0x3a: {  	[tilespmem:v6+s15+$0x0] =	vst.idx.add.f32.msk $0xffff, v3;
	v5, _, _ =	vpop (xrf0)  }
0x3b: {  	[tilespmem:v4+s16+$0x0] =	vst.idx.add.f32.msk $0xffff, v3;
	(v2sf) =	vpush v5, $0xF  }
0x3c: {  	[tilespmem:s26+$0x9E00] =	vst.msk vm0, v6  }
0x3d: {  	s29 =	simm.s32 $0x10;
	s28 =	simm.s32 $0x20;
	vm1 =	vge.s32 v4, $0x1400;
	[tilespmem:s26+$0xED00] =	vst.msk vm0, v4  }
0x3e: {  	s29 =	sand.u32 $0x70, s29;
	s30 =	sand.u32 $0x7F00, s28;
	v4 =	vadd.s32 $0xFFFFEC00, v4;
	[tilespmem:s26+$0xC580] =	vst.msk vm1, v6  }
0x3f: {  	s31 =	sor.u32 s29, s30;
	[tilespmem:s26+$0x11480] =	vst.msk vm1, v4  }
0x40: {  	v4 =	vld [tilespmem:s31+$0x80];
	_ =	sdelay $0x1  }
0x41: {  	v5 =	vld [tilespmem:s31+$0x0];
	_ =	sdelay $0x2  }
0x42: {  	vm0 =	vlt.s32 v4, $0x1400  }
0x43: {  	v6 =	vsel vm0, $0x1, v1  }
0x44: {  	(xrf0) =	vadd.scan.msk.s32 $0xffff, v6;
	_ =	sdelay $0x2  }
0x45: {  	[tilespmem:v5+s15+$0x0] =	vst.idx.add.f32.msk $0xffff, v3;
	s30 =	spop (v2sf)  }
0x46: {  	s29 =	simm.s32 $0x20;
	[tilespmem:v4+s16+$0x0] =	vst.idx.add.f32.msk $0xffff, v3;
	s26 =	sadd.s32 $0x0, s30;
	s30 =	ssub.s32 $0x0, s30  }
.LBB2_10:
0x47: {  	p0 =	sne.s32 s29, $0x2700  }
0x48: {  	[tilespmem:s26+$0x9E00] =	vst.msk vm0, v5;
	v6, _, _ =	vpop (xrf0);
	s30 =	sadd.s32 $0x10, s30;
	s31 =	smov.u32 s29;
	s29 =	sadd.s32 $0x10, s29  }
0x49: {  	vm1 =	vge.s32 v4, $0x1400;
	[tilespmem:s26+$0xED00] =	vst.msk vm0, v4;
	(v2sf) =	vpush v6, $0xF  }
0x4a: {  	s28 =	sadd.s32 $0x20, s28;
	v4 =	vadd.s32 $0xFFFFEC00, v4;
	[tilespmem:s30+$0xC580] =	vst.msk vm1, v5  }
0x4b: {  	s31 =	sand.u32 $0x70, s31;
	s0 =	sand.u32 $0x7F00, s28;
	[tilespmem:s30+$0x11480] =	vst.msk vm1, v4  }
0x4c: {  	s0 =	sor.u32 s31, s0  }
0x4d: {  	v4 =	vld [tilespmem:s0+$0x80];
	_ =	sdelay $0x2  }
0x4e: {  	v5 =	vld [tilespmem:s0+$0x0];
	_ =	sdelay $0x1  }
0x4f: {  	vm0 =	vlt.s32 v4, $0x1400  }
0x50: {  	v6 =	vsel vm0, $0x1, v1  }
0x51: {  	(xrf0) =	vadd.scan.msk.s32 $0xffff, v6  }
.Ltmp4:
0x52: {  	(pc) =	sbr.rel @p0 .LBB2_10-.Ltmp4, $3  }
0x53: {  	_ =	sdelay $0x1  }
0x54: {  	[tilespmem:v5+s15+$0x0] =	vst.idx.add.f32.msk $0xffff, v3;
	s0 =	spop (v2sf)  }
0x55: {  	[tilespmem:v4+s16+$0x0] =	vst.idx.add.f32.msk $0xffff, v3;
	s26 =	sadd.s32 s26, s0;
	s30 =	ssub.s32 s30, s0  }
0x56: {  	v6, _, _ =	vpop (xrf0)  }
0x57: {  	(v2sf) =	vpush v6, $0xF;
	_ =	sdelay $0xe  }
0x58: {  	s0 =	spop (v2sf)  }
0x59: {  	s29 =	sadd.s32 $0x10, s30;
	[tilespmem:s26+$0x9E00] =	vst.msk vm0, v5;
	s28 =	sadd.s32 s26, s0  }
0x5a: {  	[tilespmem:s26+$0xED00] =	vst.msk vm0, v4;
	s0 =	ssub.s32 s29, s0;
	s26 =	simm.s32 $0x1;
	s28 =	sadd.s32 $0x7F, s28  }
0x5b: {  	s0 =	sadd.s32 $0x10, s0;
	s30 =	sand.u32 $0x7F, s28;
	s31 =	sshra.s32 s28, $0x1F  }
0x5c: {  	p0 =	slt.s32 s28, $0x1;
	s0 =	sadd.s32 $0x7F, s0;
	p1 =	sne.s32 s30, $0x0  }
0x5d: {  	s30 =	sshrl.u32 s31, $0x19;
	s31 =	simm.s32 $0x1;
	p6 =	slt.s32 s0, $0x1  }
0x5e: {  	p0 =	por !p0, !p1;
	s28 =	sadd.s32 s30, s28;
	s30 =	sand.u32 $0x7F, s0  }
0x5f: {  	p0 =	por !p0, !p0;
	p5 =	sne.s32 s30, $0x0;
	s30 =	sshra.s32 s0, $0x1F  }
0x60: {  	s31 =	simm.s32 @!p0 $0x0;
	s30 =	sshrl.u32 s30, $0x19;
	p0 =	por !p6, !p5  }
0x61: {  	vm15 =	vge.s32 v4, $0x1400;
	s28 =	sshra.s32 s28, $0x7;
	s0 =	sadd.s32 s30, s0;
	p0 =	por !p0, !p0  }
0x62: {  	v4 =	vadd.s32 $0xFFFFEC00, v4;
	[tilespmem:s29+$0xC580] =	vst.msk vm15, v5;
	s28 =	ssub.s32 s28, s31;
	s0 =	sshra.s32 s0, $0x7;
	s26 =	simm.s32 @!p0 $0x0  }
0x63: {  	[tilespmem:s29+$0x11480] =	vst.msk vm15, v4;
	v4 =	vmov s28;
	s0 =	ssub.s32 s0, s26  }
0x64: {  	[tilespmem:$0x13C00] =	vst v4;
	v4 =	vmov s0  }
0x65: {  	[tilespmem:$0x13C80] =	vst v4  }
0x66: {  	[hbm4b:s5+s17] =	stream.strided.scatter [tilespmem:s15], [sflag:$0x1], $0x2780, s18, s17, $0x38;
	[tilespmem:$0x13D00] =	vst v63  }
0x67: {  	_ =	swait.ge [sflag:s14], $0x2780  }
0x68: {  	[sflag:s14] =	ssyncset.done $0x0  }
0x69: {  	[sflag:s14] =	ssyncadd.s32 $0xFFFFD880  }
0x6a: {  	[hbm4b:s6+s17] =	stream.strided.scatter [tilespmem:s16], [sflag:$0x1], $0x2780, s18, s17, $0x38;
	[tilespmem:$0x13D00] =	vst v63  }
0x6b: {  	_ =	swait.ge [sflag:s14], $0x2780  }
0x6c: {  	[sflag:s14] =	ssyncset.done $0x0  }
0x6d: {  	[sflag:s14] =	ssyncadd.s32 $0xFFFFD880  }
0x6e: {  	[hbm4b:s7+s17] =	stream.strided.scatter [tilespmem:s19], [sflag:$0x1], $0x2780, s18, s17, $0x38;
	[tilespmem:$0x13D00] =	vst v63  }
0x6f: {  	_ =	swait.ge [sflag:s14], $0x2780  }
0x70: {  	[sflag:s14] =	ssyncset.done $0x0  }
0x71: {  	[sflag:s14] =	ssyncadd.s32 $0xFFFFD880  }
0x72: {  	[hbm4b:s8+s17] =	stream.strided.scatter [tilespmem:s20], [sflag:$0x1], $0x2780, s18, s17, $0x38;
	[tilespmem:$0x13D00] =	vst v63  }
0x73: {  	_ =	swait.ge [sflag:s14], $0x2780  }
0x74: {  	[sflag:s14] =	ssyncset.done $0x0  }
0x75: {  	[sflag:s14] =	ssyncadd.s32 $0xFFFFD880  }
0x76: {  	[hbm4b:s9+s17] =	stream.strided.scatter [tilespmem:s21], [sflag:$0x1], $0x2780, s18, s17, $0x38;
	[tilespmem:$0x13D00] =	vst v63  }
0x77: {  	_ =	swait.ge [sflag:s14], $0x2780  }
0x78: {  	[sflag:s14] =	ssyncset.done $0x0  }
0x79: {  	[sflag:s14] =	ssyncadd.s32 $0xFFFFD880  }
0x7a: {  	[hbm4b:s10+s17] =	stream.strided.scatter [tilespmem:s22], [sflag:$0x1], $0x2780, s18, s17, $0x38;
	[tilespmem:$0x13D00] =	vst v63  }
0x7b: {  	_ =	swait.ge [sflag:s14], $0x2780  }
0x7c: {  	[sflag:s14] =	ssyncset.done $0x0  }
0x7d: {  	[sflag:s14] =	ssyncadd.s32 $0xFFFFD880  }
0x7e: {  	[hbm4b:s11+s2] =	stream.linear.scatter [tilespmem:s23], [sflag:$0x1], $0x80, $0x38;
	[tilespmem:$0x13D00] =	vst v63  }
0x7f: {  	s25 =	sadd.s32 $0x1, s25;
	_ =	swait.ge [sflag:s14], $0x80  }
0x80: {  	p0 =	sne.s32 s25, s13;
	[sflag:s14] =	ssyncset.done $0x0  }
.Ltmp5:
0x81: {  	[sflag:s14] =	ssyncadd.s32 $0xFFFFFF80;
	(pc) =	sbr.rel @p0 .LBB2_1-.Ltmp5, $4  }
0x82: {  	[hbm4b:s12+s2] =	stream.linear.scatter [tilespmem:s24], [sflag:$0x1], $0x80, $0x38;
	[tilespmem:$0x13D00] =	vst v63  }
0x83: {  	_ =	swait.ge [sflag:s14], $0x80  }
0x84: {  	[sflag:s14] =	ssyncset.done $0x0  }
0x85: {  	[sflag:s14] =	ssyncadd.s32 $0xFFFFFF80  }
0x86: {  	_ =	sfence.sel $0x180000  }
0x87: {  	[bflag:$0x0] =	sbarrier.arrive $0xFFFF  }
0x88: {  	_ =	strace $0x90000047  }
0x89: {  	[bflag:$0x2] =	sbarrier.arrive $0xFFFF  }
0x8a: {  	p0 =	sne.s32 s1, $0x0;
	s0 =	rddreg [dreg:$0x2]  }
0x8b: {  	s0 =	sadd.s32 @!p0 $0x100000, s0  }
0x8c: {  	[sflag:s0] =	ssyncadd.tile.s32 @!p0 $0x1;
	_ =	shalt  }
.Lfunc_end2:
_tile_overlayer_lowered:
.L_overlay_start_2:
0x8d: {  	(tag) =	ssettag $0x2  }
0x8e: {  	s0 =	rddreg [dreg:$0x0];
	s2 =	stileid.u32  }
0x8f: {  	s1 =	rddreg [dreg:$0x1];
	p0 =	sne.s32 s2, $0x0  }
0x90: {  	s3 =	rddreg [dreg:$0x2];
	[bflag:$0x3] =	sbarrier.arrive $0xFFFF;
	s2 =	simm.s32 @!p0 $0x1C01  }
0x91: {  	[timem:s3], [sflag:s2] =	dma.local @!p0 [hbm:s0], s1  }
0x92: {  	s0 =	simm.s32 @!p0 $0x1  }
0x93: {  	_ =	swait.ge @!p0 [sflag:s0], s1  }
0x94: {  	s1 =	ssub.s32 @!p0 $0x0, s1;
	[sflag:s0] =	ssyncset.done @!p0 $0x0  }
0x95: {  	[sflag:s0] =	ssyncadd.s32 @!p0 s1  }
0x96: {  	[bflag:$0x3] =	sbarrier.arrive $0xFFFF  }
0x97: {  	_ =	shalt  }

</sc_bundles>
